<compile_context>
chip_gen: v7x
topology: tpu7x:2x2x1
jax: 0.10.2.dev20260603
libtpu: 0.0.44.dev20260713+nightly
codegen_flags: <defaults>
</compile_context>

<pallas_src>
import functools

import jax
import jax.numpy as jnp
from jax import lax
from jax.experimental import pallas as pl
from jax.experimental.pallas import tpu as pltpu
from jax.experimental.pallas import tpu_sc as plsc

N = 10000
D = 128
E = 320000
G = 64
EPS = 1e-5

NC = 2
NS = 16
NW = NC * NS
CHUNK = 128
CW0 = 80
CW1 = 80
NPH = 2
TOTAL_CHUNKS = NS * (CW0 + CW1)
E_PAD = TOTAL_CHUNKS * CHUNK
ACC_ROWS = 10112
SLAB = ACC_ROWS // NS

RB = 2000
NB = N // RB

def _sc_scatter_body(h_hbm, src_hbm, dst_hbm, out_hbm,
                     src_v, dst_v, rows_v, acc, sem0, sem1):
    c = lax.axis_index("c")
    s = lax.axis_index("s")

    zv = jnp.zeros((16,), jnp.float32)

    def _zrow(r, carry):
        for cc in range(D // 16):
            rows_v[0, r, pl.ds(cc * 16, 16)] = zv
        return carry

    lax.fori_loop(0, CHUNK, _zrow, 0)
    for k in range(SLAB // CHUNK):
        pltpu.sync_copy(rows_v.at[0],
                        acc.at[pl.ds(s * SLAB + k * CHUNK, CHUNK)])
    rem = SLAB % CHUNK
    pltpu.sync_copy(rows_v.at[0].at[pl.ds(0, rem)],
                    acc.at[pl.ds(s * SLAB + (SLAB // CHUNK) * CHUNK, rem)])

    sems = (sem0, sem1)

    def _start(j, b):
        pltpu.async_copy(h_hbm.at[src_v.at[j]], rows_v.at[b], sems[b])

    def _wait(j, b):
        pltpu.make_async_copy(h_hbm.at[src_v.at[j]], rows_v.at[b],
                              sems[b]).wait()

    def _scatter(j, b):
        pltpu.sync_copy(rows_v.at[b], acc.at[dst_v.at[j]], add=True)

    cwp = CW0 // NPH

    def _stage(ph):
        base_chunk = c * (NS * CW0) + s * CW0 + ph * cwp
        pltpu.sync_copy(src_hbm.at[pl.ds(base_chunk, cwp)],
                        src_v.at[pl.ds(0, cwp)])
        pltpu.sync_copy(dst_hbm.at[pl.ds(base_chunk, cwp)],
                        dst_v.at[pl.ds(0, cwp)])

    def _ring():
        def _body(jh, carry):
            j0 = jh * 2
            for b in range(2):
                j = j0 + b
                _wait(j, b)
                _scatter(j, b)
                _start(j + 2, b)
            return carry

        lax.fori_loop(0, (cwp - 2) // 2, _body, 0)
        for b in range(2):
            j = cwp - 2 + b
            _wait(j, b)
            _scatter(j, b)

    _stage(0)
    _start(0, 0)
    _start(1, 1)
    plsc.subcore_barrier()
    _ring()
    for ph in range(1, NPH):
        _stage(ph)
        _start(0, 0)
        _start(1, 1)
        _ring()
    plsc.subcore_barrier()

    base = s * SLAB
    pltpu.sync_copy(acc.at[pl.ds(base, SLAB)],
                    out_hbm.at[c, pl.ds(base, SLAB)])


@functools.cache
def _sc_scatter_kernel():
    mesh = plsc.VectorSubcoreMesh(core_axis_name="c", subcore_axis_name="s",
                                  num_cores=NC, num_subcores=NS)
    return pl.kernel(
        _sc_scatter_body,
        out_type=jax.ShapeDtypeStruct((NC, ACC_ROWS, D), jnp.float32),
        mesh=mesh,
        scratch_types=[
            pltpu.VMEM((CW1 // NPH, CHUNK), jnp.int32),
            pltpu.VMEM((CW1 // NPH, CHUNK), jnp.int32),
            pltpu.VMEM((2, CHUNK, D), jnp.float32),
            pltpu.VMEM_SHARED((ACC_ROWS, D), jnp.float32),
            pltpu.SemaphoreType.DMA,
            pltpu.SemaphoreType.DMA,
        ],
    )


def _layer_body(x_ref, p_ref, wa_ref, ba_ref, wb_ref, bb_ref, g_ref, be_ref,
                b3_ref, hbn_ref, pool_ref, h_s, sum_s, ssq_s):
    ph = pl.program_id(0)
    i = pl.program_id(1)

    @pl.when((ph == 0) & (i == 0))
    def _():
        sum_s[...] = jnp.zeros_like(sum_s)
        ssq_s[...] = jnp.zeros_like(ssq_s)

    @pl.when(ph == 0)
    def _():
        t = x_ref[...] + p_ref[0] + p_ref[1]
        u = jnp.tanh(jnp.dot(t, wa_ref[...], precision=None)
                     + ba_ref[...])
        h = jnp.tanh(jnp.dot(u, wb_ref[...], precision=None)
                     + bb_ref[...])
        h_s[pl.ds(i * RB, RB), :] = h
        sum_s[...] += jnp.sum(h, axis=0, keepdims=True)
        ssq_s[...] += jnp.sum(h * h, axis=0, keepdims=True)

    @pl.when(ph == 1)
    def _():
        mean = sum_s[...] * (1.0 / N)
        var = ssq_s[...] * (1.0 / N) - mean * mean
        a = g_ref[...] * lax.rsqrt(var + EPS)
        b = be_ref[...] - mean * a
        hb = h_s[pl.ds(i * RB, RB), :] * a + b
        hbn_ref[...] = hb
        bb = b3_ref[0]
        oh = (lax.broadcasted_iota(jnp.int32, (G, RB), 0) == bb
              ).astype(jnp.float32)

        @pl.when(i == 0)
        def _():
            pool_ref[...] = jnp.zeros_like(pool_ref)

        pool_ref[...] += jnp.dot(oh, hb, precision=None)


_layer = pl.pallas_call(
    _layer_body,
    grid=(2, NB),
    in_specs=[
        pl.BlockSpec((RB, D), lambda p, i: ((1 - p) * i, 0)),
        pl.BlockSpec((NC, RB, D), lambda p, i: (0, (1 - p) * i, 0)),
        pl.BlockSpec((D, D), lambda p, i: (0, 0)),
        pl.BlockSpec((1, D), lambda p, i: (0, 0)),
        pl.BlockSpec((D, D), lambda p, i: (0, 0)),
        pl.BlockSpec((1, D), lambda p, i: (0, 0)),
        pl.BlockSpec((1, D), lambda p, i: (0, 0)),
        pl.BlockSpec((1, D), lambda p, i: (0, 0)),
        pl.BlockSpec((1, 1, RB), lambda p, i: (i, 0, 0)),
    ],
    out_specs=[
        pl.BlockSpec((RB, D), lambda p, i: (i, 0)),
        pl.BlockSpec((G, D), lambda p, i: (0, 0)),
    ],
    out_shape=[
        jax.ShapeDtypeStruct((N, D), jnp.float32),
        jax.ShapeDtypeStruct((G, D), jnp.float32),
    ],
    scratch_shapes=[
        pltpu.VMEM((N, D), jnp.float32),
        pltpu.VMEM((1, D), jnp.float32),
        pltpu.VMEM((1, D), jnp.float32),
    ],
)


def kernel(x, edge_index, batch, W1a, b1a, W1b, b1b, W2a, b2a, W2b, b2b,
           g1, be1, g2, be2):
    src, dst = edge_index[0], edge_index[1]
    pad = E_PAD - E
    pad_src = jnp.arange(pad, dtype=jnp.int32) % N
    srcp = jnp.concatenate([src, pad_src]).reshape(TOTAL_CHUNKS, CHUNK)
    pad_dst = N + jnp.arange(pad, dtype=jnp.int32) % (ACC_ROWS - N)
    dstp = jnp.concatenate([dst, pad_dst]).reshape(TOTAL_CHUNKS, CHUNK)
    b3 = batch.reshape(NB, 1, RB)
    r = lambda v: v.reshape(1, D)

    sc_scatter = _sc_scatter_kernel()
    p = sc_scatter(x, srcp, dstp)
    h1bn, p1 = _layer(x, p, W1a, r(b1a), W1b, r(b1b), r(g1), r(be1), b3)

    p2p = sc_scatter(h1bn, srcp, dstp)
    _, p2 = _layer(h1bn, p2p, W2a, r(b2a), W2b, r(b2b), r(g2), r(be2), b3)

    return jnp.concatenate([p1, p2], axis=1)

# --- scband reference (transcript-rebuilt; emitter-appended) ---
"""Pipeline reference for scband-encoder-45226005626971 (READ-ONLY COPY).

The authoritative reference and input builder live on the scoring server;
editing this copy changes nothing except your own understanding.
"""

import jax, jax.numpy as jnp
import numpy as np

N = 10000
E = 320000
D = 128
G = 64
BN_EPS = 1e-5


def setup_inputs(seed: int = 0) -> dict:
    key = jax.random.key(seed)
    ks = jax.random.split(key, 16)
    x = jax.random.normal(ks[0], (N, D), dtype=jnp.float32)
    edge_index = jax.random.randint(ks[1], (2, E), 0, N, dtype=jnp.int32)
    batch = jnp.sort(jax.random.randint(ks[2], (N,), 0, G, dtype=jnp.int32))
    s = 1.0 / np.sqrt(D)
    W1a = jax.random.uniform(ks[3], (D, D), jnp.float32, -s, s)
    b1a = jax.random.uniform(ks[4], (D,), jnp.float32, -s, s)
    W1b = jax.random.uniform(ks[5], (D, D), jnp.float32, -s, s)
    b1b = jax.random.uniform(ks[6], (D,), jnp.float32, -s, s)
    W2a = jax.random.uniform(ks[7], (D, D), jnp.float32, -s, s)
    b2a = jax.random.uniform(ks[8], (D,), jnp.float32, -s, s)
    W2b = jax.random.uniform(ks[9], (D, D), jnp.float32, -s, s)
    b2b = jax.random.uniform(ks[10], (D,), jnp.float32, -s, s)
    g1 = jnp.ones((D,), jnp.float32)
    be1 = jnp.zeros((D,), jnp.float32)
    g2 = jnp.ones((D,), jnp.float32)
    be2 = jnp.zeros((D,), jnp.float32)
    return {"x": x, "edge_index": edge_index, "batch": batch,
            "W1a": W1a, "b1a": b1a, "W1b": W1b, "b1b": b1b,
            "W2a": W2a, "b2a": b2a, "W2b": W2b, "b2b": b2b,
            "g1": g1, "be1": be1, "g2": g2, "be2": be2}


def _batch_norm(h, gamma, beta):
    mu = jnp.mean(h, axis=0)
    var = jnp.var(h, axis=0)  # biased, matches torch BatchNorm1d training normalization
    return (h - mu) / jnp.sqrt(var + BN_EPS) * gamma + beta


def _gin_conv(x, edge_index, Wa, ba, Wb, bb):
    # GINConv with eps=0: mlp((1+eps)*x + sum_{j in N(i)} x_j)
    src, dst = edge_index[0], edge_index[1]
    agg = jax.ops.segment_sum(jnp.take(x, src, axis=0), dst, num_segments=N)
    h = x + agg
    h = jnp.tanh(h @ Wa + ba)
    h = h @ Wb + bb
    return h


def reference(x, edge_index, batch, W1a, b1a, W1b, b1b, W2a, b2a, W2b, b2b, g1, be1, g2, be2):
    # layer 1
    h1 = jnp.tanh(_gin_conv(x, edge_index, W1a, b1a, W1b, b1b))
    h1 = _batch_norm(h1, g1, be1)
    # layer 2
    h2 = jnp.tanh(_gin_conv(h1, edge_index, W2a, b2a, W2b, b2b))
    h2 = _batch_norm(h2, g2, be2)
    # global_add_pool per layer, then concat
    p1 = jax.ops.segment_sum(h1, batch, num_segments=G)
    p2 = jax.ops.segment_sum(h2, batch, num_segments=G)
    return jnp.concatenate([p1, p2], axis=1)

if __name__ == "__main__":
    import jax
    _d = setup_inputs()
    print(jax.jit(kernel)(*tuple(_d.values())))

</pallas_src>

<mosaic_0001>
#map = affine_map<(d0, d1) -> (0, 0)>
#map1 = affine_map<(d0, d1) -> (0, 0, 0)>
module attributes {stable_mosaic.version = 14 : i64} {
  func.func @_sc_scatter_body(%arg0: i32, %arg1: i32, %arg2: memref<10000x128xf32, #tpu.memory_space<hbm>>, %arg3: memref<2560x128xi32, #tpu.memory_space<hbm>>, %arg4: memref<2560x128xi32, #tpu.memory_space<hbm>>, %arg5: memref<2x10112x128xf32, #tpu.memory_space<hbm>>, %arg6: memref<40x128xi32, #tpu.memory_space<vmem>>, %arg7: memref<40x128xi32, #tpu.memory_space<vmem>>, %arg8: memref<2x128x128xf32, #tpu.memory_space<vmem>>, %arg9: memref<10112x128xf32, #tpu.memory_space<vmem_shared>>, %arg10: memref<!tpu.dma_semaphore, #tpu.memory_space<semaphore_mem>>, %arg11: memref<!tpu.dma_semaphore, #tpu.memory_space<semaphore_mem>>) attributes {dimension_semantics = [#tpu.dimension_semantics<core_parallel>, #tpu.dimension_semantics<subcore_parallel>], iteration_bounds = array<i64: 2, 16>, scalar_prefetch = 0 : i64, scratch_operands = 6 : i64, tpu.core_type = #tpu.core_type<sc_vector_subcore>, window_params = [{transform_indices = #map}, {transform_indices = #map}, {transform_indices = #map}, {transform_indices = #map1}]} {
    %broadcast_in_dim3A = arith.constant 0.000000e+00 : f32
    %broadcast_in_dim3A_0 = vector.broadcast %broadcast_in_dim3A : f32 to vector<16xf32>
    %scan3A = arith.constant 0 : i32
    %scan3A_1 = arith.constant 0 : i32
    %scan3A_2 = arith.constant 128 : i32
    %scan3A_3 = arith.addi %scan3A_1, %scan3A_2 : i32
    %scan3A_4 = arith.constant 1 : i32
    scf.for %scan3A_159 = %scan3A_1 to %scan3A_3 step %scan3A_4  : i32 {
      %swap3A = arith.constant 0 : i32
      %swap3A_160 = arith.index_cast %swap3A : i32 to index
      %swap3A_161 = arith.index_cast %scan3A_159 : i32 to index
      %swap3A_162 = arith.constant 0 : index
      %swap3A_163 = tpu.vector_load %arg8[%swap3A_160, %swap3A_161, %swap3A_162] {strides = array<i32>} : memref<2x128x128xf32, #tpu.memory_space<vmem>>, vector<1x1x16xf32>,
      %swap3A_164 = vector.shape_cast %swap3A_163 : vector<1x1x16xf32> to vector<16xf32>
      %swap3A_165 = vector.shape_cast %broadcast_in_dim3A_0 : vector<16xf32> to vector<1x1x16xf32>
      tpu.vector_store %arg8[%swap3A_160, %swap3A_161, %swap3A_162], %swap3A_165 {strides = array<i32>} : memref<2x128x128xf32, #tpu.memory_space<vmem>>, vector<1x1x16xf32>,
      %swap3A_166 = arith.constant 0 : i32
      %swap3A_167 = arith.index_cast %swap3A_166 : i32 to index
      %swap3A_168 = arith.index_cast %scan3A_159 : i32 to index
      %swap3A_169 = arith.constant 16 : index
      %swap3A_170 = tpu.vector_load %arg8[%swap3A_167, %swap3A_168, %swap3A_169] {strides = array<i32>} : memref<2x128x128xf32, #tpu.memory_space<vmem>>, vector<1x1x16xf32>,
      %swap3A_171 = vector.shape_cast %swap3A_170 : vector<1x1x16xf32> to vector<16xf32>
      %swap3A_172 = vector.shape_cast %broadcast_in_dim3A_0 : vector<16xf32> to vector<1x1x16xf32>
      tpu.vector_store %arg8[%swap3A_167, %swap3A_168, %swap3A_169], %swap3A_172 {strides = array<i32>} : memref<2x128x128xf32, #tpu.memory_space<vmem>>, vector<1x1x16xf32>,
      %swap3A_173 = arith.constant 0 : i32
      %swap3A_174 = arith.index_cast %swap3A_173 : i32 to index
      %swap3A_175 = arith.index_cast %scan3A_159 : i32 to index
      %swap3A_176 = arith.constant 32 : index
      %swap3A_177 = tpu.vector_load %arg8[%swap3A_174, %swap3A_175, %swap3A_176] {strides = array<i32>} : memref<2x128x128xf32, #tpu.memory_space<vmem>>, vector<1x1x16xf32>,
      %swap3A_178 = vector.shape_cast %swap3A_177 : vector<1x1x16xf32> to vector<16xf32>
      %swap3A_179 = vector.shape_cast %broadcast_in_dim3A_0 : vector<16xf32> to vector<1x1x16xf32>
      tpu.vector_store %arg8[%swap3A_174, %swap3A_175, %swap3A_176], %swap3A_179 {strides = array<i32>} : memref<2x128x128xf32, #tpu.memory_space<vmem>>, vector<1x1x16xf32>,
      %swap3A_180 = arith.constant 0 : i32
      %swap3A_181 = arith.index_cast %swap3A_180 : i32 to index
      %swap3A_182 = arith.index_cast %scan3A_159 : i32 to index
      %swap3A_183 = arith.constant 48 : index
      %swap3A_184 = tpu.vector_load %arg8[%swap3A_181, %swap3A_182, %swap3A_183] {strides = array<i32>} : memref<2x128x128xf32, #tpu.memory_space<vmem>>, vector<1x1x16xf32>,
      %swap3A_185 = vector.shape_cast %swap3A_184 : vector<1x1x16xf32> to vector<16xf32>
      %swap3A_186 = vector.shape_cast %broadcast_in_dim3A_0 : vector<16xf32> to vector<1x1x16xf32>
      tpu.vector_store %arg8[%swap3A_181, %swap3A_182, %swap3A_183], %swap3A_186 {strides = array<i32>} : memref<2x128x128xf32, #tpu.memory_space<vmem>>, vector<1x1x16xf32>,
      %swap3A_187 = arith.constant 0 : i32
      %swap3A_188 = arith.index_cast %swap3A_187 : i32 to index
      %swap3A_189 = arith.index_cast %scan3A_159 : i32 to index
      %swap3A_190 = arith.constant 64 : index
      %swap3A_191 = tpu.vector_load %arg8[%swap3A_188, %swap3A_189, %swap3A_190] {strides = array<i32>} : memref<2x128x128xf32, #tpu.memory_space<vmem>>, vector<1x1x16xf32>,
      %swap3A_192 = vector.shape_cast %swap3A_191 : vector<1x1x16xf32> to vector<16xf32>
      %swap3A_193 = vector.shape_cast %broadcast_in_dim3A_0 : vector<16xf32> to vector<1x1x16xf32>
      tpu.vector_store %arg8[%swap3A_188, %swap3A_189, %swap3A_190], %swap3A_193 {strides = array<i32>} : memref<2x128x128xf32, #tpu.memory_space<vmem>>, vector<1x1x16xf32>,
      %swap3A_194 = arith.constant 0 : i32
      %swap3A_195 = arith.index_cast %swap3A_194 : i32 to index
      %swap3A_196 = arith.index_cast %scan3A_159 : i32 to index
      %swap3A_197 = arith.constant 80 : index
      %swap3A_198 = tpu.vector_load %arg8[%swap3A_195, %swap3A_196, %swap3A_197] {strides = array<i32>} : memref<2x128x128xf32, #tpu.memory_space<vmem>>, vector<1x1x16xf32>,
      %swap3A_199 = vector.shape_cast %swap3A_198 : vector<1x1x16xf32> to vector<16xf32>
      %swap3A_200 = vector.shape_cast %broadcast_in_dim3A_0 : vector<16xf32> to vector<1x1x16xf32>
      tpu.vector_store %arg8[%swap3A_195, %swap3A_196, %swap3A_197], %swap3A_200 {strides = array<i32>} : memref<2x128x128xf32, #tpu.memory_space<vmem>>, vector<1x1x16xf32>,
      %swap3A_201 = arith.constant 0 : i32
      %swap3A_202 = arith.index_cast %swap3A_201 : i32 to index
      %swap3A_203 = arith.index_cast %scan3A_159 : i32 to index
      %swap3A_204 = arith.constant 96 : index
      %swap3A_205 = tpu.vector_load %arg8[%swap3A_202, %swap3A_203, %swap3A_204] {strides = array<i32>} : memref<2x128x128xf32, #tpu.memory_space<vmem>>, vector<1x1x16xf32>,
      %swap3A_206 = vector.shape_cast %swap3A_205 : vector<1x1x16xf32> to vector<16xf32>
      %swap3A_207 = vector.shape_cast %broadcast_in_dim3A_0 : vector<16xf32> to vector<1x1x16xf32>
      tpu.vector_store %arg8[%swap3A_202, %swap3A_203, %swap3A_204], %swap3A_207 {strides = array<i32>} : memref<2x128x128xf32, #tpu.memory_space<vmem>>, vector<1x1x16xf32>,
      %swap3A_208 = arith.constant 0 : i32
      %swap3A_209 = arith.index_cast %swap3A_208 : i32 to index
      %swap3A_210 = arith.index_cast %scan3A_159 : i32 to index
      %swap3A_211 = arith.constant 112 : index
      %swap3A_212 = tpu.vector_load %arg8[%swap3A_209, %swap3A_210, %swap3A_211] {strides = array<i32>} : memref<2x128x128xf32, #tpu.memory_space<vmem>>, vector<1x1x16xf32>,
      %swap3A_213 = vector.shape_cast %swap3A_212 : vector<1x1x16xf32> to vector<16xf32>
      %swap3A_214 = vector.shape_cast %broadcast_in_dim3A_0 : vector<16xf32> to vector<1x1x16xf32>
      tpu.vector_store %arg8[%swap3A_209, %swap3A_210, %swap3A_211], %swap3A_214 {strides = array<i32>} : memref<2x128x128xf32, #tpu.memory_space<vmem>>, vector<1x1x16xf32>,
    }
    %scan3A_5 = arith.constant 128 : i32
    %mul3A = arith.constant 632 : i32
    %mul3A_6 = arith.muli %arg1, %mul3A : i32
    %add3A = arith.constant 0 : i32
    %add3A_7 = arith.addi %mul3A_6, %add3A : i32
    %run_scoped3A = arith.constant 0 : i32
    "tpu.region"() ({
      %run_scoped3A_159 = tpu.sem_alloc : memref<!tpu.dma_semaphore, #tpu.memory_space<semaphore_mem>>
      %dma_start3A_160 = arith.constant 0 : i32
      %dma_start3A_161 = arith.constant 0 : i32
      %dma_start3A_162 = tpu.memref_slice %arg8[%run_scoped3A, %dma_start3A_160, %dma_start3A_161] : memref<2x128x128xf32, #tpu.memory_space<vmem>> -> memref<1x128x128xf32, #tpu.memory_space<vmem>>
      %dma_start3A_163 = tpu.memref_squeeze %dma_start3A_162 : memref<1x128x128xf32, #tpu.memory_space<vmem>> -> memref<128x128xf32, #tpu.memory_space<vmem>>
      %dma_start3A_164 = arith.constant 0 : i32
      %dma_start3A_165 = tpu.memref_slice %arg9[%add3A_7, %dma_start3A_164] : memref<10112x128xf32, #tpu.memory_space<vmem_shared>> -> memref<128x128xf32, #tpu.memory_space<vmem_shared>>
      %dma_start3A_166 = arith.constant 0 : i32
      %dma_start3A_167 = tpu.memref_slice %arg9[%add3A_7, %dma_start3A_166] : memref<10112x128xf32, #tpu.memory_space<vmem_shared>> -> memref<128x128xf32, #tpu.memory_space<vmem_shared>>
      %dma_start3A_168 = arith.constant 0 : i32
      %dma_start3A_169 = arith.constant 0 : i32
      %dma_start3A_170 = tpu.memref_slice %arg8[%run_scoped3A, %dma_start3A_168, %dma_start3A_169] : memref<2x128x128xf32, #tpu.memory_space<vmem>> -> memref<1x128x128xf32, #tpu.memory_space<vmem>>
      %dma_start3A_171 = tpu.memref_squeeze %dma_start3A_170 : memref<1x128x128xf32, #tpu.memory_space<vmem>> -> memref<128x128xf32, #tpu.memory_space<vmem>>
      tpu.enqueue_dma source(%dma_start3A_171 : memref<128x128xf32, #tpu.memory_space<vmem>>) target(%dma_start3A_167 : memref<128x128xf32, #tpu.memory_space<vmem_shared>>) target_semaphore(%run_scoped3A_159 : memref<!tpu.dma_semaphore, #tpu.memory_space<semaphore_mem>>)
      %dma_wait3A_172 = arith.constant 0 : i32
      %dma_wait3A_173 = arith.constant 0 : i32
      %dma_wait3A_174 = tpu.memref_slice %arg8[%run_scoped3A, %dma_wait3A_172, %dma_wait3A_173] : memref<2x128x128xf32, #tpu.memory_space<vmem>> -> memref<1x128x128xf32, #tpu.memory_space<vmem>>
      %dma_wait3A_175 = tpu.memref_squeeze %dma_wait3A_174 : memref<1x128x128xf32, #tpu.memory_space<vmem>> -> memref<128x128xf32, #tpu.memory_space<vmem>>
      %dma_wait3A_176 = arith.constant 0 : i32
      %dma_wait3A_177 = tpu.memref_slice %arg9[%add3A_7, %dma_wait3A_176] : memref<10112x128xf32, #tpu.memory_space<vmem_shared>> -> memref<128x128xf32, #tpu.memory_space<vmem_shared>>
      %dma_wait3A_178 = arith.constant 0 : i32
      %dma_wait3A_179 = tpu.memref_slice %arg9[%add3A_7, %dma_wait3A_178] : memref<10112x128xf32, #tpu.memory_space<vmem_shared>> -> memref<128x128xf32, #tpu.memory_space<vmem_shared>>
      %dma_wait3A_180 = arith.constant 0 : i32
      %dma_wait3A_181 = arith.constant 0 : i32
      %dma_wait3A_182 = tpu.memref_slice %arg8[%run_scoped3A, %dma_wait3A_180, %dma_wait3A_181] : memref<2x128x128xf32, #tpu.memory_space<vmem>> -> memref<1x128x128xf32, #tpu.memory_space<vmem>>
      %dma_wait3A_183 = tpu.memref_squeeze %dma_wait3A_182 : memref<1x128x128xf32, #tpu.memory_space<vmem>> -> memref<128x128xf32, #tpu.memory_space<vmem>>
      tpu.wait_dma2 semaphore(%run_scoped3A_159 : memref<!tpu.dma_semaphore, #tpu.memory_space<semaphore_mem>>) src(%dma_wait3A_183 : memref<128x128xf32, #tpu.memory_space<vmem>>) dst(%dma_wait3A_179 : memref<128x128xf32, #tpu.memory_space<vmem_shared>>)
      tpu.yield
    }) : () -> ()
    %mul3A_8 = arith.constant 632 : i32
    %mul3A_9 = arith.muli %arg1, %mul3A_8 : i32
    %add3A_10 = arith.constant 128 : i32
    %add3A_11 = arith.addi %mul3A_9, %add3A_10 : i32
    %run_scoped3A_12 = arith.constant 0 : i32
    "tpu.region"() ({
      %run_scoped3A_159 = tpu.sem_alloc : memref<!tpu.dma_semaphore, #tpu.memory_space<semaphore_mem>>
      %dma_start3A_160 = arith.constant 0 : i32
      %dma_start3A_161 = arith.constant 0 : i32
      %dma_start3A_162 = tpu.memref_slice %arg8[%run_scoped3A_12, %dma_start3A_160, %dma_start3A_161] : memref<2x128x128xf32, #tpu.memory_space<vmem>> -> memref<1x128x128xf32, #tpu.memory_space<vmem>>
      %dma_start3A_163 = tpu.memref_squeeze %dma_start3A_162 : memref<1x128x128xf32, #tpu.memory_space<vmem>> -> memref<128x128xf32, #tpu.memory_space<vmem>>
      %dma_start3A_164 = arith.constant 0 : i32
      %dma_start3A_165 = tpu.memref_slice %arg9[%add3A_11, %dma_start3A_164] : memref<10112x128xf32, #tpu.memory_space<vmem_shared>> -> memref<128x128xf32, #tpu.memory_space<vmem_shared>>
      %dma_start3A_166 = arith.constant 0 : i32
      %dma_start3A_167 = tpu.memref_slice %arg9[%add3A_11, %dma_start3A_166] : memref<10112x128xf32, #tpu.memory_space<vmem_shared>> -> memref<128x128xf32, #tpu.memory_space<vmem_shared>>
      %dma_start3A_168 = arith.constant 0 : i32
      %dma_start3A_169 = arith.constant 0 : i32
      %dma_start3A_170 = tpu.memref_slice %arg8[%run_scoped3A_12, %dma_start3A_168, %dma_start3A_169] : memref<2x128x128xf32, #tpu.memory_space<vmem>> -> memref<1x128x128xf32, #tpu.memory_space<vmem>>
      %dma_start3A_171 = tpu.memref_squeeze %dma_start3A_170 : memref<1x128x128xf32, #tpu.memory_space<vmem>> -> memref<128x128xf32, #tpu.memory_space<vmem>>
      tpu.enqueue_dma source(%dma_start3A_171 : memref<128x128xf32, #tpu.memory_space<vmem>>) target(%dma_start3A_167 : memref<128x128xf32, #tpu.memory_space<vmem_shared>>) target_semaphore(%run_scoped3A_159 : memref<!tpu.dma_semaphore, #tpu.memory_space<semaphore_mem>>)
      %dma_wait3A_172 = arith.constant 0 : i32
      %dma_wait3A_173 = arith.constant 0 : i32
      %dma_wait3A_174 = tpu.memref_slice %arg8[%run_scoped3A_12, %dma_wait3A_172, %dma_wait3A_173] : memref<2x128x128xf32, #tpu.memory_space<vmem>> -> memref<1x128x128xf32, #tpu.memory_space<vmem>>
      %dma_wait3A_175 = tpu.memref_squeeze %dma_wait3A_174 : memref<1x128x128xf32, #tpu.memory_space<vmem>> -> memref<128x128xf32, #tpu.memory_space<vmem>>
      %dma_wait3A_176 = arith.constant 0 : i32
      %dma_wait3A_177 = tpu.memref_slice %arg9[%add3A_11, %dma_wait3A_176] : memref<10112x128xf32, #tpu.memory_space<vmem_shared>> -> memref<128x128xf32, #tpu.memory_space<vmem_shared>>
      %dma_wait3A_178 = arith.constant 0 : i32
      %dma_wait3A_179 = tpu.memref_slice %arg9[%add3A_11, %dma_wait3A_178] : memref<10112x128xf32, #tpu.memory_space<vmem_shared>> -> memref<128x128xf32, #tpu.memory_space<vmem_shared>>
      %dma_wait3A_180 = arith.constant 0 : i32
      %dma_wait3A_181 = arith.constant 0 : i32
      %dma_wait3A_182 = tpu.memref_slice %arg8[%run_scoped3A_12, %dma_wait3A_180, %dma_wait3A_181] : memref<2x128x128xf32, #tpu.memory_space<vmem>> -> memref<1x128x128xf32, #tpu.memory_space<vmem>>
      %dma_wait3A_183 = tpu.memref_squeeze %dma_wait3A_182 : memref<1x128x128xf32, #tpu.memory_space<vmem>> -> memref<128x128xf32, #tpu.memory_space<vmem>>
      tpu.wait_dma2 semaphore(%run_scoped3A_159 : memref<!tpu.dma_semaphore, #tpu.memory_space<semaphore_mem>>) src(%dma_wait3A_183 : memref<128x128xf32, #tpu.memory_space<vmem>>) dst(%dma_wait3A_179 : memref<128x128xf32, #tpu.memory_space<vmem_shared>>)
      tpu.yield
    }) : () -> ()
    %mul3A_13 = arith.constant 632 : i32
    %mul3A_14 = arith.muli %arg1, %mul3A_13 : i32
    %add3A_15 = arith.constant 256 : i32
    %add3A_16 = arith.addi %mul3A_14, %add3A_15 : i32
    %run_scoped3A_17 = arith.constant 0 : i32
    "tpu.region"() ({
      %run_scoped3A_159 = tpu.sem_alloc : memref<!tpu.dma_semaphore, #tpu.memory_space<semaphore_mem>>
      %dma_start3A_160 = arith.constant 0 : i32
      %dma_start3A_161 = arith.constant 0 : i32
      %dma_start3A_162 = tpu.memref_slice %arg8[%run_scoped3A_17, %dma_start3A_160, %dma_start3A_161] : memref<2x128x128xf32, #tpu.memory_space<vmem>> -> memref<1x128x128xf32, #tpu.memory_space<vmem>>
      %dma_start3A_163 = tpu.memref_squeeze %dma_start3A_162 : memref<1x128x128xf32, #tpu.memory_space<vmem>> -> memref<128x128xf32, #tpu.memory_space<vmem>>
      %dma_start3A_164 = arith.constant 0 : i32
      %dma_start3A_165 = tpu.memref_slice %arg9[%add3A_16, %dma_start3A_164] : memref<10112x128xf32, #tpu.memory_space<vmem_shared>> -> memref<128x128xf32, #tpu.memory_space<vmem_shared>>
      %dma_start3A_166 = arith.constant 0 : i32
      %dma_start3A_167 = tpu.memref_slice %arg9[%add3A_16, %dma_start3A_166] : memref<10112x128xf32, #tpu.memory_space<vmem_shared>> -> memref<128x128xf32, #tpu.memory_space<vmem_shared>>
      %dma_start3A_168 = arith.constant 0 : i32
      %dma_start3A_169 = arith.constant 0 : i32
      %dma_start3A_170 = tpu.memref_slice %arg8[%run_scoped3A_17, %dma_start3A_168, %dma_start3A_169] : memref<2x128x128xf32, #tpu.memory_space<vmem>> -> memref<1x128x128xf32, #tpu.memory_space<vmem>>
      %dma_start3A_171 = tpu.memref_squeeze %dma_start3A_170 : memref<1x128x128xf32, #tpu.memory_space<vmem>> -> memref<128x128xf32, #tpu.memory_space<vmem>>
      tpu.enqueue_dma source(%dma_start3A_171 : memref<128x128xf32, #tpu.memory_space<vmem>>) target(%dma_start3A_167 : memref<128x128xf32, #tpu.memory_space<vmem_shared>>) target_semaphore(%run_scoped3A_159 : memref<!tpu.dma_semaphore, #tpu.memory_space<semaphore_mem>>)
      %dma_wait3A_172 = arith.constant 0 : i32
      %dma_wait3A_173 = arith.constant 0 : i32
      %dma_wait3A_174 = tpu.memref_slice %arg8[%run_scoped3A_17, %dma_wait3A_172, %dma_wait3A_173] : memref<2x128x128xf32, #tpu.memory_space<vmem>> -> memref<1x128x128xf32, #tpu.memory_space<vmem>>
      %dma_wait3A_175 = tpu.memref_squeeze %dma_wait3A_174 : memref<1x128x128xf32, #tpu.memory_space<vmem>> -> memref<128x128xf32, #tpu.memory_space<vmem>>
      %dma_wait3A_176 = arith.constant 0 : i32
      %dma_wait3A_177 = tpu.memref_slice %arg9[%add3A_16, %dma_wait3A_176] : memref<10112x128xf32, #tpu.memory_space<vmem_shared>> -> memref<128x128xf32, #tpu.memory_space<vmem_shared>>
      %dma_wait3A_178 = arith.constant 0 : i32
      %dma_wait3A_179 = tpu.memref_slice %arg9[%add3A_16, %dma_wait3A_178] : memref<10112x128xf32, #tpu.memory_space<vmem_shared>> -> memref<128x128xf32, #tpu.memory_space<vmem_shared>>
      %dma_wait3A_180 = arith.constant 0 : i32
      %dma_wait3A_181 = arith.constant 0 : i32
      %dma_wait3A_182 = tpu.memref_slice %arg8[%run_scoped3A_17, %dma_wait3A_180, %dma_wait3A_181] : memref<2x128x128xf32, #tpu.memory_space<vmem>> -> memref<1x128x128xf32, #tpu.memory_space<vmem>>
      %dma_wait3A_183 = tpu.memref_squeeze %dma_wait3A_182 : memref<1x128x128xf32, #tpu.memory_space<vmem>> -> memref<128x128xf32, #tpu.memory_space<vmem>>
      tpu.wait_dma2 semaphore(%run_scoped3A_159 : memref<!tpu.dma_semaphore, #tpu.memory_space<semaphore_mem>>) src(%dma_wait3A_183 : memref<128x128xf32, #tpu.memory_space<vmem>>) dst(%dma_wait3A_179 : memref<128x128xf32, #tpu.memory_space<vmem_shared>>)
      tpu.yield
    }) : () -> ()
    %mul3A_18 = arith.constant 632 : i32
    %mul3A_19 = arith.muli %arg1, %mul3A_18 : i32
    %add3A_20 = arith.constant 384 : i32
    %add3A_21 = arith.addi %mul3A_19, %add3A_20 : i32
    %run_scoped3A_22 = arith.constant 0 : i32
    "tpu.region"() ({
      %run_scoped3A_159 = tpu.sem_alloc : memref<!tpu.dma_semaphore, #tpu.memory_space<semaphore_mem>>
      %dma_start3A_160 = arith.constant 0 : i32
      %dma_start3A_161 = arith.constant 0 : i32
      %dma_start3A_162 = tpu.memref_slice %arg8[%run_scoped3A_22, %dma_start3A_160, %dma_start3A_161] : memref<2x128x128xf32, #tpu.memory_space<vmem>> -> memref<1x128x128xf32, #tpu.memory_space<vmem>>
      %dma_start3A_163 = tpu.memref_squeeze %dma_start3A_162 : memref<1x128x128xf32, #tpu.memory_space<vmem>> -> memref<128x128xf32, #tpu.memory_space<vmem>>
      %dma_start3A_164 = arith.constant 0 : i32
      %dma_start3A_165 = tpu.memref_slice %arg9[%add3A_21, %dma_start3A_164] : memref<10112x128xf32, #tpu.memory_space<vmem_shared>> -> memref<128x128xf32, #tpu.memory_space<vmem_shared>>
      %dma_start3A_166 = arith.constant 0 : i32
      %dma_start3A_167 = tpu.memref_slice %arg9[%add3A_21, %dma_start3A_166] : memref<10112x128xf32, #tpu.memory_space<vmem_shared>> -> memref<128x128xf32, #tpu.memory_space<vmem_shared>>
      %dma_start3A_168 = arith.constant 0 : i32
      %dma_start3A_169 = arith.constant 0 : i32
      %dma_start3A_170 = tpu.memref_slice %arg8[%run_scoped3A_22, %dma_start3A_168, %dma_start3A_169] : memref<2x128x128xf32, #tpu.memory_space<vmem>> -> memref<1x128x128xf32, #tpu.memory_space<vmem>>
      %dma_start3A_171 = tpu.memref_squeeze %dma_start3A_170 : memref<1x128x128xf32, #tpu.memory_space<vmem>> -> memref<128x128xf32, #tpu.memory_space<vmem>>
      tpu.enqueue_dma source(%dma_start3A_171 : memref<128x128xf32, #tpu.memory_space<vmem>>) target(%dma_start3A_167 : memref<128x128xf32, #tpu.memory_space<vmem_shared>>) target_semaphore(%run_scoped3A_159 : memref<!tpu.dma_semaphore, #tpu.memory_space<semaphore_mem>>)
      %dma_wait3A_172 = arith.constant 0 : i32
      %dma_wait3A_173 = arith.constant 0 : i32
      %dma_wait3A_174 = tpu.memref_slice %arg8[%run_scoped3A_22, %dma_wait3A_172, %dma_wait3A_173] : memref<2x128x128xf32, #tpu.memory_space<vmem>> -> memref<1x128x128xf32, #tpu.memory_space<vmem>>
      %dma_wait3A_175 = tpu.memref_squeeze %dma_wait3A_174 : memref<1x128x128xf32, #tpu.memory_space<vmem>> -> memref<128x128xf32, #tpu.memory_space<vmem>>
      %dma_wait3A_176 = arith.constant 0 : i32
      %dma_wait3A_177 = tpu.memref_slice %arg9[%add3A_21, %dma_wait3A_176] : memref<10112x128xf32, #tpu.memory_space<vmem_shared>> -> memref<128x128xf32, #tpu.memory_space<vmem_shared>>
      %dma_wait3A_178 = arith.constant 0 : i32
      %dma_wait3A_179 = tpu.memref_slice %arg9[%add3A_21, %dma_wait3A_178] : memref<10112x128xf32, #tpu.memory_space<vmem_shared>> -> memref<128x128xf32, #tpu.memory_space<vmem_shared>>
      %dma_wait3A_180 = arith.constant 0 : i32
      %dma_wait3A_181 = arith.constant 0 : i32
      %dma_wait3A_182 = tpu.memref_slice %arg8[%run_scoped3A_22, %dma_wait3A_180, %dma_wait3A_181] : memref<2x128x128xf32, #tpu.memory_space<vmem>> -> memref<1x128x128xf32, #tpu.memory_space<vmem>>
      %dma_wait3A_183 = tpu.memref_squeeze %dma_wait3A_182 : memref<1x128x128xf32, #tpu.memory_space<vmem>> -> memref<128x128xf32, #tpu.memory_space<vmem>>
      tpu.wait_dma2 semaphore(%run_scoped3A_159 : memref<!tpu.dma_semaphore, #tpu.memory_space<semaphore_mem>>) src(%dma_wait3A_183 : memref<128x128xf32, #tpu.memory_space<vmem>>) dst(%dma_wait3A_179 : memref<128x128xf32, #tpu.memory_space<vmem_shared>>)
      tpu.yield
    }) : () -> ()
    %mul3A_23 = arith.constant 632 : i32
    %mul3A_24 = arith.muli %arg1, %mul3A_23 : i32
    %add3A_25 = arith.constant 512 : i32
    %add3A_26 = arith.addi %mul3A_24, %add3A_25 : i32
    %run_scoped3A_27 = arith.constant 0 : i32
    "tpu.region"() ({
      %run_scoped3A_159 = tpu.sem_alloc : memref<!tpu.dma_semaphore, #tpu.memory_space<semaphore_mem>>
      %dma_start3A_160 = arith.constant 0 : i32
      %dma_start3A_161 = arith.constant 0 : i32
      %dma_start3A_162 = tpu.memref_slice %arg8[%run_scoped3A_27, %dma_start3A_160, %dma_start3A_161] : memref<2x128x128xf32, #tpu.memory_space<vmem>> -> memref<1x128x128xf32, #tpu.memory_space<vmem>>
      %dma_start3A_163 = tpu.memref_squeeze %dma_start3A_162 : memref<1x128x128xf32, #tpu.memory_space<vmem>> -> memref<128x128xf32, #tpu.memory_space<vmem>>
      %dma_start3A_164 = arith.constant 0 : i32
      %dma_start3A_165 = arith.constant 0 : i32
      %dma_start3A_166 = tpu.memref_slice %dma_start3A_163[%dma_start3A_164, %dma_start3A_165] : memref<128x128xf32, #tpu.memory_space<vmem>> -> memref<120x128xf32, #tpu.memory_space<vmem>>
      %dma_start3A_167 = arith.constant 0 : i32
      %dma_start3A_168 = tpu.memref_slice %arg9[%add3A_26, %dma_start3A_167] : memref<10112x128xf32, #tpu.memory_space<vmem_shared>> -> memref<120x128xf32, #tpu.memory_space<vmem_shared>>
      %dma_start3A_169 = arith.constant 0 : i32
      %dma_start3A_170 = tpu.memref_slice %arg9[%add3A_26, %dma_start3A_169] : memref<10112x128xf32, #tpu.memory_space<vmem_shared>> -> memref<120x128xf32, #tpu.memory_space<vmem_shared>>
      %dma_start3A_171 = arith.constant 0 : i32
      %dma_start3A_172 = arith.constant 0 : i32
      %dma_start3A_173 = tpu.memref_slice %arg8[%run_scoped3A_27, %dma_start3A_171, %dma_start3A_172] : memref<2x128x128xf32, #tpu.memory_space<vmem>> -> memref<1x128x128xf32, #tpu.memory_space<vmem>>
      %dma_start3A_174 = tpu.memref_squeeze %dma_start3A_173 : memref<1x128x128xf32, #tpu.memory_space<vmem>> -> memref<128x128xf32, #tpu.memory_space<vmem>>
      %dma_start3A_175 = arith.constant 0 : i32
      %dma_start3A_176 = arith.constant 0 : i32
      %dma_start3A_177 = tpu.memref_slice %dma_start3A_174[%dma_start3A_175, %dma_start3A_176] : memref<128x128xf32, #tpu.memory_space<vmem>> -> memref<120x128xf32, #tpu.memory_space<vmem>>
      tpu.enqueue_dma source(%dma_start3A_177 : memref<120x128xf32, #tpu.memory_space<vmem>>) target(%dma_start3A_170 : memref<120x128xf32, #tpu.memory_space<vmem_shared>>) target_semaphore(%run_scoped3A_159 : memref<!tpu.dma_semaphore, #tpu.memory_space<semaphore_mem>>)
      %dma_wait3A_178 = arith.constant 0 : i32
      %dma_wait3A_179 = arith.constant 0 : i32
      %dma_wait3A_180 = tpu.memref_slice %arg8[%run_scoped3A_27, %dma_wait3A_178, %dma_wait3A_179] : memref<2x128x128xf32, #tpu.memory_space<vmem>> -> memref<1x128x128xf32, #tpu.memory_space<vmem>>
      %dma_wait3A_181 = tpu.memref_squeeze %dma_wait3A_180 : memref<1x128x128xf32, #tpu.memory_space<vmem>> -> memref<128x128xf32, #tpu.memory_space<vmem>>
      %dma_wait3A_182 = arith.constant 0 : i32
      %dma_wait3A_183 = arith.constant 0 : i32
      %dma_wait3A_184 = tpu.memref_slice %dma_wait3A_181[%dma_wait3A_182, %dma_wait3A_183] : memref<128x128xf32, #tpu.memory_space<vmem>> -> memref<120x128xf32, #tpu.memory_space<vmem>>
      %dma_wait3A_185 = arith.constant 0 : i32
      %dma_wait3A_186 = tpu.memref_slice %arg9[%add3A_26, %dma_wait3A_185] : memref<10112x128xf32, #tpu.memory_space<vmem_shared>> -> memref<120x128xf32, #tpu.memory_space<vmem_shared>>
      %dma_wait3A_187 = arith.constant 0 : i32
      %dma_wait3A_188 = tpu.memref_slice %arg9[%add3A_26, %dma_wait3A_187] : memref<10112x128xf32, #tpu.memory_space<vmem_shared>> -> memref<120x128xf32, #tpu.memory_space<vmem_shared>>
      %dma_wait3A_189 = arith.constant 0 : i32
      %dma_wait3A_190 = arith.constant 0 : i32
      %dma_wait3A_191 = tpu.memref_slice %arg8[%run_scoped3A_27, %dma_wait3A_189, %dma_wait3A_190] : memref<2x128x128xf32, #tpu.memory_space<vmem>> -> memref<1x128x128xf32, #tpu.memory_space<vmem>>
      %dma_wait3A_192 = tpu.memref_squeeze %dma_wait3A_191 : memref<1x128x128xf32, #tpu.memory_space<vmem>> -> memref<128x128xf32, #tpu.memory_space<vmem>>
      %dma_wait3A_193 = arith.constant 0 : i32
      %dma_wait3A_194 = arith.constant 0 : i32
      %dma_wait3A_195 = tpu.memref_slice %dma_wait3A_192[%dma_wait3A_193, %dma_wait3A_194] : memref<128x128xf32, #tpu.memory_space<vmem>> -> memref<120x128xf32, #tpu.memory_space<vmem>>
      tpu.wait_dma2 semaphore(%run_scoped3A_159 : memref<!tpu.dma_semaphore, #tpu.memory_space<semaphore_mem>>) src(%dma_wait3A_195 : memref<120x128xf32, #tpu.memory_space<vmem>>) dst(%dma_wait3A_188 : memref<120x128xf32, #tpu.memory_space<vmem_shared>>)
      tpu.yield
    }) : () -> ()
    %mul3A_28 = arith.constant 1280 : i32
    %mul3A_29 = arith.muli %arg0, %mul3A_28 : i32
    %mul3A_30 = arith.constant 80 : i32
    %mul3A_31 = arith.muli %arg1, %mul3A_30 : i32
    %add3A_32 = arith.addi %mul3A_29, %mul3A_31 : i32
    %add3A_33 = arith.constant 0 : i32
    %add3A_34 = arith.addi %add3A_32, %add3A_33 : i32
    "tpu.region"() ({
      %run_scoped3A_159 = tpu.sem_alloc : memref<!tpu.dma_semaphore, #tpu.memory_space<semaphore_mem>>
      %dma_start3A_160 = arith.constant 0 : i32
      %dma_start3A_161 = arith.constant 0 : i32
      %dma_start3A_162 = tpu.memref_slice %arg6[%dma_start3A_160, %dma_start3A_161] : memref<40x128xi32, #tpu.memory_space<vmem>> -> memref<40x128xi32, #tpu.memory_space<vmem>>
      %dma_start3A_163 = arith.constant 0 : i32
      %dma_start3A_164 = tpu.memref_slice %arg3[%add3A_34, %dma_start3A_163] : memref<2560x128xi32, #tpu.memory_space<hbm>> -> memref<40x128xi32, #tpu.memory_space<hbm>>
      %dma_start3A_165 = arith.constant 0 : i32
      %dma_start3A_166 = arith.constant 0 : i32
      %dma_start3A_167 = tpu.memref_slice %arg6[%dma_start3A_165, %dma_start3A_166] : memref<40x128xi32, #tpu.memory_space<vmem>> -> memref<40x128xi32, #tpu.memory_space<vmem>>
      %dma_start3A_168 = arith.constant 0 : i32
      %dma_start3A_169 = tpu.memref_slice %arg3[%add3A_34, %dma_start3A_168] : memref<2560x128xi32, #tpu.memory_space<hbm>> -> memref<40x128xi32, #tpu.memory_space<hbm>>
      tpu.enqueue_dma source(%dma_start3A_169 : memref<40x128xi32, #tpu.memory_space<hbm>>) target(%dma_start3A_167 : memref<40x128xi32, #tpu.memory_space<vmem>>) target_semaphore(%run_scoped3A_159 : memref<!tpu.dma_semaphore, #tpu.memory_space<semaphore_mem>>)
      %dma_wait3A_170 = arith.constant 0 : i32
      %dma_wait3A_171 = arith.constant 0 : i32
      %dma_wait3A_172 = tpu.memref_slice %arg6[%dma_wait3A_170, %dma_wait3A_171] : memref<40x128xi32, #tpu.memory_space<vmem>> -> memref<40x128xi32, #tpu.memory_space<vmem>>
      %dma_wait3A_173 = arith.constant 0 : i32
      %dma_wait3A_174 = tpu.memref_slice %arg3[%add3A_34, %dma_wait3A_173] : memref<2560x128xi32, #tpu.memory_space<hbm>> -> memref<40x128xi32, #tpu.memory_space<hbm>>
      %dma_wait3A_175 = arith.constant 0 : i32
      %dma_wait3A_176 = arith.constant 0 : i32
      %dma_wait3A_177 = tpu.memref_slice %arg6[%dma_wait3A_175, %dma_wait3A_176] : memref<40x128xi32, #tpu.memory_space<vmem>> -> memref<40x128xi32, #tpu.memory_space<vmem>>
      %dma_wait3A_178 = arith.constant 0 : i32
      %dma_wait3A_179 = tpu.memref_slice %arg3[%add3A_34, %dma_wait3A_178] : memref<2560x128xi32, #tpu.memory_space<hbm>> -> memref<40x128xi32, #tpu.memory_space<hbm>>
      tpu.wait_dma2 semaphore(%run_scoped3A_159 : memref<!tpu.dma_semaphore, #tpu.memory_space<semaphore_mem>>) src(%dma_wait3A_179 : memref<40x128xi32, #tpu.memory_space<hbm>>) dst(%dma_wait3A_177 : memref<40x128xi32, #tpu.memory_space<vmem>>)
      tpu.yield
    }) : () -> ()
    "tpu.region"() ({
      %run_scoped3A_159 = tpu.sem_alloc : memref<!tpu.dma_semaphore, #tpu.memory_space<semaphore_mem>>
      %dma_start3A_160 = arith.constant 0 : i32
      %dma_start3A_161 = arith.constant 0 : i32
      %dma_start3A_162 = tpu.memref_slice %arg7[%dma_start3A_160, %dma_start3A_161] : memref<40x128xi32, #tpu.memory_space<vmem>> -> memref<40x128xi32, #tpu.memory_space<vmem>>
      %dma_start3A_163 = arith.constant 0 : i32
      %dma_start3A_164 = tpu.memref_slice %arg4[%add3A_34, %dma_start3A_163] : memref<2560x128xi32, #tpu.memory_space<hbm>> -> memref<40x128xi32, #tpu.memory_space<hbm>>
      %dma_start3A_165 = arith.constant 0 : i32
      %dma_start3A_166 = arith.constant 0 : i32
      %dma_start3A_167 = tpu.memref_slice %arg7[%dma_start3A_165, %dma_start3A_166] : memref<40x128xi32, #tpu.memory_space<vmem>> -> memref<40x128xi32, #tpu.memory_space<vmem>>
      %dma_start3A_168 = arith.constant 0 : i32
      %dma_start3A_169 = tpu.memref_slice %arg4[%add3A_34, %dma_start3A_168] : memref<2560x128xi32, #tpu.memory_space<hbm>> -> memref<40x128xi32, #tpu.memory_space<hbm>>
      tpu.enqueue_dma source(%dma_start3A_169 : memref<40x128xi32, #tpu.memory_space<hbm>>) target(%dma_start3A_167 : memref<40x128xi32, #tpu.memory_space<vmem>>) target_semaphore(%run_scoped3A_159 : memref<!tpu.dma_semaphore, #tpu.memory_space<semaphore_mem>>)
      %dma_wait3A_170 = arith.constant 0 : i32
      %dma_wait3A_171 = arith.constant 0 : i32
      %dma_wait3A_172 = tpu.memref_slice %arg7[%dma_wait3A_170, %dma_wait3A_171] : memref<40x128xi32, #tpu.memory_space<vmem>> -> memref<40x128xi32, #tpu.memory_space<vmem>>
      %dma_wait3A_173 = arith.constant 0 : i32
      %dma_wait3A_174 = tpu.memref_slice %arg4[%add3A_34, %dma_wait3A_173] : memref<2560x128xi32, #tpu.memory_space<hbm>> -> memref<40x128xi32, #tpu.memory_space<hbm>>
      %dma_wait3A_175 = arith.constant 0 : i32
      %dma_wait3A_176 = arith.constant 0 : i32
      %dma_wait3A_177 = tpu.memref_slice %arg7[%dma_wait3A_175, %dma_wait3A_176] : memref<40x128xi32, #tpu.memory_space<vmem>> -> memref<40x128xi32, #tpu.memory_space<vmem>>
      %dma_wait3A_178 = arith.constant 0 : i32
      %dma_wait3A_179 = tpu.memref_slice %arg4[%add3A_34, %dma_wait3A_178] : memref<2560x128xi32, #tpu.memory_space<hbm>> -> memref<40x128xi32, #tpu.memory_space<hbm>>
      tpu.wait_dma2 semaphore(%run_scoped3A_159 : memref<!tpu.dma_semaphore, #tpu.memory_space<semaphore_mem>>) src(%dma_wait3A_179 : memref<40x128xi32, #tpu.memory_space<hbm>>) dst(%dma_wait3A_177 : memref<40x128xi32, #tpu.memory_space<vmem>>)
      tpu.yield
    }) : () -> ()
    %dma_start3A = arith.constant 0 : i32
    %dma_start3A_35 = arith.constant 0 : i32
    %dma_start3A_36 = arith.constant 0 : i32
    %dma_start3A_37 = arith.constant 0 : i32
    %dma_start3A_38 = tpu.memref_slice %arg8[%dma_start3A_35, %dma_start3A_36, %dma_start3A_37] : memref<2x128x128xf32, #tpu.memory_space<vmem>> -> memref<1x128x128xf32, #tpu.memory_space<vmem>>
    %dma_start3A_39 = tpu.memref_squeeze %dma_start3A_38 : memref<1x128x128xf32, #tpu.memory_space<vmem>> -> memref<128x128xf32, #tpu.memory_space<vmem>>
    %dma_start3A_40 = arith.constant 0 : i32
    %dma_start3A_41 = tpu.memref_slice %arg6[%dma_start3A, %dma_start3A_40] : memref<40x128xi32, #tpu.memory_space<vmem>> -> memref<1x128xi32, #tpu.memory_space<vmem>>
    %dma_start3A_42 = tpu.memref_squeeze %dma_start3A_41 : memref<1x128xi32, #tpu.memory_space<vmem>> -> memref<128xi32, #tpu.memory_space<vmem>>
    %dma_start3A_43 = arith.constant 0 : i32
    %dma_start3A_44 = arith.constant 0 : i32
    %dma_start3A_45 = tpu.memref_slice %arg2[%dma_start3A_43, %dma_start3A_44] : memref<10000x128xf32, #tpu.memory_space<hbm>> -> memref<10000x128xf32, #tpu.memory_space<hbm>>
    tpu.enqueue_indirect_dma source(%dma_start3A_45 : memref<10000x128xf32, #tpu.memory_space<hbm>>) target(%dma_start3A_39 : memref<128x128xf32, #tpu.memory_space<vmem>>) offsets(%dma_start3A_42 : memref<128xi32, #tpu.memory_space<vmem>>) semaphore(%arg10 : memref<!tpu.dma_semaphore, #tpu.memory_space<semaphore_mem>>)
    %dma_start3A_46 = arith.constant 1 : i32
    %dma_start3A_47 = arith.constant 1 : i32
    %dma_start3A_48 = arith.constant 0 : i32
    %dma_start3A_49 = arith.constant 0 : i32
    %dma_start3A_50 = tpu.memref_slice %arg8[%dma_start3A_47, %dma_start3A_48, %dma_start3A_49] : memref<2x128x128xf32, #tpu.memory_space<vmem>> -> memref<1x128x128xf32, #tpu.memory_space<vmem>>
    %dma_start3A_51 = tpu.memref_squeeze %dma_start3A_50 : memref<1x128x128xf32, #tpu.memory_space<vmem>> -> memref<128x128xf32, #tpu.memory_space<vmem>>
    %dma_start3A_52 = arith.constant 0 : i32
    %dma_start3A_53 = tpu.memref_slice %arg6[%dma_start3A_46, %dma_start3A_52] : memref<40x128xi32, #tpu.memory_space<vmem>> -> memref<1x128xi32, #tpu.memory_space<vmem>>
    %dma_start3A_54 = tpu.memref_squeeze %dma_start3A_53 : memref<1x128xi32, #tpu.memory_space<vmem>> -> memref<128xi32, #tpu.memory_space<vmem>>
    %dma_start3A_55 = arith.constant 0 : i32
    %dma_start3A_56 = arith.constant 0 : i32
    %dma_start3A_57 = tpu.memref_slice %arg2[%dma_start3A_55, %dma_start3A_56] : memref<10000x128xf32, #tpu.memory_space<hbm>> -> memref<10000x128xf32, #tpu.memory_space<hbm>>
    tpu.enqueue_indirect_dma source(%dma_start3A_57 : memref<10000x128xf32, #tpu.memory_space<hbm>>) target(%dma_start3A_51 : memref<128x128xf32, #tpu.memory_space<vmem>>) offsets(%dma_start3A_54 : memref<128xi32, #tpu.memory_space<vmem>>) semaphore(%arg11 : memref<!tpu.dma_semaphore, #tpu.memory_space<semaphore_mem>>)
    %barrier3A = arith.constant 0 : index
    tpu.barrier barrier_id(%barrier3A)
    %scan3A_58 = arith.constant 0 : i32
    %scan3A_59 = arith.constant 0 : i32
    %scan3A_60 = arith.constant 19 : i32
    %scan3A_61 = arith.addi %scan3A_59, %scan3A_60 : i32
    %scan3A_62 = arith.constant 1 : i32
    scf.for %scan3A_159 = %scan3A_59 to %scan3A_61 step %scan3A_62  : i32 {
      %mul3A_160 = arith.constant 2 : i32
      %mul3A_161 = arith.muli %scan3A_159, %mul3A_160 : i32
      %add3A_162 = arith.constant 0 : i32
      %add3A_163 = arith.addi %mul3A_161, %add3A_162 : i32
      %dma_wait3A_164 = arith.constant 0 : i32
      %dma_wait3A_165 = arith.constant 0 : i32
      %dma_wait3A_166 = arith.constant 0 : i32
      %dma_wait3A_167 = tpu.memref_slice %arg8[%dma_wait3A_164, %dma_wait3A_165, %dma_wait3A_166] : memref<2x128x128xf32, #tpu.memory_space<vmem>> -> memref<1x128x128xf32, #tpu.memory_space<vmem>>
      %dma_wait3A_168 = tpu.memref_squeeze %dma_wait3A_167 : memref<1x128x128xf32, #tpu.memory_space<vmem>> -> memref<128x128xf32, #tpu.memory_space<vmem>>
      %dma_wait3A_169 = arith.constant 0 : i32
      %dma_wait3A_170 = tpu.memref_slice %arg6[%add3A_163, %dma_wait3A_169] : memref<40x128xi32, #tpu.memory_space<vmem>> -> memref<1x128xi32, #tpu.memory_space<vmem>>
      %dma_wait3A_171 = tpu.memref_squeeze %dma_wait3A_170 : memref<1x128xi32, #tpu.memory_space<vmem>> -> memref<128xi32, #tpu.memory_space<vmem>>
      %dma_wait3A_172 = arith.constant 0 : i32
      %dma_wait3A_173 = arith.constant 0 : i32
      %dma_wait3A_174 = tpu.memref_slice %arg2[%dma_wait3A_172, %dma_wait3A_173] : memref<10000x128xf32, #tpu.memory_space<hbm>> -> memref<10000x128xf32, #tpu.memory_space<hbm>>
      tpu.wait_indirect_dma semaphore(%arg10 : memref<!tpu.dma_semaphore, #tpu.memory_space<semaphore_mem>>) src(%dma_wait3A_174 : memref<10000x128xf32, #tpu.memory_space<hbm>>) dst(%dma_wait3A_168 : memref<128x128xf32, #tpu.memory_space<vmem>>)
      %run_scoped3A_175 = arith.constant 0 : i32
      "tpu.region"() ({
        %run_scoped3A_216 = tpu.sem_alloc : memref<!tpu.dma_semaphore, #tpu.memory_space<semaphore_mem>>
        %dma_start3A_217 = arith.constant 0 : i32
        %dma_start3A_218 = arith.constant 0 : i32
        %dma_start3A_219 = tpu.memref_slice %arg8[%run_scoped3A_175, %dma_start3A_217, %dma_start3A_218] : memref<2x128x128xf32, #tpu.memory_space<vmem>> -> memref<1x128x128xf32, #tpu.memory_space<vmem>>
        %dma_start3A_220 = tpu.memref_squeeze %dma_start3A_219 : memref<1x128x128xf32, #tpu.memory_space<vmem>> -> memref<128x128xf32, #tpu.memory_space<vmem>>
        %dma_start3A_221 = arith.constant 0 : i32
        %dma_start3A_222 = tpu.memref_slice %arg7[%add3A_163, %dma_start3A_221] : memref<40x128xi32, #tpu.memory_space<vmem>> -> memref<1x128xi32, #tpu.memory_space<vmem>>
        %dma_start3A_223 = tpu.memref_squeeze %dma_start3A_222 : memref<1x128xi32, #tpu.memory_space<vmem>> -> memref<128xi32, #tpu.memory_space<vmem>>
        %dma_start3A_224 = arith.constant 0 : i32
        %dma_start3A_225 = arith.constant 0 : i32
        %dma_start3A_226 = tpu.memref_slice %arg9[%dma_start3A_224, %dma_start3A_225] : memref<10112x128xf32, #tpu.memory_space<vmem_shared>> -> memref<10112x128xf32, #tpu.memory_space<vmem_shared>>
        tpu.enqueue_indirect_dma source(%dma_start3A_220 : memref<128x128xf32, #tpu.memory_space<vmem>>) target(%dma_start3A_226 : memref<10112x128xf32, #tpu.memory_space<vmem_shared>>) offsets(%dma_start3A_223 : memref<128xi32, #tpu.memory_space<vmem>>) semaphore(%run_scoped3A_216 : memref<!tpu.dma_semaphore, #tpu.memory_space<semaphore_mem>>) {add = true}
        %dma_wait3A_227 = arith.constant 0 : i32
        %dma_wait3A_228 = arith.constant 0 : i32
        %dma_wait3A_229 = tpu.memref_slice %arg8[%run_scoped3A_175, %dma_wait3A_227, %dma_wait3A_228] : memref<2x128x128xf32, #tpu.memory_space<vmem>> -> memref<1x128x128xf32, #tpu.memory_space<vmem>>
        %dma_wait3A_230 = tpu.memref_squeeze %dma_wait3A_229 : memref<1x128x128xf32, #tpu.memory_space<vmem>> -> memref<128x128xf32, #tpu.memory_space<vmem>>
        %dma_wait3A_231 = arith.constant 0 : i32
        %dma_wait3A_232 = tpu.memref_slice %arg7[%add3A_163, %dma_wait3A_231] : memref<40x128xi32, #tpu.memory_space<vmem>> -> memref<1x128xi32, #tpu.memory_space<vmem>>
        %dma_wait3A_233 = tpu.memref_squeeze %dma_wait3A_232 : memref<1x128xi32, #tpu.memory_space<vmem>> -> memref<128xi32, #tpu.memory_space<vmem>>
        %dma_wait3A_234 = arith.constant 0 : i32
        %dma_wait3A_235 = arith.constant 0 : i32
        %dma_wait3A_236 = tpu.memref_slice %arg9[%dma_wait3A_234, %dma_wait3A_235] : memref<10112x128xf32, #tpu.memory_space<vmem_shared>> -> memref<10112x128xf32, #tpu.memory_space<vmem_shared>>
        tpu.wait_indirect_dma semaphore(%run_scoped3A_216 : memref<!tpu.dma_semaphore, #tpu.memory_space<semaphore_mem>>) src(%dma_wait3A_230 : memref<128x128xf32, #tpu.memory_space<vmem>>) dst(%dma_wait3A_236 : memref<10112x128xf32, #tpu.memory_space<vmem_shared>>)
        tpu.yield
      }) : () -> ()
      %add3A_176 = arith.constant 2 : i32
      %add3A_177 = arith.addi %add3A_163, %add3A_176 : i32
      %dma_start3A_178 = arith.constant 0 : i32
      %dma_start3A_179 = arith.constant 0 : i32
      %dma_start3A_180 = arith.constant 0 : i32
      %dma_start3A_181 = tpu.memref_slice %arg8[%dma_start3A_178, %dma_start3A_179, %dma_start3A_180] : memref<2x128x128xf32, #tpu.memory_space<vmem>> -> memref<1x128x128xf32, #tpu.memory_space<vmem>>
      %dma_start3A_182 = tpu.memref_squeeze %dma_start3A_181 : memref<1x128x128xf32, #tpu.memory_space<vmem>> -> memref<128x128xf32, #tpu.memory_space<vmem>>
      %dma_start3A_183 = arith.constant 0 : i32
      %dma_start3A_184 = tpu.memref_slice %arg6[%add3A_177, %dma_start3A_183] : memref<40x128xi32, #tpu.memory_space<vmem>> -> memref<1x128xi32, #tpu.memory_space<vmem>>
      %dma_start3A_185 = tpu.memref_squeeze %dma_start3A_184 : memref<1x128xi32, #tpu.memory_space<vmem>> -> memref<128xi32, #tpu.memory_space<vmem>>
      %dma_start3A_186 = arith.constant 0 : i32
      %dma_start3A_187 = arith.constant 0 : i32
      %dma_start3A_188 = tpu.memref_slice %arg2[%dma_start3A_186, %dma_start3A_187] : memref<10000x128xf32, #tpu.memory_space<hbm>> -> memref<10000x128xf32, #tpu.memory_space<hbm>>
      tpu.enqueue_indirect_dma source(%dma_start3A_188 : memref<10000x128xf32, #tpu.memory_space<hbm>>) target(%dma_start3A_182 : memref<128x128xf32, #tpu.memory_space<vmem>>) offsets(%dma_start3A_185 : memref<128xi32, #tpu.memory_space<vmem>>) semaphore(%arg10 : memref<!tpu.dma_semaphore, #tpu.memory_space<semaphore_mem>>)
      %add3A_189 = arith.constant 1 : i32
      %add3A_190 = arith.addi %mul3A_161, %add3A_189 : i32
      %dma_wait3A_191 = arith.constant 1 : i32
      %dma_wait3A_192 = arith.constant 0 : i32
      %dma_wait3A_193 = arith.constant 0 : i32
      %dma_wait3A_194 = tpu.memref_slice %arg8[%dma_wait3A_191, %dma_wait3A_192, %dma_wait3A_193] : memref<2x128x128xf32, #tpu.memory_space<vmem>> -> memref<1x128x128xf32, #tpu.memory_space<vmem>>
      %dma_wait3A_195 = tpu.memref_squeeze %dma_wait3A_194 : memref<1x128x128xf32, #tpu.memory_space<vmem>> -> memref<128x128xf32, #tpu.memory_space<vmem>>
      %dma_wait3A_196 = arith.constant 0 : i32
      %dma_wait3A_197 = tpu.memref_slice %arg6[%add3A_190, %dma_wait3A_196] : memref<40x128xi32, #tpu.memory_space<vmem>> -> memref<1x128xi32, #tpu.memory_space<vmem>>
      %dma_wait3A_198 = tpu.memref_squeeze %dma_wait3A_197 : memref<1x128xi32, #tpu.memory_space<vmem>> -> memref<128xi32, #tpu.memory_space<vmem>>
      %dma_wait3A_199 = arith.constant 0 : i32
      %dma_wait3A_200 = arith.constant 0 : i32
      %dma_wait3A_201 = tpu.memref_slice %arg2[%dma_wait3A_199, %dma_wait3A_200] : memref<10000x128xf32, #tpu.memory_space<hbm>> -> memref<10000x128xf32, #tpu.memory_space<hbm>>
      tpu.wait_indirect_dma semaphore(%arg11 : memref<!tpu.dma_semaphore, #tpu.memory_space<semaphore_mem>>) src(%dma_wait3A_201 : memref<10000x128xf32, #tpu.memory_space<hbm>>) dst(%dma_wait3A_195 : memref<128x128xf32, #tpu.memory_space<vmem>>)
      %run_scoped3A_202 = arith.constant 1 : i32
      "tpu.region"() ({
        %run_scoped3A_216 = tpu.sem_alloc : memref<!tpu.dma_semaphore, #tpu.memory_space<semaphore_mem>>
        %dma_start3A_217 = arith.constant 0 : i32
        %dma_start3A_218 = arith.constant 0 : i32
        %dma_start3A_219 = tpu.memref_slice %arg8[%run_scoped3A_202, %dma_start3A_217, %dma_start3A_218] : memref<2x128x128xf32, #tpu.memory_space<vmem>> -> memref<1x128x128xf32, #tpu.memory_space<vmem>>
        %dma_start3A_220 = tpu.memref_squeeze %dma_start3A_219 : memref<1x128x128xf32, #tpu.memory_space<vmem>> -> memref<128x128xf32, #tpu.memory_space<vmem>>
        %dma_start3A_221 = arith.constant 0 : i32
        %dma_start3A_222 = tpu.memref_slice %arg7[%add3A_190, %dma_start3A_221] : memref<40x128xi32, #tpu.memory_space<vmem>> -> memref<1x128xi32, #tpu.memory_space<vmem>>
        %dma_start3A_223 = tpu.memref_squeeze %dma_start3A_222 : memref<1x128xi32, #tpu.memory_space<vmem>> -> memref<128xi32, #tpu.memory_space<vmem>>
        %dma_start3A_224 = arith.constant 0 : i32
        %dma_start3A_225 = arith.constant 0 : i32
        %dma_start3A_226 = tpu.memref_slice %arg9[%dma_start3A_224, %dma_start3A_225] : memref<10112x128xf32, #tpu.memory_space<vmem_shared>> -> memref<10112x128xf32, #tpu.memory_space<vmem_shared>>
        tpu.enqueue_indirect_dma source(%dma_start3A_220 : memref<128x128xf32, #tpu.memory_space<vmem>>) target(%dma_start3A_226 : memref<10112x128xf32, #tpu.memory_space<vmem_shared>>) offsets(%dma_start3A_223 : memref<128xi32, #tpu.memory_space<vmem>>) semaphore(%run_scoped3A_216 : memref<!tpu.dma_semaphore, #tpu.memory_space<semaphore_mem>>) {add = true}
        %dma_wait3A_227 = arith.constant 0 : i32
        %dma_wait3A_228 = arith.constant 0 : i32
        %dma_wait3A_229 = tpu.memref_slice %arg8[%run_scoped3A_202, %dma_wait3A_227, %dma_wait3A_228] : memref<2x128x128xf32, #tpu.memory_space<vmem>> -> memref<1x128x128xf32, #tpu.memory_space<vmem>>
        %dma_wait3A_230 = tpu.memref_squeeze %dma_wait3A_229 : memref<1x128x128xf32, #tpu.memory_space<vmem>> -> memref<128x128xf32, #tpu.memory_space<vmem>>
        %dma_wait3A_231 = arith.constant 0 : i32
        %dma_wait3A_232 = tpu.memref_slice %arg7[%add3A_190, %dma_wait3A_231] : memref<40x128xi32, #tpu.memory_space<vmem>> -> memref<1x128xi32, #tpu.memory_space<vmem>>
        %dma_wait3A_233 = tpu.memref_squeeze %dma_wait3A_232 : memref<1x128xi32, #tpu.memory_space<vmem>> -> memref<128xi32, #tpu.memory_space<vmem>>
        %dma_wait3A_234 = arith.constant 0 : i32
        %dma_wait3A_235 = arith.constant 0 : i32
        %dma_wait3A_236 = tpu.memref_slice %arg9[%dma_wait3A_234, %dma_wait3A_235] : memref<10112x128xf32, #tpu.memory_space<vmem_shared>> -> memref<10112x128xf32, #tpu.memory_space<vmem_shared>>
        tpu.wait_indirect_dma semaphore(%run_scoped3A_216 : memref<!tpu.dma_semaphore, #tpu.memory_space<semaphore_mem>>) src(%dma_wait3A_230 : memref<128x128xf32, #tpu.memory_space<vmem>>) dst(%dma_wait3A_236 : memref<10112x128xf32, #tpu.memory_space<vmem_shared>>)
        tpu.yield
      }) : () -> ()
      %add3A_203 = arith.constant 2 : i32
      %add3A_204 = arith.addi %add3A_190, %add3A_203 : i32
      %dma_start3A_205 = arith.constant 1 : i32
      %dma_start3A_206 = arith.constant 0 : i32
      %dma_start3A_207 = arith.constant 0 : i32
      %dma_start3A_208 = tpu.memref_slice %arg8[%dma_start3A_205, %dma_start3A_206, %dma_start3A_207] : memref<2x128x128xf32, #tpu.memory_space<vmem>> -> memref<1x128x128xf32, #tpu.memory_space<vmem>>
      %dma_start3A_209 = tpu.memref_squeeze %dma_start3A_208 : memref<1x128x128xf32, #tpu.memory_space<vmem>> -> memref<128x128xf32, #tpu.memory_space<vmem>>
      %dma_start3A_210 = arith.constant 0 : i32
      %dma_start3A_211 = tpu.memref_slice %arg6[%add3A_204, %dma_start3A_210] : memref<40x128xi32, #tpu.memory_space<vmem>> -> memref<1x128xi32, #tpu.memory_space<vmem>>
      %dma_start3A_212 = tpu.memref_squeeze %dma_start3A_211 : memref<1x128xi32, #tpu.memory_space<vmem>> -> memref<128xi32, #tpu.memory_space<vmem>>
      %dma_start3A_213 = arith.constant 0 : i32
      %dma_start3A_214 = arith.constant 0 : i32
      %dma_start3A_215 = tpu.memref_slice %arg2[%dma_start3A_213, %dma_start3A_214] : memref<10000x128xf32, #tpu.memory_space<hbm>> -> memref<10000x128xf32, #tpu.memory_space<hbm>>
      tpu.enqueue_indirect_dma source(%dma_start3A_215 : memref<10000x128xf32, #tpu.memory_space<hbm>>) target(%dma_start3A_209 : memref<128x128xf32, #tpu.memory_space<vmem>>) offsets(%dma_start3A_212 : memref<128xi32, #tpu.memory_space<vmem>>) semaphore(%arg11 : memref<!tpu.dma_semaphore, #tpu.memory_space<semaphore_mem>>)
    }
    %scan3A_63 = arith.constant 19 : i32
    %dma_wait3A = arith.constant 38 : i32
    %dma_wait3A_64 = arith.constant 0 : i32
    %dma_wait3A_65 = arith.constant 0 : i32
    %dma_wait3A_66 = arith.constant 0 : i32
    %dma_wait3A_67 = tpu.memref_slice %arg8[%dma_wait3A_64, %dma_wait3A_65, %dma_wait3A_66] : memref<2x128x128xf32, #tpu.memory_space<vmem>> -> memref<1x128x128xf32, #tpu.memory_space<vmem>>
    %dma_wait3A_68 = tpu.memref_squeeze %dma_wait3A_67 : memref<1x128x128xf32, #tpu.memory_space<vmem>> -> memref<128x128xf32, #tpu.memory_space<vmem>>
    %dma_wait3A_69 = arith.constant 0 : i32
    %dma_wait3A_70 = tpu.memref_slice %arg6[%dma_wait3A, %dma_wait3A_69] : memref<40x128xi32, #tpu.memory_space<vmem>> -> memref<1x128xi32, #tpu.memory_space<vmem>>
    %dma_wait3A_71 = tpu.memref_squeeze %dma_wait3A_70 : memref<1x128xi32, #tpu.memory_space<vmem>> -> memref<128xi32, #tpu.memory_space<vmem>>
    %dma_wait3A_72 = arith.constant 0 : i32
    %dma_wait3A_73 = arith.constant 0 : i32
    %dma_wait3A_74 = tpu.memref_slice %arg2[%dma_wait3A_72, %dma_wait3A_73] : memref<10000x128xf32, #tpu.memory_space<hbm>> -> memref<10000x128xf32, #tpu.memory_space<hbm>>
    tpu.wait_indirect_dma semaphore(%arg10 : memref<!tpu.dma_semaphore, #tpu.memory_space<semaphore_mem>>) src(%dma_wait3A_74 : memref<10000x128xf32, #tpu.memory_space<hbm>>) dst(%dma_wait3A_68 : memref<128x128xf32, #tpu.memory_space<vmem>>)
    %run_scoped3A_75 = arith.constant 0 : i32
    %run_scoped3A_76 = arith.constant 38 : i32
    "tpu.region"() ({
      %run_scoped3A_159 = tpu.sem_alloc : memref<!tpu.dma_semaphore, #tpu.memory_space<semaphore_mem>>
      %dma_start3A_160 = arith.constant 0 : i32
      %dma_start3A_161 = arith.constant 0 : i32
      %dma_start3A_162 = tpu.memref_slice %arg8[%run_scoped3A_75, %dma_start3A_160, %dma_start3A_161] : memref<2x128x128xf32, #tpu.memory_space<vmem>> -> memref<1x128x128xf32, #tpu.memory_space<vmem>>
      %dma_start3A_163 = tpu.memref_squeeze %dma_start3A_162 : memref<1x128x128xf32, #tpu.memory_space<vmem>> -> memref<128x128xf32, #tpu.memory_space<vmem>>
      %dma_start3A_164 = arith.constant 0 : i32
      %dma_start3A_165 = tpu.memref_slice %arg7[%run_scoped3A_76, %dma_start3A_164] : memref<40x128xi32, #tpu.memory_space<vmem>> -> memref<1x128xi32, #tpu.memory_space<vmem>>
      %dma_start3A_166 = tpu.memref_squeeze %dma_start3A_165 : memref<1x128xi32, #tpu.memory_space<vmem>> -> memref<128xi32, #tpu.memory_space<vmem>>
      %dma_start3A_167 = arith.constant 0 : i32
      %dma_start3A_168 = arith.constant 0 : i32
      %dma_start3A_169 = tpu.memref_slice %arg9[%dma_start3A_167, %dma_start3A_168] : memref<10112x128xf32, #tpu.memory_space<vmem_shared>> -> memref<10112x128xf32, #tpu.memory_space<vmem_shared>>
      tpu.enqueue_indirect_dma source(%dma_start3A_163 : memref<128x128xf32, #tpu.memory_space<vmem>>) target(%dma_start3A_169 : memref<10112x128xf32, #tpu.memory_space<vmem_shared>>) offsets(%dma_start3A_166 : memref<128xi32, #tpu.memory_space<vmem>>) semaphore(%run_scoped3A_159 : memref<!tpu.dma_semaphore, #tpu.memory_space<semaphore_mem>>) {add = true}
      %dma_wait3A_170 = arith.constant 0 : i32
      %dma_wait3A_171 = arith.constant 0 : i32
      %dma_wait3A_172 = tpu.memref_slice %arg8[%run_scoped3A_75, %dma_wait3A_170, %dma_wait3A_171] : memref<2x128x128xf32, #tpu.memory_space<vmem>> -> memref<1x128x128xf32, #tpu.memory_space<vmem>>
      %dma_wait3A_173 = tpu.memref_squeeze %dma_wait3A_172 : memref<1x128x128xf32, #tpu.memory_space<vmem>> -> memref<128x128xf32, #tpu.memory_space<vmem>>
      %dma_wait3A_174 = arith.constant 0 : i32
      %dma_wait3A_175 = tpu.memref_slice %arg7[%run_scoped3A_76, %dma_wait3A_174] : memref<40x128xi32, #tpu.memory_space<vmem>> -> memref<1x128xi32, #tpu.memory_space<vmem>>
      %dma_wait3A_176 = tpu.memref_squeeze %dma_wait3A_175 : memref<1x128xi32, #tpu.memory_space<vmem>> -> memref<128xi32, #tpu.memory_space<vmem>>
      %dma_wait3A_177 = arith.constant 0 : i32
      %dma_wait3A_178 = arith.constant 0 : i32
      %dma_wait3A_179 = tpu.memref_slice %arg9[%dma_wait3A_177, %dma_wait3A_178] : memref<10112x128xf32, #tpu.memory_space<vmem_shared>> -> memref<10112x128xf32, #tpu.memory_space<vmem_shared>>
      tpu.wait_indirect_dma semaphore(%run_scoped3A_159 : memref<!tpu.dma_semaphore, #tpu.memory_space<semaphore_mem>>) src(%dma_wait3A_173 : memref<128x128xf32, #tpu.memory_space<vmem>>) dst(%dma_wait3A_179 : memref<10112x128xf32, #tpu.memory_space<vmem_shared>>)
      tpu.yield
    }) : () -> ()
    %dma_wait3A_77 = arith.constant 39 : i32
    %dma_wait3A_78 = arith.constant 1 : i32
    %dma_wait3A_79 = arith.constant 0 : i32
    %dma_wait3A_80 = arith.constant 0 : i32
    %dma_wait3A_81 = tpu.memref_slice %arg8[%dma_wait3A_78, %dma_wait3A_79, %dma_wait3A_80] : memref<2x128x128xf32, #tpu.memory_space<vmem>> -> memref<1x128x128xf32, #tpu.memory_space<vmem>>
    %dma_wait3A_82 = tpu.memref_squeeze %dma_wait3A_81 : memref<1x128x128xf32, #tpu.memory_space<vmem>> -> memref<128x128xf32, #tpu.memory_space<vmem>>
    %dma_wait3A_83 = arith.constant 0 : i32
    %dma_wait3A_84 = tpu.memref_slice %arg6[%dma_wait3A_77, %dma_wait3A_83] : memref<40x128xi32, #tpu.memory_space<vmem>> -> memref<1x128xi32, #tpu.memory_space<vmem>>
    %dma_wait3A_85 = tpu.memref_squeeze %dma_wait3A_84 : memref<1x128xi32, #tpu.memory_space<vmem>> -> memref<128xi32, #tpu.memory_space<vmem>>
    %dma_wait3A_86 = arith.constant 0 : i32
    %dma_wait3A_87 = arith.constant 0 : i32
    %dma_wait3A_88 = tpu.memref_slice %arg2[%dma_wait3A_86, %dma_wait3A_87] : memref<10000x128xf32, #tpu.memory_space<hbm>> -> memref<10000x128xf32, #tpu.memory_space<hbm>>
    tpu.wait_indirect_dma semaphore(%arg11 : memref<!tpu.dma_semaphore, #tpu.memory_space<semaphore_mem>>) src(%dma_wait3A_88 : memref<10000x128xf32, #tpu.memory_space<hbm>>) dst(%dma_wait3A_82 : memref<128x128xf32, #tpu.memory_space<vmem>>)
    %run_scoped3A_89 = arith.constant 1 : i32
    %run_scoped3A_90 = arith.constant 39 : i32
    "tpu.region"() ({
      %run_scoped3A_159 = tpu.sem_alloc : memref<!tpu.dma_semaphore, #tpu.memory_space<semaphore_mem>>
      %dma_start3A_160 = arith.constant 0 : i32
      %dma_start3A_161 = arith.constant 0 : i32
      %dma_start3A_162 = tpu.memref_slice %arg8[%run_scoped3A_89, %dma_start3A_160, %dma_start3A_161] : memref<2x128x128xf32, #tpu.memory_space<vmem>> -> memref<1x128x128xf32, #tpu.memory_space<vmem>>
      %dma_start3A_163 = tpu.memref_squeeze %dma_start3A_162 : memref<1x128x128xf32, #tpu.memory_space<vmem>> -> memref<128x128xf32, #tpu.memory_space<vmem>>
      %dma_start3A_164 = arith.constant 0 : i32
      %dma_start3A_165 = tpu.memref_slice %arg7[%run_scoped3A_90, %dma_start3A_164] : memref<40x128xi32, #tpu.memory_space<vmem>> -> memref<1x128xi32, #tpu.memory_space<vmem>>
      %dma_start3A_166 = tpu.memref_squeeze %dma_start3A_165 : memref<1x128xi32, #tpu.memory_space<vmem>> -> memref<128xi32, #tpu.memory_space<vmem>>
      %dma_start3A_167 = arith.constant 0 : i32
      %dma_start3A_168 = arith.constant 0 : i32
      %dma_start3A_169 = tpu.memref_slice %arg9[%dma_start3A_167, %dma_start3A_168] : memref<10112x128xf32, #tpu.memory_space<vmem_shared>> -> memref<10112x128xf32, #tpu.memory_space<vmem_shared>>
      tpu.enqueue_indirect_dma source(%dma_start3A_163 : memref<128x128xf32, #tpu.memory_space<vmem>>) target(%dma_start3A_169 : memref<10112x128xf32, #tpu.memory_space<vmem_shared>>) offsets(%dma_start3A_166 : memref<128xi32, #tpu.memory_space<vmem>>) semaphore(%run_scoped3A_159 : memref<!tpu.dma_semaphore, #tpu.memory_space<semaphore_mem>>) {add = true}
      %dma_wait3A_170 = arith.constant 0 : i32
      %dma_wait3A_171 = arith.constant 0 : i32
      %dma_wait3A_172 = tpu.memref_slice %arg8[%run_scoped3A_89, %dma_wait3A_170, %dma_wait3A_171] : memref<2x128x128xf32, #tpu.memory_space<vmem>> -> memref<1x128x128xf32, #tpu.memory_space<vmem>>
      %dma_wait3A_173 = tpu.memref_squeeze %dma_wait3A_172 : memref<1x128x128xf32, #tpu.memory_space<vmem>> -> memref<128x128xf32, #tpu.memory_space<vmem>>
      %dma_wait3A_174 = arith.constant 0 : i32
      %dma_wait3A_175 = tpu.memref_slice %arg7[%run_scoped3A_90, %dma_wait3A_174] : memref<40x128xi32, #tpu.memory_space<vmem>> -> memref<1x128xi32, #tpu.memory_space<vmem>>
      %dma_wait3A_176 = tpu.memref_squeeze %dma_wait3A_175 : memref<1x128xi32, #tpu.memory_space<vmem>> -> memref<128xi32, #tpu.memory_space<vmem>>
      %dma_wait3A_177 = arith.constant 0 : i32
      %dma_wait3A_178 = arith.constant 0 : i32
      %dma_wait3A_179 = tpu.memref_slice %arg9[%dma_wait3A_177, %dma_wait3A_178] : memref<10112x128xf32, #tpu.memory_space<vmem_shared>> -> memref<10112x128xf32, #tpu.memory_space<vmem_shared>>
      tpu.wait_indirect_dma semaphore(%run_scoped3A_159 : memref<!tpu.dma_semaphore, #tpu.memory_space<semaphore_mem>>) src(%dma_wait3A_173 : memref<128x128xf32, #tpu.memory_space<vmem>>) dst(%dma_wait3A_179 : memref<10112x128xf32, #tpu.memory_space<vmem_shared>>)
      tpu.yield
    }) : () -> ()
    %mul3A_91 = arith.constant 1280 : i32
    %mul3A_92 = arith.muli %arg0, %mul3A_91 : i32
    %mul3A_93 = arith.constant 80 : i32
    %mul3A_94 = arith.muli %arg1, %mul3A_93 : i32
    %add3A_95 = arith.addi %mul3A_92, %mul3A_94 : i32
    %add3A_96 = arith.constant 40 : i32
    %add3A_97 = arith.addi %add3A_95, %add3A_96 : i32
    "tpu.region"() ({
      %run_scoped3A_159 = tpu.sem_alloc : memref<!tpu.dma_semaphore, #tpu.memory_space<semaphore_mem>>
      %dma_start3A_160 = arith.constant 0 : i32
      %dma_start3A_161 = arith.constant 0 : i32
      %dma_start3A_162 = tpu.memref_slice %arg6[%dma_start3A_160, %dma_start3A_161] : memref<40x128xi32, #tpu.memory_space<vmem>> -> memref<40x128xi32, #tpu.memory_space<vmem>>
      %dma_start3A_163 = arith.constant 0 : i32
      %dma_start3A_164 = tpu.memref_slice %arg3[%add3A_97, %dma_start3A_163] : memref<2560x128xi32, #tpu.memory_space<hbm>> -> memref<40x128xi32, #tpu.memory_space<hbm>>
      %dma_start3A_165 = arith.constant 0 : i32
      %dma_start3A_166 = arith.constant 0 : i32
      %dma_start3A_167 = tpu.memref_slice %arg6[%dma_start3A_165, %dma_start3A_166] : memref<40x128xi32, #tpu.memory_space<vmem>> -> memref<40x128xi32, #tpu.memory_space<vmem>>
      %dma_start3A_168 = arith.constant 0 : i32
      %dma_start3A_169 = tpu.memref_slice %arg3[%add3A_97, %dma_start3A_168] : memref<2560x128xi32, #tpu.memory_space<hbm>> -> memref<40x128xi32, #tpu.memory_space<hbm>>
      tpu.enqueue_dma source(%dma_start3A_169 : memref<40x128xi32, #tpu.memory_space<hbm>>) target(%dma_start3A_167 : memref<40x128xi32, #tpu.memory_space<vmem>>) target_semaphore(%run_scoped3A_159 : memref<!tpu.dma_semaphore, #tpu.memory_space<semaphore_mem>>)
      %dma_wait3A_170 = arith.constant 0 : i32
      %dma_wait3A_171 = arith.constant 0 : i32
      %dma_wait3A_172 = tpu.memref_slice %arg6[%dma_wait3A_170, %dma_wait3A_171] : memref<40x128xi32, #tpu.memory_space<vmem>> -> memref<40x128xi32, #tpu.memory_space<vmem>>
      %dma_wait3A_173 = arith.constant 0 : i32
      %dma_wait3A_174 = tpu.memref_slice %arg3[%add3A_97, %dma_wait3A_173] : memref<2560x128xi32, #tpu.memory_space<hbm>> -> memref<40x128xi32, #tpu.memory_space<hbm>>
      %dma_wait3A_175 = arith.constant 0 : i32
      %dma_wait3A_176 = arith.constant 0 : i32
      %dma_wait3A_177 = tpu.memref_slice %arg6[%dma_wait3A_175, %dma_wait3A_176] : memref<40x128xi32, #tpu.memory_space<vmem>> -> memref<40x128xi32, #tpu.memory_space<vmem>>
      %dma_wait3A_178 = arith.constant 0 : i32
      %dma_wait3A_179 = tpu.memref_slice %arg3[%add3A_97, %dma_wait3A_178] : memref<2560x128xi32, #tpu.memory_space<hbm>> -> memref<40x128xi32, #tpu.memory_space<hbm>>
      tpu.wait_dma2 semaphore(%run_scoped3A_159 : memref<!tpu.dma_semaphore, #tpu.memory_space<semaphore_mem>>) src(%dma_wait3A_179 : memref<40x128xi32, #tpu.memory_space<hbm>>) dst(%dma_wait3A_177 : memref<40x128xi32, #tpu.memory_space<vmem>>)
      tpu.yield
    }) : () -> ()
    "tpu.region"() ({
      %run_scoped3A_159 = tpu.sem_alloc : memref<!tpu.dma_semaphore, #tpu.memory_space<semaphore_mem>>
      %dma_start3A_160 = arith.constant 0 : i32
      %dma_start3A_161 = arith.constant 0 : i32
      %dma_start3A_162 = tpu.memref_slice %arg7[%dma_start3A_160, %dma_start3A_161] : memref<40x128xi32, #tpu.memory_space<vmem>> -> memref<40x128xi32, #tpu.memory_space<vmem>>
      %dma_start3A_163 = arith.constant 0 : i32
      %dma_start3A_164 = tpu.memref_slice %arg4[%add3A_97, %dma_start3A_163] : memref<2560x128xi32, #tpu.memory_space<hbm>> -> memref<40x128xi32, #tpu.memory_space<hbm>>
      %dma_start3A_165 = arith.constant 0 : i32
      %dma_start3A_166 = arith.constant 0 : i32
      %dma_start3A_167 = tpu.memref_slice %arg7[%dma_start3A_165, %dma_start3A_166] : memref<40x128xi32, #tpu.memory_space<vmem>> -> memref<40x128xi32, #tpu.memory_space<vmem>>
      %dma_start3A_168 = arith.constant 0 : i32
      %dma_start3A_169 = tpu.memref_slice %arg4[%add3A_97, %dma_start3A_168] : memref<2560x128xi32, #tpu.memory_space<hbm>> -> memref<40x128xi32, #tpu.memory_space<hbm>>
      tpu.enqueue_dma source(%dma_start3A_169 : memref<40x128xi32, #tpu.memory_space<hbm>>) target(%dma_start3A_167 : memref<40x128xi32, #tpu.memory_space<vmem>>) target_semaphore(%run_scoped3A_159 : memref<!tpu.dma_semaphore, #tpu.memory_space<semaphore_mem>>)
      %dma_wait3A_170 = arith.constant 0 : i32
      %dma_wait3A_171 = arith.constant 0 : i32
      %dma_wait3A_172 = tpu.memref_slice %arg7[%dma_wait3A_170, %dma_wait3A_171] : memref<40x128xi32, #tpu.memory_space<vmem>> -> memref<40x128xi32, #tpu.memory_space<vmem>>
      %dma_wait3A_173 = arith.constant 0 : i32
      %dma_wait3A_174 = tpu.memref_slice %arg4[%add3A_97, %dma_wait3A_173] : memref<2560x128xi32, #tpu.memory_space<hbm>> -> memref<40x128xi32, #tpu.memory_space<hbm>>
      %dma_wait3A_175 = arith.constant 0 : i32
      %dma_wait3A_176 = arith.constant 0 : i32
      %dma_wait3A_177 = tpu.memref_slice %arg7[%dma_wait3A_175, %dma_wait3A_176] : memref<40x128xi32, #tpu.memory_space<vmem>> -> memref<40x128xi32, #tpu.memory_space<vmem>>
      %dma_wait3A_178 = arith.constant 0 : i32
      %dma_wait3A_179 = tpu.memref_slice %arg4[%add3A_97, %dma_wait3A_178] : memref<2560x128xi32, #tpu.memory_space<hbm>> -> memref<40x128xi32, #tpu.memory_space<hbm>>
      tpu.wait_dma2 semaphore(%run_scoped3A_159 : memref<!tpu.dma_semaphore, #tpu.memory_space<semaphore_mem>>) src(%dma_wait3A_179 : memref<40x128xi32, #tpu.memory_space<hbm>>) dst(%dma_wait3A_177 : memref<40x128xi32, #tpu.memory_space<vmem>>)
      tpu.yield
    }) : () -> ()
    %dma_start3A_98 = arith.constant 0 : i32
    %dma_start3A_99 = arith.constant 0 : i32
    %dma_start3A_100 = arith.constant 0 : i32
    %dma_start3A_101 = arith.constant 0 : i32
    %dma_start3A_102 = tpu.memref_slice %arg8[%dma_start3A_99, %dma_start3A_100, %dma_start3A_101] : memref<2x128x128xf32, #tpu.memory_space<vmem>> -> memref<1x128x128xf32, #tpu.memory_space<vmem>>
    %dma_start3A_103 = tpu.memref_squeeze %dma_start3A_102 : memref<1x128x128xf32, #tpu.memory_space<vmem>> -> memref<128x128xf32, #tpu.memory_space<vmem>>
    %dma_start3A_104 = arith.constant 0 : i32
    %dma_start3A_105 = tpu.memref_slice %arg6[%dma_start3A_98, %dma_start3A_104] : memref<40x128xi32, #tpu.memory_space<vmem>> -> memref<1x128xi32, #tpu.memory_space<vmem>>
    %dma_start3A_106 = tpu.memref_squeeze %dma_start3A_105 : memref<1x128xi32, #tpu.memory_space<vmem>> -> memref<128xi32, #tpu.memory_space<vmem>>
    %dma_start3A_107 = arith.constant 0 : i32
    %dma_start3A_108 = arith.constant 0 : i32
    %dma_start3A_109 = tpu.memref_slice %arg2[%dma_start3A_107, %dma_start3A_108] : memref<10000x128xf32, #tpu.memory_space<hbm>> -> memref<10000x128xf32, #tpu.memory_space<hbm>>
    tpu.enqueue_indirect_dma source(%dma_start3A_109 : memref<10000x128xf32, #tpu.memory_space<hbm>>) target(%dma_start3A_103 : memref<128x128xf32, #tpu.memory_space<vmem>>) offsets(%dma_start3A_106 : memref<128xi32, #tpu.memory_space<vmem>>) semaphore(%arg10 : memref<!tpu.dma_semaphore, #tpu.memory_space<semaphore_mem>>)
    %dma_start3A_110 = arith.constant 1 : i32
    %dma_start3A_111 = arith.constant 1 : i32
    %dma_start3A_112 = arith.constant 0 : i32
    %dma_start3A_113 = arith.constant 0 : i32
    %dma_start3A_114 = tpu.memref_slice %arg8[%dma_start3A_111, %dma_start3A_112, %dma_start3A_113] : memref<2x128x128xf32, #tpu.memory_space<vmem>> -> memref<1x128x128xf32, #tpu.memory_space<vmem>>
    %dma_start3A_115 = tpu.memref_squeeze %dma_start3A_114 : memref<1x128x128xf32, #tpu.memory_space<vmem>> -> memref<128x128xf32, #tpu.memory_space<vmem>>
    %dma_start3A_116 = arith.constant 0 : i32
    %dma_start3A_117 = tpu.memref_slice %arg6[%dma_start3A_110, %dma_start3A_116] : memref<40x128xi32, #tpu.memory_space<vmem>> -> memref<1x128xi32, #tpu.memory_space<vmem>>
    %dma_start3A_118 = tpu.memref_squeeze %dma_start3A_117 : memref<1x128xi32, #tpu.memory_space<vmem>> -> memref<128xi32, #tpu.memory_space<vmem>>
    %dma_start3A_119 = arith.constant 0 : i32
    %dma_start3A_120 = arith.constant 0 : i32
    %dma_start3A_121 = tpu.memref_slice %arg2[%dma_start3A_119, %dma_start3A_120] : memref<10000x128xf32, #tpu.memory_space<hbm>> -> memref<10000x128xf32, #tpu.memory_space<hbm>>
    tpu.enqueue_indirect_dma source(%dma_start3A_121 : memref<10000x128xf32, #tpu.memory_space<hbm>>) target(%dma_start3A_115 : memref<128x128xf32, #tpu.memory_space<vmem>>) offsets(%dma_start3A_118 : memref<128xi32, #tpu.memory_space<vmem>>) semaphore(%arg11 : memref<!tpu.dma_semaphore, #tpu.memory_space<semaphore_mem>>)
    %scan3A_122 = arith.constant 0 : i32
    %scan3A_123 = arith.constant 0 : i32
    %scan3A_124 = arith.constant 19 : i32
    %scan3A_125 = arith.addi %scan3A_123, %scan3A_124 : i32
    %scan3A_126 = arith.constant 1 : i32
    scf.for %scan3A_159 = %scan3A_123 to %scan3A_125 step %scan3A_126  : i32 {
      %mul3A_160 = arith.constant 2 : i32
      %mul3A_161 = arith.muli %scan3A_159, %mul3A_160 : i32
      %add3A_162 = arith.constant 0 : i32
      %add3A_163 = arith.addi %mul3A_161, %add3A_162 : i32
      %dma_wait3A_164 = arith.constant 0 : i32
      %dma_wait3A_165 = arith.constant 0 : i32
      %dma_wait3A_166 = arith.constant 0 : i32
      %dma_wait3A_167 = tpu.memref_slice %arg8[%dma_wait3A_164, %dma_wait3A_165, %dma_wait3A_166] : memref<2x128x128xf32, #tpu.memory_space<vmem>> -> memref<1x128x128xf32, #tpu.memory_space<vmem>>
      %dma_wait3A_168 = tpu.memref_squeeze %dma_wait3A_167 : memref<1x128x128xf32, #tpu.memory_space<vmem>> -> memref<128x128xf32, #tpu.memory_space<vmem>>
      %dma_wait3A_169 = arith.constant 0 : i32
      %dma_wait3A_170 = tpu.memref_slice %arg6[%add3A_163, %dma_wait3A_169] : memref<40x128xi32, #tpu.memory_space<vmem>> -> memref<1x128xi32, #tpu.memory_space<vmem>>
      %dma_wait3A_171 = tpu.memref_squeeze %dma_wait3A_170 : memref<1x128xi32, #tpu.memory_space<vmem>> -> memref<128xi32, #tpu.memory_space<vmem>>
      %dma_wait3A_172 = arith.constant 0 : i32
      %dma_wait3A_173 = arith.constant 0 : i32
      %dma_wait3A_174 = tpu.memref_slice %arg2[%dma_wait3A_172, %dma_wait3A_173] : memref<10000x128xf32, #tpu.memory_space<hbm>> -> memref<10000x128xf32, #tpu.memory_space<hbm>>
      tpu.wait_indirect_dma semaphore(%arg10 : memref<!tpu.dma_semaphore, #tpu.memory_space<semaphore_mem>>) src(%dma_wait3A_174 : memref<10000x128xf32, #tpu.memory_space<hbm>>) dst(%dma_wait3A_168 : memref<128x128xf32, #tpu.memory_space<vmem>>)
      %run_scoped3A_175 = arith.constant 0 : i32
      "tpu.region"() ({
        %run_scoped3A_216 = tpu.sem_alloc : memref<!tpu.dma_semaphore, #tpu.memory_space<semaphore_mem>>
        %dma_start3A_217 = arith.constant 0 : i32
        %dma_start3A_218 = arith.constant 0 : i32
        %dma_start3A_219 = tpu.memref_slice %arg8[%run_scoped3A_175, %dma_start3A_217, %dma_start3A_218] : memref<2x128x128xf32, #tpu.memory_space<vmem>> -> memref<1x128x128xf32, #tpu.memory_space<vmem>>
        %dma_start3A_220 = tpu.memref_squeeze %dma_start3A_219 : memref<1x128x128xf32, #tpu.memory_space<vmem>> -> memref<128x128xf32, #tpu.memory_space<vmem>>
        %dma_start3A_221 = arith.constant 0 : i32
        %dma_start3A_222 = tpu.memref_slice %arg7[%add3A_163, %dma_start3A_221] : memref<40x128xi32, #tpu.memory_space<vmem>> -> memref<1x128xi32, #tpu.memory_space<vmem>>
        %dma_start3A_223 = tpu.memref_squeeze %dma_start3A_222 : memref<1x128xi32, #tpu.memory_space<vmem>> -> memref<128xi32, #tpu.memory_space<vmem>>
        %dma_start3A_224 = arith.constant 0 : i32
        %dma_start3A_225 = arith.constant 0 : i32
        %dma_start3A_226 = tpu.memref_slice %arg9[%dma_start3A_224, %dma_start3A_225] : memref<10112x128xf32, #tpu.memory_space<vmem_shared>> -> memref<10112x128xf32, #tpu.memory_space<vmem_shared>>
        tpu.enqueue_indirect_dma source(%dma_start3A_220 : memref<128x128xf32, #tpu.memory_space<vmem>>) target(%dma_start3A_226 : memref<10112x128xf32, #tpu.memory_space<vmem_shared>>) offsets(%dma_start3A_223 : memref<128xi32, #tpu.memory_space<vmem>>) semaphore(%run_scoped3A_216 : memref<!tpu.dma_semaphore, #tpu.memory_space<semaphore_mem>>) {add = true}
        %dma_wait3A_227 = arith.constant 0 : i32
        %dma_wait3A_228 = arith.constant 0 : i32
        %dma_wait3A_229 = tpu.memref_slice %arg8[%run_scoped3A_175, %dma_wait3A_227, %dma_wait3A_228] : memref<2x128x128xf32, #tpu.memory_space<vmem>> -> memref<1x128x128xf32, #tpu.memory_space<vmem>>
        %dma_wait3A_230 = tpu.memref_squeeze %dma_wait3A_229 : memref<1x128x128xf32, #tpu.memory_space<vmem>> -> memref<128x128xf32, #tpu.memory_space<vmem>>
        %dma_wait3A_231 = arith.constant 0 : i32
        %dma_wait3A_232 = tpu.memref_slice %arg7[%add3A_163, %dma_wait3A_231] : memref<40x128xi32, #tpu.memory_space<vmem>> -> memref<1x128xi32, #tpu.memory_space<vmem>>
        %dma_wait3A_233 = tpu.memref_squeeze %dma_wait3A_232 : memref<1x128xi32, #tpu.memory_space<vmem>> -> memref<128xi32, #tpu.memory_space<vmem>>
        %dma_wait3A_234 = arith.constant 0 : i32
        %dma_wait3A_235 = arith.constant 0 : i32
        %dma_wait3A_236 = tpu.memref_slice %arg9[%dma_wait3A_234, %dma_wait3A_235] : memref<10112x128xf32, #tpu.memory_space<vmem_shared>> -> memref<10112x128xf32, #tpu.memory_space<vmem_shared>>
        tpu.wait_indirect_dma semaphore(%run_scoped3A_216 : memref<!tpu.dma_semaphore, #tpu.memory_space<semaphore_mem>>) src(%dma_wait3A_230 : memref<128x128xf32, #tpu.memory_space<vmem>>) dst(%dma_wait3A_236 : memref<10112x128xf32, #tpu.memory_space<vmem_shared>>)
        tpu.yield
      }) : () -> ()
      %add3A_176 = arith.constant 2 : i32
      %add3A_177 = arith.addi %add3A_163, %add3A_176 : i32
      %dma_start3A_178 = arith.constant 0 : i32
      %dma_start3A_179 = arith.constant 0 : i32
      %dma_start3A_180 = arith.constant 0 : i32
      %dma_start3A_181 = tpu.memref_slice %arg8[%dma_start3A_178, %dma_start3A_179, %dma_start3A_180] : memref<2x128x128xf32, #tpu.memory_space<vmem>> -> memref<1x128x128xf32, #tpu.memory_space<vmem>>
      %dma_start3A_182 = tpu.memref_squeeze %dma_start3A_181 : memref<1x128x128xf32, #tpu.memory_space<vmem>> -> memref<128x128xf32, #tpu.memory_space<vmem>>
      %dma_start3A_183 = arith.constant 0 : i32
      %dma_start3A_184 = tpu.memref_slice %arg6[%add3A_177, %dma_start3A_183] : memref<40x128xi32, #tpu.memory_space<vmem>> -> memref<1x128xi32, #tpu.memory_space<vmem>>
      %dma_start3A_185 = tpu.memref_squeeze %dma_start3A_184 : memref<1x128xi32, #tpu.memory_space<vmem>> -> memref<128xi32, #tpu.memory_space<vmem>>
      %dma_start3A_186 = arith.constant 0 : i32
      %dma_start3A_187 = arith.constant 0 : i32
      %dma_start3A_188 = tpu.memref_slice %arg2[%dma_start3A_186, %dma_start3A_187] : memref<10000x128xf32, #tpu.memory_space<hbm>> -> memref<10000x128xf32, #tpu.memory_space<hbm>>
      tpu.enqueue_indirect_dma source(%dma_start3A_188 : memref<10000x128xf32, #tpu.memory_space<hbm>>) target(%dma_start3A_182 : memref<128x128xf32, #tpu.memory_space<vmem>>) offsets(%dma_start3A_185 : memref<128xi32, #tpu.memory_space<vmem>>) semaphore(%arg10 : memref<!tpu.dma_semaphore, #tpu.memory_space<semaphore_mem>>)
      %add3A_189 = arith.constant 1 : i32
      %add3A_190 = arith.addi %mul3A_161, %add3A_189 : i32
      %dma_wait3A_191 = arith.constant 1 : i32
      %dma_wait3A_192 = arith.constant 0 : i32
      %dma_wait3A_193 = arith.constant 0 : i32
      %dma_wait3A_194 = tpu.memref_slice %arg8[%dma_wait3A_191, %dma_wait3A_192, %dma_wait3A_193] : memref<2x128x128xf32, #tpu.memory_space<vmem>> -> memref<1x128x128xf32, #tpu.memory_space<vmem>>
      %dma_wait3A_195 = tpu.memref_squeeze %dma_wait3A_194 : memref<1x128x128xf32, #tpu.memory_space<vmem>> -> memref<128x128xf32, #tpu.memory_space<vmem>>
      %dma_wait3A_196 = arith.constant 0 : i32
      %dma_wait3A_197 = tpu.memref_slice %arg6[%add3A_190, %dma_wait3A_196] : memref<40x128xi32, #tpu.memory_space<vmem>> -> memref<1x128xi32, #tpu.memory_space<vmem>>
      %dma_wait3A_198 = tpu.memref_squeeze %dma_wait3A_197 : memref<1x128xi32, #tpu.memory_space<vmem>> -> memref<128xi32, #tpu.memory_space<vmem>>
      %dma_wait3A_199 = arith.constant 0 : i32
      %dma_wait3A_200 = arith.constant 0 : i32
      %dma_wait3A_201 = tpu.memref_slice %arg2[%dma_wait3A_199, %dma_wait3A_200] : memref<10000x128xf32, #tpu.memory_space<hbm>> -> memref<10000x128xf32, #tpu.memory_space<hbm>>
      tpu.wait_indirect_dma semaphore(%arg11 : memref<!tpu.dma_semaphore, #tpu.memory_space<semaphore_mem>>) src(%dma_wait3A_201 : memref<10000x128xf32, #tpu.memory_space<hbm>>) dst(%dma_wait3A_195 : memref<128x128xf32, #tpu.memory_space<vmem>>)
      %run_scoped3A_202 = arith.constant 1 : i32
      "tpu.region"() ({
        %run_scoped3A_216 = tpu.sem_alloc : memref<!tpu.dma_semaphore, #tpu.memory_space<semaphore_mem>>
        %dma_start3A_217 = arith.constant 0 : i32
        %dma_start3A_218 = arith.constant 0 : i32
        %dma_start3A_219 = tpu.memref_slice %arg8[%run_scoped3A_202, %dma_start3A_217, %dma_start3A_218] : memref<2x128x128xf32, #tpu.memory_space<vmem>> -> memref<1x128x128xf32, #tpu.memory_space<vmem>>
        %dma_start3A_220 = tpu.memref_squeeze %dma_start3A_219 : memref<1x128x128xf32, #tpu.memory_space<vmem>> -> memref<128x128xf32, #tpu.memory_space<vmem>>
        %dma_start3A_221 = arith.constant 0 : i32
        %dma_start3A_222 = tpu.memref_slice %arg7[%add3A_190, %dma_start3A_221] : memref<40x128xi32, #tpu.memory_space<vmem>> -> memref<1x128xi32, #tpu.memory_space<vmem>>
        %dma_start3A_223 = tpu.memref_squeeze %dma_start3A_222 : memref<1x128xi32, #tpu.memory_space<vmem>> -> memref<128xi32, #tpu.memory_space<vmem>>
        %dma_start3A_224 = arith.constant 0 : i32
        %dma_start3A_225 = arith.constant 0 : i32
        %dma_start3A_226 = tpu.memref_slice %arg9[%dma_start3A_224, %dma_start3A_225] : memref<10112x128xf32, #tpu.memory_space<vmem_shared>> -> memref<10112x128xf32, #tpu.memory_space<vmem_shared>>
        tpu.enqueue_indirect_dma source(%dma_start3A_220 : memref<128x128xf32, #tpu.memory_space<vmem>>) target(%dma_start3A_226 : memref<10112x128xf32, #tpu.memory_space<vmem_shared>>) offsets(%dma_start3A_223 : memref<128xi32, #tpu.memory_space<vmem>>) semaphore(%run_scoped3A_216 : memref<!tpu.dma_semaphore, #tpu.memory_space<semaphore_mem>>) {add = true}
        %dma_wait3A_227 = arith.constant 0 : i32
        %dma_wait3A_228 = arith.constant 0 : i32
        %dma_wait3A_229 = tpu.memref_slice %arg8[%run_scoped3A_202, %dma_wait3A_227, %dma_wait3A_228] : memref<2x128x128xf32, #tpu.memory_space<vmem>> -> memref<1x128x128xf32, #tpu.memory_space<vmem>>
        %dma_wait3A_230 = tpu.memref_squeeze %dma_wait3A_229 : memref<1x128x128xf32, #tpu.memory_space<vmem>> -> memref<128x128xf32, #tpu.memory_space<vmem>>
        %dma_wait3A_231 = arith.constant 0 : i32
        %dma_wait3A_232 = tpu.memref_slice %arg7[%add3A_190, %dma_wait3A_231] : memref<40x128xi32, #tpu.memory_space<vmem>> -> memref<1x128xi32, #tpu.memory_space<vmem>>
        %dma_wait3A_233 = tpu.memref_squeeze %dma_wait3A_232 : memref<1x128xi32, #tpu.memory_space<vmem>> -> memref<128xi32, #tpu.memory_space<vmem>>
        %dma_wait3A_234 = arith.constant 0 : i32
        %dma_wait3A_235 = arith.constant 0 : i32
        %dma_wait3A_236 = tpu.memref_slice %arg9[%dma_wait3A_234, %dma_wait3A_235] : memref<10112x128xf32, #tpu.memory_space<vmem_shared>> -> memref<10112x128xf32, #tpu.memory_space<vmem_shared>>
        tpu.wait_indirect_dma semaphore(%run_scoped3A_216 : memref<!tpu.dma_semaphore, #tpu.memory_space<semaphore_mem>>) src(%dma_wait3A_230 : memref<128x128xf32, #tpu.memory_space<vmem>>) dst(%dma_wait3A_236 : memref<10112x128xf32, #tpu.memory_space<vmem_shared>>)
        tpu.yield
      }) : () -> ()
      %add3A_203 = arith.constant 2 : i32
      %add3A_204 = arith.addi %add3A_190, %add3A_203 : i32
      %dma_start3A_205 = arith.constant 1 : i32
      %dma_start3A_206 = arith.constant 0 : i32
      %dma_start3A_207 = arith.constant 0 : i32
      %dma_start3A_208 = tpu.memref_slice %arg8[%dma_start3A_205, %dma_start3A_206, %dma_start3A_207] : memref<2x128x128xf32, #tpu.memory_space<vmem>> -> memref<1x128x128xf32, #tpu.memory_space<vmem>>
      %dma_start3A_209 = tpu.memref_squeeze %dma_start3A_208 : memref<1x128x128xf32, #tpu.memory_space<vmem>> -> memref<128x128xf32, #tpu.memory_space<vmem>>
      %dma_start3A_210 = arith.constant 0 : i32
      %dma_start3A_211 = tpu.memref_slice %arg6[%add3A_204, %dma_start3A_210] : memref<40x128xi32, #tpu.memory_space<vmem>> -> memref<1x128xi32, #tpu.memory_space<vmem>>
      %dma_start3A_212 = tpu.memref_squeeze %dma_start3A_211 : memref<1x128xi32, #tpu.memory_space<vmem>> -> memref<128xi32, #tpu.memory_space<vmem>>
      %dma_start3A_213 = arith.constant 0 : i32
      %dma_start3A_214 = arith.constant 0 : i32
      %dma_start3A_215 = tpu.memref_slice %arg2[%dma_start3A_213, %dma_start3A_214] : memref<10000x128xf32, #tpu.memory_space<hbm>> -> memref<10000x128xf32, #tpu.memory_space<hbm>>
      tpu.enqueue_indirect_dma source(%dma_start3A_215 : memref<10000x128xf32, #tpu.memory_space<hbm>>) target(%dma_start3A_209 : memref<128x128xf32, #tpu.memory_space<vmem>>) offsets(%dma_start3A_212 : memref<128xi32, #tpu.memory_space<vmem>>) semaphore(%arg11 : memref<!tpu.dma_semaphore, #tpu.memory_space<semaphore_mem>>)
    }
    %scan3A_127 = arith.constant 19 : i32
    %dma_wait3A_128 = arith.constant 38 : i32
    %dma_wait3A_129 = arith.constant 0 : i32
    %dma_wait3A_130 = arith.constant 0 : i32
    %dma_wait3A_131 = arith.constant 0 : i32
    %dma_wait3A_132 = tpu.memref_slice %arg8[%dma_wait3A_129, %dma_wait3A_130, %dma_wait3A_131] : memref<2x128x128xf32, #tpu.memory_space<vmem>> -> memref<1x128x128xf32, #tpu.memory_space<vmem>>
    %dma_wait3A_133 = tpu.memref_squeeze %dma_wait3A_132 : memref<1x128x128xf32, #tpu.memory_space<vmem>> -> memref<128x128xf32, #tpu.memory_space<vmem>>
    %dma_wait3A_134 = arith.constant 0 : i32
    %dma_wait3A_135 = tpu.memref_slice %arg6[%dma_wait3A_128, %dma_wait3A_134] : memref<40x128xi32, #tpu.memory_space<vmem>> -> memref<1x128xi32, #tpu.memory_space<vmem>>
    %dma_wait3A_136 = tpu.memref_squeeze %dma_wait3A_135 : memref<1x128xi32, #tpu.memory_space<vmem>> -> memref<128xi32, #tpu.memory_space<vmem>>
    %dma_wait3A_137 = arith.constant 0 : i32
    %dma_wait3A_138 = arith.constant 0 : i32
    %dma_wait3A_139 = tpu.memref_slice %arg2[%dma_wait3A_137, %dma_wait3A_138] : memref<10000x128xf32, #tpu.memory_space<hbm>> -> memref<10000x128xf32, #tpu.memory_space<hbm>>
    tpu.wait_indirect_dma semaphore(%arg10 : memref<!tpu.dma_semaphore, #tpu.memory_space<semaphore_mem>>) src(%dma_wait3A_139 : memref<10000x128xf32, #tpu.memory_space<hbm>>) dst(%dma_wait3A_133 : memref<128x128xf32, #tpu.memory_space<vmem>>)
    %run_scoped3A_140 = arith.constant 0 : i32
    %run_scoped3A_141 = arith.constant 38 : i32
    "tpu.region"() ({
      %run_scoped3A_159 = tpu.sem_alloc : memref<!tpu.dma_semaphore, #tpu.memory_space<semaphore_mem>>
      %dma_start3A_160 = arith.constant 0 : i32
      %dma_start3A_161 = arith.constant 0 : i32
      %dma_start3A_162 = tpu.memref_slice %arg8[%run_scoped3A_140, %dma_start3A_160, %dma_start3A_161] : memref<2x128x128xf32, #tpu.memory_space<vmem>> -> memref<1x128x128xf32, #tpu.memory_space<vmem>>
      %dma_start3A_163 = tpu.memref_squeeze %dma_start3A_162 : memref<1x128x128xf32, #tpu.memory_space<vmem>> -> memref<128x128xf32, #tpu.memory_space<vmem>>
      %dma_start3A_164 = arith.constant 0 : i32
      %dma_start3A_165 = tpu.memref_slice %arg7[%run_scoped3A_141, %dma_start3A_164] : memref<40x128xi32, #tpu.memory_space<vmem>> -> memref<1x128xi32, #tpu.memory_space<vmem>>
      %dma_start3A_166 = tpu.memref_squeeze %dma_start3A_165 : memref<1x128xi32, #tpu.memory_space<vmem>> -> memref<128xi32, #tpu.memory_space<vmem>>
      %dma_start3A_167 = arith.constant 0 : i32
      %dma_start3A_168 = arith.constant 0 : i32
      %dma_start3A_169 = tpu.memref_slice %arg9[%dma_start3A_167, %dma_start3A_168] : memref<10112x128xf32, #tpu.memory_space<vmem_shared>> -> memref<10112x128xf32, #tpu.memory_space<vmem_shared>>
      tpu.enqueue_indirect_dma source(%dma_start3A_163 : memref<128x128xf32, #tpu.memory_space<vmem>>) target(%dma_start3A_169 : memref<10112x128xf32, #tpu.memory_space<vmem_shared>>) offsets(%dma_start3A_166 : memref<128xi32, #tpu.memory_space<vmem>>) semaphore(%run_scoped3A_159 : memref<!tpu.dma_semaphore, #tpu.memory_space<semaphore_mem>>) {add = true}
      %dma_wait3A_170 = arith.constant 0 : i32
      %dma_wait3A_171 = arith.constant 0 : i32
      %dma_wait3A_172 = tpu.memref_slice %arg8[%run_scoped3A_140, %dma_wait3A_170, %dma_wait3A_171] : memref<2x128x128xf32, #tpu.memory_space<vmem>> -> memref<1x128x128xf32, #tpu.memory_space<vmem>>
      %dma_wait3A_173 = tpu.memref_squeeze %dma_wait3A_172 : memref<1x128x128xf32, #tpu.memory_space<vmem>> -> memref<128x128xf32, #tpu.memory_space<vmem>>
      %dma_wait3A_174 = arith.constant 0 : i32
      %dma_wait3A_175 = tpu.memref_slice %arg7[%run_scoped3A_141, %dma_wait3A_174] : memref<40x128xi32, #tpu.memory_space<vmem>> -> memref<1x128xi32, #tpu.memory_space<vmem>>
      %dma_wait3A_176 = tpu.memref_squeeze %dma_wait3A_175 : memref<1x128xi32, #tpu.memory_space<vmem>> -> memref<128xi32, #tpu.memory_space<vmem>>
      %dma_wait3A_177 = arith.constant 0 : i32
      %dma_wait3A_178 = arith.constant 0 : i32
      %dma_wait3A_179 = tpu.memref_slice %arg9[%dma_wait3A_177, %dma_wait3A_178] : memref<10112x128xf32, #tpu.memory_space<vmem_shared>> -> memref<10112x128xf32, #tpu.memory_space<vmem_shared>>
      tpu.wait_indirect_dma semaphore(%run_scoped3A_159 : memref<!tpu.dma_semaphore, #tpu.memory_space<semaphore_mem>>) src(%dma_wait3A_173 : memref<128x128xf32, #tpu.memory_space<vmem>>) dst(%dma_wait3A_179 : memref<10112x128xf32, #tpu.memory_space<vmem_shared>>)
      tpu.yield
    }) : () -> ()
    %dma_wait3A_142 = arith.constant 39 : i32
    %dma_wait3A_143 = arith.constant 1 : i32
    %dma_wait3A_144 = arith.constant 0 : i32
    %dma_wait3A_145 = arith.constant 0 : i32
    %dma_wait3A_146 = tpu.memref_slice %arg8[%dma_wait3A_143, %dma_wait3A_144, %dma_wait3A_145] : memref<2x128x128xf32, #tpu.memory_space<vmem>> -> memref<1x128x128xf32, #tpu.memory_space<vmem>>
    %dma_wait3A_147 = tpu.memref_squeeze %dma_wait3A_146 : memref<1x128x128xf32, #tpu.memory_space<vmem>> -> memref<128x128xf32, #tpu.memory_space<vmem>>
    %dma_wait3A_148 = arith.constant 0 : i32
    %dma_wait3A_149 = tpu.memref_slice %arg6[%dma_wait3A_142, %dma_wait3A_148] : memref<40x128xi32, #tpu.memory_space<vmem>> -> memref<1x128xi32, #tpu.memory_space<vmem>>
    %dma_wait3A_150 = tpu.memref_squeeze %dma_wait3A_149 : memref<1x128xi32, #tpu.memory_space<vmem>> -> memref<128xi32, #tpu.memory_space<vmem>>
    %dma_wait3A_151 = arith.constant 0 : i32
    %dma_wait3A_152 = arith.constant 0 : i32
    %dma_wait3A_153 = tpu.memref_slice %arg2[%dma_wait3A_151, %dma_wait3A_152] : memref<10000x128xf32, #tpu.memory_space<hbm>> -> memref<10000x128xf32, #tpu.memory_space<hbm>>
    tpu.wait_indirect_dma semaphore(%arg11 : memref<!tpu.dma_semaphore, #tpu.memory_space<semaphore_mem>>) src(%dma_wait3A_153 : memref<10000x128xf32, #tpu.memory_space<hbm>>) dst(%dma_wait3A_147 : memref<128x128xf32, #tpu.memory_space<vmem>>)
    %run_scoped3A_154 = arith.constant 1 : i32
    %run_scoped3A_155 = arith.constant 39 : i32
    "tpu.region"() ({
      %run_scoped3A_159 = tpu.sem_alloc : memref<!tpu.dma_semaphore, #tpu.memory_space<semaphore_mem>>
      %dma_start3A_160 = arith.constant 0 : i32
      %dma_start3A_161 = arith.constant 0 : i32
      %dma_start3A_162 = tpu.memref_slice %arg8[%run_scoped3A_154, %dma_start3A_160, %dma_start3A_161] : memref<2x128x128xf32, #tpu.memory_space<vmem>> -> memref<1x128x128xf32, #tpu.memory_space<vmem>>
      %dma_start3A_163 = tpu.memref_squeeze %dma_start3A_162 : memref<1x128x128xf32, #tpu.memory_space<vmem>> -> memref<128x128xf32, #tpu.memory_space<vmem>>
      %dma_start3A_164 = arith.constant 0 : i32
      %dma_start3A_165 = tpu.memref_slice %arg7[%run_scoped3A_155, %dma_start3A_164] : memref<40x128xi32, #tpu.memory_space<vmem>> -> memref<1x128xi32, #tpu.memory_space<vmem>>
      %dma_start3A_166 = tpu.memref_squeeze %dma_start3A_165 : memref<1x128xi32, #tpu.memory_space<vmem>> -> memref<128xi32, #tpu.memory_space<vmem>>
      %dma_start3A_167 = arith.constant 0 : i32
      %dma_start3A_168 = arith.constant 0 : i32
      %dma_start3A_169 = tpu.memref_slice %arg9[%dma_start3A_167, %dma_start3A_168] : memref<10112x128xf32, #tpu.memory_space<vmem_shared>> -> memref<10112x128xf32, #tpu.memory_space<vmem_shared>>
      tpu.enqueue_indirect_dma source(%dma_start3A_163 : memref<128x128xf32, #tpu.memory_space<vmem>>) target(%dma_start3A_169 : memref<10112x128xf32, #tpu.memory_space<vmem_shared>>) offsets(%dma_start3A_166 : memref<128xi32, #tpu.memory_space<vmem>>) semaphore(%run_scoped3A_159 : memref<!tpu.dma_semaphore, #tpu.memory_space<semaphore_mem>>) {add = true}
      %dma_wait3A_170 = arith.constant 0 : i32
      %dma_wait3A_171 = arith.constant 0 : i32
      %dma_wait3A_172 = tpu.memref_slice %arg8[%run_scoped3A_154, %dma_wait3A_170, %dma_wait3A_171] : memref<2x128x128xf32, #tpu.memory_space<vmem>> -> memref<1x128x128xf32, #tpu.memory_space<vmem>>
      %dma_wait3A_173 = tpu.memref_squeeze %dma_wait3A_172 : memref<1x128x128xf32, #tpu.memory_space<vmem>> -> memref<128x128xf32, #tpu.memory_space<vmem>>
      %dma_wait3A_174 = arith.constant 0 : i32
      %dma_wait3A_175 = tpu.memref_slice %arg7[%run_scoped3A_155, %dma_wait3A_174] : memref<40x128xi32, #tpu.memory_space<vmem>> -> memref<1x128xi32, #tpu.memory_space<vmem>>
      %dma_wait3A_176 = tpu.memref_squeeze %dma_wait3A_175 : memref<1x128xi32, #tpu.memory_space<vmem>> -> memref<128xi32, #tpu.memory_space<vmem>>
      %dma_wait3A_177 = arith.constant 0 : i32
      %dma_wait3A_178 = arith.constant 0 : i32
      %dma_wait3A_179 = tpu.memref_slice %arg9[%dma_wait3A_177, %dma_wait3A_178] : memref<10112x128xf32, #tpu.memory_space<vmem_shared>> -> memref<10112x128xf32, #tpu.memory_space<vmem_shared>>
      tpu.wait_indirect_dma semaphore(%run_scoped3A_159 : memref<!tpu.dma_semaphore, #tpu.memory_space<semaphore_mem>>) src(%dma_wait3A_173 : memref<128x128xf32, #tpu.memory_space<vmem>>) dst(%dma_wait3A_179 : memref<10112x128xf32, #tpu.memory_space<vmem_shared>>)
      tpu.yield
    }) : () -> ()
    %barrier3A_156 = arith.constant 0 : index
    tpu.barrier barrier_id(%barrier3A_156)
    %mul3A_157 = arith.constant 632 : i32
    %mul3A_158 = arith.muli %arg1, %mul3A_157 : i32
    "tpu.region"() ({
      %run_scoped3A_159 = tpu.sem_alloc : memref<!tpu.dma_semaphore, #tpu.memory_space<semaphore_mem>>
      %dma_start3A_160 = arith.constant 0 : i32
      %dma_start3A_161 = tpu.memref_slice %arg5[%arg0, %mul3A_158, %dma_start3A_160] : memref<2x10112x128xf32, #tpu.memory_space<hbm>> -> memref<1x632x128xf32, #tpu.memory_space<hbm>>
      %dma_start3A_162 = tpu.memref_squeeze %dma_start3A_161 : memref<1x632x128xf32, #tpu.memory_space<hbm>> -> memref<632x128xf32, #tpu.memory_space<hbm>>
      %dma_start3A_163 = arith.constant 0 : i32
      %dma_start3A_164 = tpu.memref_slice %arg9[%mul3A_158, %dma_start3A_163] : memref<10112x128xf32, #tpu.memory_space<vmem_shared>> -> memref<632x128xf32, #tpu.memory_space<vmem_shared>>
      tpu.enqueue_dma source(%dma_start3A_164 : memref<632x128xf32, #tpu.memory_space<vmem_shared>>) target(%dma_start3A_162 : memref<632x128xf32, #tpu.memory_space<hbm>>) target_semaphore(%run_scoped3A_159 : memref<!tpu.dma_semaphore, #tpu.memory_space<semaphore_mem>>)
      %dma_wait3A_165 = arith.constant 0 : i32
      %dma_wait3A_166 = tpu.memref_slice %arg5[%arg0, %mul3A_158, %dma_wait3A_165] : memref<2x10112x128xf32, #tpu.memory_space<hbm>> -> memref<1x632x128xf32, #tpu.memory_space<hbm>>
      %dma_wait3A_167 = tpu.memref_squeeze %dma_wait3A_166 : memref<1x632x128xf32, #tpu.memory_space<hbm>> -> memref<632x128xf32, #tpu.memory_space<hbm>>
      %dma_wait3A_168 = arith.constant 0 : i32
      %dma_wait3A_169 = tpu.memref_slice %arg9[%mul3A_158, %dma_wait3A_168] : memref<10112x128xf32, #tpu.memory_space<vmem_shared>> -> memref<632x128xf32, #tpu.memory_space<vmem_shared>>
      tpu.wait_dma2 semaphore(%run_scoped3A_159 : memref<!tpu.dma_semaphore, #tpu.memory_space<semaphore_mem>>) src(%dma_wait3A_169 : memref<632x128xf32, #tpu.memory_space<vmem_shared>>) dst(%dma_wait3A_167 : memref<632x128xf32, #tpu.memory_space<hbm>>)
      tpu.yield
    }) : () -> ()
    return
  }
}

#map = affine_map<(d0, d1) -> (0, 0)>
#map1 = affine_map<(d0, d1) -> (0, 0, 0)>
module attributes {stable_mosaic.version = 14 : i64} {
  func.func @_sc_scatter_body(%arg0: i32, %arg1: i32, %arg2: memref<10000x128xf32, #tpu.memory_space<hbm>>, %arg3: memref<2560x128xi32, #tpu.memory_space<hbm>>, %arg4: memref<2560x128xi32, #tpu.memory_space<hbm>>, %arg5: memref<2x10112x128xf32, #tpu.memory_space<hbm>>, %arg6: memref<40x128xi32, #tpu.memory_space<vmem>>, %arg7: memref<40x128xi32, #tpu.memory_space<vmem>>, %arg8: memref<2x128x128xf32, #tpu.memory_space<vmem>>, %arg9: memref<10112x128xf32, #tpu.memory_space<vmem_shared>>, %arg10: memref<!tpu.dma_semaphore, #tpu.memory_space<semaphore_mem>>, %arg11: memref<!tpu.dma_semaphore, #tpu.memory_space<semaphore_mem>>) attributes {dimension_semantics = [#tpu.dimension_semantics<core_parallel>, #tpu.dimension_semantics<subcore_parallel>], iteration_bounds = array<i64: 2, 16>, scalar_prefetch = 0 : i64, scratch_operands = 6 : i64, tpu.core_type = #tpu.core_type<sc_vector_subcore>, window_params = [{transform_indices = #map}, {transform_indices = #map}, {transform_indices = #map}, {transform_indices = #map1}]} {
    %broadcast_in_dim3A = arith.constant 0.000000e+00 : f32
    %broadcast_in_dim3A_0 = vector.broadcast %broadcast_in_dim3A : f32 to vector<16xf32>
    %scan3A = arith.constant 0 : i32
    %scan3A_1 = arith.constant 0 : i32
    %scan3A_2 = arith.constant 128 : i32
    %scan3A_3 = arith.addi %scan3A_1, %scan3A_2 : i32
    %scan3A_4 = arith.constant 1 : i32
    scf.for %scan3A_159 = %scan3A_1 to %scan3A_3 step %scan3A_4  : i32 {
      %swap3A = arith.constant 0 : i32
      %swap3A_160 = arith.index_cast %swap3A : i32 to index
      %swap3A_161 = arith.index_cast %scan3A_159 : i32 to index
      %swap3A_162 = arith.constant 0 : index
      %swap3A_163 = tpu.vector_load %arg8[%swap3A_160, %swap3A_161, %swap3A_162] {strides = array<i32>} : memref<2x128x128xf32, #tpu.memory_space<vmem>>, vector<1x1x16xf32>,
      %swap3A_164 = vector.shape_cast %swap3A_163 : vector<1x1x16xf32> to vector<16xf32>
      %swap3A_165 = vector.shape_cast %broadcast_in_dim3A_0 : vector<16xf32> to vector<1x1x16xf32>
      tpu.vector_store %arg8[%swap3A_160, %swap3A_161, %swap3A_162], %swap3A_165 {strides = array<i32>} : memref<2x128x128xf32, #tpu.memory_space<vmem>>, vector<1x1x16xf32>,
      %swap3A_166 = arith.constant 0 : i32
      %swap3A_167 = arith.index_cast %swap3A_166 : i32 to index
      %swap3A_168 = arith.index_cast %scan3A_159 : i32 to index
      %swap3A_169 = arith.constant 16 : index
      %swap3A_170 = tpu.vector_load %arg8[%swap3A_167, %swap3A_168, %swap3A_169] {strides = array<i32>} : memref<2x128x128xf32, #tpu.memory_space<vmem>>, vector<1x1x16xf32>,
      %swap3A_171 = vector.shape_cast %swap3A_170 : vector<1x1x16xf32> to vector<16xf32>
      %swap3A_172 = vector.shape_cast %broadcast_in_dim3A_0 : vector<16xf32> to vector<1x1x16xf32>
      tpu.vector_store %arg8[%swap3A_167, %swap3A_168, %swap3A_169], %swap3A_172 {strides = array<i32>} : memref<2x128x128xf32, #tpu.memory_space<vmem>>, vector<1x1x16xf32>,
      %swap3A_173 = arith.constant 0 : i32
      %swap3A_174 = arith.index_cast %swap3A_173 : i32 to index
      %swap3A_175 = arith.index_cast %scan3A_159 : i32 to index
      %swap3A_176 = arith.constant 32 : index
      %swap3A_177 = tpu.vector_load %arg8[%swap3A_174, %swap3A_175, %swap3A_176] {strides = array<i32>} : memref<2x128x128xf32, #tpu.memory_space<vmem>>, vector<1x1x16xf32>,
      %swap3A_178 = vector.shape_cast %swap3A_177 : vector<1x1x16xf32> to vector<16xf32>
      %swap3A_179 = vector.shape_cast %broadcast_in_dim3A_0 : vector<16xf32> to vector<1x1x16xf32>
      tpu.vector_store %arg8[%swap3A_174, %swap3A_175, %swap3A_176], %swap3A_179 {strides = array<i32>} : memref<2x128x128xf32, #tpu.memory_space<vmem>>, vector<1x1x16xf32>,
      %swap3A_180 = arith.constant 0 : i32
      %swap3A_181 = arith.index_cast %swap3A_180 : i32 to index
      %swap3A_182 = arith.index_cast %scan3A_159 : i32 to index
      %swap3A_183 = arith.constant 48 : index
      %swap3A_184 = tpu.vector_load %arg8[%swap3A_181, %swap3A_182, %swap3A_183] {strides = array<i32>} : memref<2x128x128xf32, #tpu.memory_space<vmem>>, vector<1x1x16xf32>,
      %swap3A_185 = vector.shape_cast %swap3A_184 : vector<1x1x16xf32> to vector<16xf32>
      %swap3A_186 = vector.shape_cast %broadcast_in_dim3A_0 : vector<16xf32> to vector<1x1x16xf32>
      tpu.vector_store %arg8[%swap3A_181, %swap3A_182, %swap3A_183], %swap3A_186 {strides = array<i32>} : memref<2x128x128xf32, #tpu.memory_space<vmem>>, vector<1x1x16xf32>,
      %swap3A_187 = arith.constant 0 : i32
      %swap3A_188 = arith.index_cast %swap3A_187 : i32 to index
      %swap3A_189 = arith.index_cast %scan3A_159 : i32 to index
      %swap3A_190 = arith.constant 64 : index
      %swap3A_191 = tpu.vector_load %arg8[%swap3A_188, %swap3A_189, %swap3A_190] {strides = array<i32>} : memref<2x128x128xf32, #tpu.memory_space<vmem>>, vector<1x1x16xf32>,
      %swap3A_192 = vector.shape_cast %swap3A_191 : vector<1x1x16xf32> to vector<16xf32>
      %swap3A_193 = vector.shape_cast %broadcast_in_dim3A_0 : vector<16xf32> to vector<1x1x16xf32>
      tpu.vector_store %arg8[%swap3A_188, %swap3A_189, %swap3A_190], %swap3A_193 {strides = array<i32>} : memref<2x128x128xf32, #tpu.memory_space<vmem>>, vector<1x1x16xf32>,
      %swap3A_194 = arith.constant 0 : i32
      %swap3A_195 = arith.index_cast %swap3A_194 : i32 to index
      %swap3A_196 = arith.index_cast %scan3A_159 : i32 to index
      %swap3A_197 = arith.constant 80 : index
      %swap3A_198 = tpu.vector_load %arg8[%swap3A_195, %swap3A_196, %swap3A_197] {strides = array<i32>} : memref<2x128x128xf32, #tpu.memory_space<vmem>>, vector<1x1x16xf32>,
      %swap3A_199 = vector.shape_cast %swap3A_198 : vector<1x1x16xf32> to vector<16xf32>
      %swap3A_200 = vector.shape_cast %broadcast_in_dim3A_0 : vector<16xf32> to vector<1x1x16xf32>
      tpu.vector_store %arg8[%swap3A_195, %swap3A_196, %swap3A_197], %swap3A_200 {strides = array<i32>} : memref<2x128x128xf32, #tpu.memory_space<vmem>>, vector<1x1x16xf32>,
      %swap3A_201 = arith.constant 0 : i32
      %swap3A_202 = arith.index_cast %swap3A_201 : i32 to index
      %swap3A_203 = arith.index_cast %scan3A_159 : i32 to index
      %swap3A_204 = arith.constant 96 : index
      %swap3A_205 = tpu.vector_load %arg8[%swap3A_202, %swap3A_203, %swap3A_204] {strides = array<i32>} : memref<2x128x128xf32, #tpu.memory_space<vmem>>, vector<1x1x16xf32>,
      %swap3A_206 = vector.shape_cast %swap3A_205 : vector<1x1x16xf32> to vector<16xf32>
      %swap3A_207 = vector.shape_cast %broadcast_in_dim3A_0 : vector<16xf32> to vector<1x1x16xf32>
      tpu.vector_store %arg8[%swap3A_202, %swap3A_203, %swap3A_204], %swap3A_207 {strides = array<i32>} : memref<2x128x128xf32, #tpu.memory_space<vmem>>, vector<1x1x16xf32>,
      %swap3A_208 = arith.constant 0 : i32
      %swap3A_209 = arith.index_cast %swap3A_208 : i32 to index
      %swap3A_210 = arith.index_cast %scan3A_159 : i32 to index
      %swap3A_211 = arith.constant 112 : index
      %swap3A_212 = tpu.vector_load %arg8[%swap3A_209, %swap3A_210, %swap3A_211] {strides = array<i32>} : memref<2x128x128xf32, #tpu.memory_space<vmem>>, vector<1x1x16xf32>,
      %swap3A_213 = vector.shape_cast %swap3A_212 : vector<1x1x16xf32> to vector<16xf32>
      %swap3A_214 = vector.shape_cast %broadcast_in_dim3A_0 : vector<16xf32> to vector<1x1x16xf32>
      tpu.vector_store %arg8[%swap3A_209, %swap3A_210, %swap3A_211], %swap3A_214 {strides = array<i32>} : memref<2x128x128xf32, #tpu.memory_space<vmem>>, vector<1x1x16xf32>,
    }
    %scan3A_5 = arith.constant 128 : i32
    %mul3A = arith.constant 632 : i32
    %mul3A_6 = arith.muli %arg1, %mul3A : i32
    %add3A = arith.constant 0 : i32
    %add3A_7 = arith.addi %mul3A_6, %add3A : i32
    %run_scoped3A = arith.constant 0 : i32
    "tpu.region"() ({
      %run_scoped3A_159 = tpu.sem_alloc : memref<!tpu.dma_semaphore, #tpu.memory_space<semaphore_mem>>
      %dma_start3A_160 = arith.constant 0 : i32
      %dma_start3A_161 = arith.constant 0 : i32
      %dma_start3A_162 = tpu.memref_slice %arg8[%run_scoped3A, %dma_start3A_160, %dma_start3A_161] : memref<2x128x128xf32, #tpu.memory_space<vmem>> -> memref<1x128x128xf32, #tpu.memory_space<vmem>>
      %dma_start3A_163 = tpu.memref_squeeze %dma_start3A_162 : memref<1x128x128xf32, #tpu.memory_space<vmem>> -> memref<128x128xf32, #tpu.memory_space<vmem>>
      %dma_start3A_164 = arith.constant 0 : i32
      %dma_start3A_165 = tpu.memref_slice %arg9[%add3A_7, %dma_start3A_164] : memref<10112x128xf32, #tpu.memory_space<vmem_shared>> -> memref<128x128xf32, #tpu.memory_space<vmem_shared>>
      %dma_start3A_166 = arith.constant 0 : i32
      %dma_start3A_167 = tpu.memref_slice %arg9[%add3A_7, %dma_start3A_166] : memref<10112x128xf32, #tpu.memory_space<vmem_shared>> -> memref<128x128xf32, #tpu.memory_space<vmem_shared>>
      %dma_start3A_168 = arith.constant 0 : i32
      %dma_start3A_169 = arith.constant 0 : i32
      %dma_start3A_170 = tpu.memref_slice %arg8[%run_scoped3A, %dma_start3A_168, %dma_start3A_169] : memref<2x128x128xf32, #tpu.memory_space<vmem>> -> memref<1x128x128xf32, #tpu.memory_space<vmem>>
      %dma_start3A_171 = tpu.memref_squeeze %dma_start3A_170 : memref<1x128x128xf32, #tpu.memory_space<vmem>> -> memref<128x128xf32, #tpu.memory_space<vmem>>
      tpu.enqueue_dma source(%dma_start3A_171 : memref<128x128xf32, #tpu.memory_space<vmem>>) target(%dma_start3A_167 : memref<128x128xf32, #tpu.memory_space<vmem_shared>>) target_semaphore(%run_scoped3A_159 : memref<!tpu.dma_semaphore, #tpu.memory_space<semaphore_mem>>)
      %dma_wait3A_172 = arith.constant 0 : i32
      %dma_wait3A_173 = arith.constant 0 : i32
      %dma_wait3A_174 = tpu.memref_slice %arg8[%run_scoped3A, %dma_wait3A_172, %dma_wait3A_173] : memref<2x128x128xf32, #tpu.memory_space<vmem>> -> memref<1x128x128xf32, #tpu.memory_space<vmem>>
      %dma_wait3A_175 = tpu.memref_squeeze %dma_wait3A_174 : memref<1x128x128xf32, #tpu.memory_space<vmem>> -> memref<128x128xf32, #tpu.memory_space<vmem>>
      %dma_wait3A_176 = arith.constant 0 : i32
      %dma_wait3A_177 = tpu.memref_slice %arg9[%add3A_7, %dma_wait3A_176] : memref<10112x128xf32, #tpu.memory_space<vmem_shared>> -> memref<128x128xf32, #tpu.memory_space<vmem_shared>>
      %dma_wait3A_178 = arith.constant 0 : i32
      %dma_wait3A_179 = tpu.memref_slice %arg9[%add3A_7, %dma_wait3A_178] : memref<10112x128xf32, #tpu.memory_space<vmem_shared>> -> memref<128x128xf32, #tpu.memory_space<vmem_shared>>
      %dma_wait3A_180 = arith.constant 0 : i32
      %dma_wait3A_181 = arith.constant 0 : i32
      %dma_wait3A_182 = tpu.memref_slice %arg8[%run_scoped3A, %dma_wait3A_180, %dma_wait3A_181] : memref<2x128x128xf32, #tpu.memory_space<vmem>> -> memref<1x128x128xf32, #tpu.memory_space<vmem>>
      %dma_wait3A_183 = tpu.memref_squeeze %dma_wait3A_182 : memref<1x128x128xf32, #tpu.memory_space<vmem>> -> memref<128x128xf32, #tpu.memory_space<vmem>>
      tpu.wait_dma2 semaphore(%run_scoped3A_159 : memref<!tpu.dma_semaphore, #tpu.memory_space<semaphore_mem>>) src(%dma_wait3A_183 : memref<128x128xf32, #tpu.memory_space<vmem>>) dst(%dma_wait3A_179 : memref<128x128xf32, #tpu.memory_space<vmem_shared>>)
      tpu.yield
    }) : () -> ()
    %mul3A_8 = arith.constant 632 : i32
    %mul3A_9 = arith.muli %arg1, %mul3A_8 : i32
    %add3A_10 = arith.constant 128 : i32
    %add3A_11 = arith.addi %mul3A_9, %add3A_10 : i32
    %run_scoped3A_12 = arith.constant 0 : i32
    "tpu.region"() ({
      %run_scoped3A_159 = tpu.sem_alloc : memref<!tpu.dma_semaphore, #tpu.memory_space<semaphore_mem>>
      %dma_start3A_160 = arith.constant 0 : i32
      %dma_start3A_161 = arith.constant 0 : i32
      %dma_start3A_162 = tpu.memref_slice %arg8[%run_scoped3A_12, %dma_start3A_160, %dma_start3A_161] : memref<2x128x128xf32, #tpu.memory_space<vmem>> -> memref<1x128x128xf32, #tpu.memory_space<vmem>>
      %dma_start3A_163 = tpu.memref_squeeze %dma_start3A_162 : memref<1x128x128xf32, #tpu.memory_space<vmem>> -> memref<128x128xf32, #tpu.memory_space<vmem>>
      %dma_start3A_164 = arith.constant 0 : i32
      %dma_start3A_165 = tpu.memref_slice %arg9[%add3A_11, %dma_start3A_164] : memref<10112x128xf32, #tpu.memory_space<vmem_shared>> -> memref<128x128xf32, #tpu.memory_space<vmem_shared>>
      %dma_start3A_166 = arith.constant 0 : i32
      %dma_start3A_167 = tpu.memref_slice %arg9[%add3A_11, %dma_start3A_166] : memref<10112x128xf32, #tpu.memory_space<vmem_shared>> -> memref<128x128xf32, #tpu.memory_space<vmem_shared>>
      %dma_start3A_168 = arith.constant 0 : i32
      %dma_start3A_169 = arith.constant 0 : i32
      %dma_start3A_170 = tpu.memref_slice %arg8[%run_scoped3A_12, %dma_start3A_168, %dma_start3A_169] : memref<2x128x128xf32, #tpu.memory_space<vmem>> -> memref<1x128x128xf32, #tpu.memory_space<vmem>>
      %dma_start3A_171 = tpu.memref_squeeze %dma_start3A_170 : memref<1x128x128xf32, #tpu.memory_space<vmem>> -> memref<128x128xf32, #tpu.memory_space<vmem>>
      tpu.enqueue_dma source(%dma_start3A_171 : memref<128x128xf32, #tpu.memory_space<vmem>>) target(%dma_start3A_167 : memref<128x128xf32, #tpu.memory_space<vmem_shared>>) target_semaphore(%run_scoped3A_159 : memref<!tpu.dma_semaphore, #tpu.memory_space<semaphore_mem>>)
      %dma_wait3A_172 = arith.constant 0 : i32
      %dma_wait3A_173 = arith.constant 0 : i32
      %dma_wait3A_174 = tpu.memref_slice %arg8[%run_scoped3A_12, %dma_wait3A_172, %dma_wait3A_173] : memref<2x128x128xf32, #tpu.memory_space<vmem>> -> memref<1x128x128xf32, #tpu.memory_space<vmem>>
      %dma_wait3A_175 = tpu.memref_squeeze %dma_wait3A_174 : memref<1x128x128xf32, #tpu.memory_space<vmem>> -> memref<128x128xf32, #tpu.memory_space<vmem>>
      %dma_wait3A_176 = arith.constant 0 : i32
      %dma_wait3A_177 = tpu.memref_slice %arg9[%add3A_11, %dma_wait3A_176] : memref<10112x128xf32, #tpu.memory_space<vmem_shared>> -> memref<128x128xf32, #tpu.memory_space<vmem_shared>>
      %dma_wait3A_178 = arith.constant 0 : i32
      %dma_wait3A_179 = tpu.memref_slice %arg9[%add3A_11, %dma_wait3A_178] : memref<10112x128xf32, #tpu.memory_space<vmem_shared>> -> memref<128x128xf32, #tpu.memory_space<vmem_shared>>
      %dma_wait3A_180 = arith.constant 0 : i32
      %dma_wait3A_181 = arith.constant 0 : i32
      %dma_wait3A_182 = tpu.memref_slice %arg8[%run_scoped3A_12, %dma_wait3A_180, %dma_wait3A_181] : memref<2x128x128xf32, #tpu.memory_space<vmem>> -> memref<1x128x128xf32, #tpu.memory_space<vmem>>
      %dma_wait3A_183 = tpu.memref_squeeze %dma_wait3A_182 : memref<1x128x128xf32, #tpu.memory_space<vmem>> -> memref<128x128xf32, #tpu.memory_space<vmem>>
      tpu.wait_dma2 semaphore(%run_scoped3A_159 : memref<!tpu.dma_semaphore, #tpu.memory_space<semaphore_mem>>) src(%dma_wait3A_183 : memref<128x128xf32, #tpu.memory_space<vmem>>) dst(%dma_wait3A_179 : memref<128x128xf32, #tpu.memory_space<vmem_shared>>)
      tpu.yield
    }) : () -> ()
    %mul3A_13 = arith.constant 632 : i32
    %mul3A_14 = arith.muli %arg1, %mul3A_13 : i32
    %add3A_15 = arith.constant 256 : i32
    %add3A_16 = arith.addi %mul3A_14, %add3A_15 : i32
    %run_scoped3A_17 = arith.constant 0 : i32
    "tpu.region"() ({
      %run_scoped3A_159 = tpu.sem_alloc : memref<!tpu.dma_semaphore, #tpu.memory_space<semaphore_mem>>
      %dma_start3A_160 = arith.constant 0 : i32
      %dma_start3A_161 = arith.constant 0 : i32
      %dma_start3A_162 = tpu.memref_slice %arg8[%run_scoped3A_17, %dma_start3A_160, %dma_start3A_161] : memref<2x128x128xf32, #tpu.memory_space<vmem>> -> memref<1x128x128xf32, #tpu.memory_space<vmem>>
      %dma_start3A_163 = tpu.memref_squeeze %dma_start3A_162 : memref<1x128x128xf32, #tpu.memory_space<vmem>> -> memref<128x128xf32, #tpu.memory_space<vmem>>
      %dma_start3A_164 = arith.constant 0 : i32
      %dma_start3A_165 = tpu.memref_slice %arg9[%add3A_16, %dma_start3A_164] : memref<10112x128xf32, #tpu.memory_space<vmem_shared>> -> memref<128x128xf32, #tpu.memory_space<vmem_shared>>
      %dma_start3A_166 = arith.constant 0 : i32
      %dma_start3A_167 = tpu.memref_slice %arg9[%add3A_16, %dma_start3A_166] : memref<10112x128xf32, #tpu.memory_space<vmem_shared>> -> memref<128x128xf32, #tpu.memory_space<vmem_shared>>
      %dma_start3A_168 = arith.constant 0 : i32
      %dma_start3A_169 = arith.constant 0 : i32
      %dma_start3A_170 = tpu.memref_slice %arg8[%run_scoped3A_17, %dma_start3A_168, %dma_start3A_169] : memref<2x128x128xf32, #tpu.memory_space<vmem>> -> memref<1x128x128xf32, #tpu.memory_space<vmem>>
      %dma_start3A_171 = tpu.memref_squeeze %dma_start3A_170 : memref<1x128x128xf32, #tpu.memory_space<vmem>> -> memref<128x128xf32, #tpu.memory_space<vmem>>
      tpu.enqueue_dma source(%dma_start3A_171 : memref<128x128xf32, #tpu.memory_space<vmem>>) target(%dma_start3A_167 : memref<128x128xf32, #tpu.memory_space<vmem_shared>>) target_semaphore(%run_scoped3A_159 : memref<!tpu.dma_semaphore, #tpu.memory_space<semaphore_mem>>)
      %dma_wait3A_172 = arith.constant 0 : i32
      %dma_wait3A_173 = arith.constant 0 : i32
      %dma_wait3A_174 = tpu.memref_slice %arg8[%run_scoped3A_17, %dma_wait3A_172, %dma_wait3A_173] : memref<2x128x128xf32, #tpu.memory_space<vmem>> -> memref<1x128x128xf32, #tpu.memory_space<vmem>>
      %dma_wait3A_175 = tpu.memref_squeeze %dma_wait3A_174 : memref<1x128x128xf32, #tpu.memory_space<vmem>> -> memref<128x128xf32, #tpu.memory_space<vmem>>
      %dma_wait3A_176 = arith.constant 0 : i32
      %dma_wait3A_177 = tpu.memref_slice %arg9[%add3A_16, %dma_wait3A_176] : memref<10112x128xf32, #tpu.memory_space<vmem_shared>> -> memref<128x128xf32, #tpu.memory_space<vmem_shared>>
      %dma_wait3A_178 = arith.constant 0 : i32
      %dma_wait3A_179 = tpu.memref_slice %arg9[%add3A_16, %dma_wait3A_178] : memref<10112x128xf32, #tpu.memory_space<vmem_shared>> -> memref<128x128xf32, #tpu.memory_space<vmem_shared>>
      %dma_wait3A_180 = arith.constant 0 : i32
      %dma_wait3A_181 = arith.constant 0 : i32
      %dma_wait3A_182 = tpu.memref_slice %arg8[%run_scoped3A_17, %dma_wait3A_180, %dma_wait3A_181] : memref<2x128x128xf32, #tpu.memory_space<vmem>> -> memref<1x128x128xf32, #tpu.memory_space<vmem>>
      %dma_wait3A_183 = tpu.memref_squeeze %dma_wait3A_182 : memref<1x128x128xf32, #tpu.memory_space<vmem>> -> memref<128x128xf32, #tpu.memory_space<vmem>>
      tpu.wait_dma2 semaphore(%run_scoped3A_159 : memref<!tpu.dma_semaphore, #tpu.memory_space<semaphore_mem>>) src(%dma_wait3A_183 : memref<128x128xf32, #tpu.memory_space<vmem>>) dst(%dma_wait3A_179 : memref<128x128xf32, #tpu.memory_space<vmem_shared>>)
      tpu.yield
    }) : () -> ()
    %mul3A_18 = arith.constant 632 : i32
    %mul3A_19 = arith.muli %arg1, %mul3A_18 : i32
    %add3A_20 = arith.constant 384 : i32
    %add3A_21 = arith.addi %mul3A_19, %add3A_20 : i32
    %run_scoped3A_22 = arith.constant 0 : i32
    "tpu.region"() ({
      %run_scoped3A_159 = tpu.sem_alloc : memref<!tpu.dma_semaphore, #tpu.memory_space<semaphore_mem>>
      %dma_start3A_160 = arith.constant 0 : i32
      %dma_start3A_161 = arith.constant 0 : i32
      %dma_start3A_162 = tpu.memref_slice %arg8[%run_scoped3A_22, %dma_start3A_160, %dma_start3A_161] : memref<2x128x128xf32, #tpu.memory_space<vmem>> -> memref<1x128x128xf32, #tpu.memory_space<vmem>>
      %dma_start3A_163 = tpu.memref_squeeze %dma_start3A_162 : memref<1x128x128xf32, #tpu.memory_space<vmem>> -> memref<128x128xf32, #tpu.memory_space<vmem>>
      %dma_start3A_164 = arith.constant 0 : i32
      %dma_start3A_165 = tpu.memref_slice %arg9[%add3A_21, %dma_start3A_164] : memref<10112x128xf32, #tpu.memory_space<vmem_shared>> -> memref<128x128xf32, #tpu.memory_space<vmem_shared>>
      %dma_start3A_166 = arith.constant 0 : i32
      %dma_start3A_167 = tpu.memref_slice %arg9[%add3A_21, %dma_start3A_166] : memref<10112x128xf32, #tpu.memory_space<vmem_shared>> -> memref<128x128xf32, #tpu.memory_space<vmem_shared>>
      %dma_start3A_168 = arith.constant 0 : i32
      %dma_start3A_169 = arith.constant 0 : i32
      %dma_start3A_170 = tpu.memref_slice %arg8[%run_scoped3A_22, %dma_start3A_168, %dma_start3A_169] : memref<2x128x128xf32, #tpu.memory_space<vmem>> -> memref<1x128x128xf32, #tpu.memory_space<vmem>>
      %dma_start3A_171 = tpu.memref_squeeze %dma_start3A_170 : memref<1x128x128xf32, #tpu.memory_space<vmem>> -> memref<128x128xf32, #tpu.memory_space<vmem>>
      tpu.enqueue_dma source(%dma_start3A_171 : memref<128x128xf32, #tpu.memory_space<vmem>>) target(%dma_start3A_167 : memref<128x128xf32, #tpu.memory_space<vmem_shared>>) target_semaphore(%run_scoped3A_159 : memref<!tpu.dma_semaphore, #tpu.memory_space<semaphore_mem>>)
      %dma_wait3A_172 = arith.constant 0 : i32
      %dma_wait3A_173 = arith.constant 0 : i32
      %dma_wait3A_174 = tpu.memref_slice %arg8[%run_scoped3A_22, %dma_wait3A_172, %dma_wait3A_173] : memref<2x128x128xf32, #tpu.memory_space<vmem>> -> memref<1x128x128xf32, #tpu.memory_space<vmem>>
      %dma_wait3A_175 = tpu.memref_squeeze %dma_wait3A_174 : memref<1x128x128xf32, #tpu.memory_space<vmem>> -> memref<128x128xf32, #tpu.memory_space<vmem>>
      %dma_wait3A_176 = arith.constant 0 : i32
      %dma_wait3A_177 = tpu.memref_slice %arg9[%add3A_21, %dma_wait3A_176] : memref<10112x128xf32, #tpu.memory_space<vmem_shared>> -> memref<128x128xf32, #tpu.memory_space<vmem_shared>>
      %dma_wait3A_178 = arith.constant 0 : i32
      %dma_wait3A_179 = tpu.memref_slice %arg9[%add3A_21, %dma_wait3A_178] : memref<10112x128xf32, #tpu.memory_space<vmem_shared>> -> memref<128x128xf32, #tpu.memory_space<vmem_shared>>
      %dma_wait3A_180 = arith.constant 0 : i32
      %dma_wait3A_181 = arith.constant 0 : i32
      %dma_wait3A_182 = tpu.memref_slice %arg8[%run_scoped3A_22, %dma_wait3A_180, %dma_wait3A_181] : memref<2x128x128xf32, #tpu.memory_space<vmem>> -> memref<1x128x128xf32, #tpu.memory_space<vmem>>
      %dma_wait3A_183 = tpu.memref_squeeze %dma_wait3A_182 : memref<1x128x128xf32, #tpu.memory_space<vmem>> -> memref<128x128xf32, #tpu.memory_space<vmem>>
      tpu.wait_dma2 semaphore(%run_scoped3A_159 : memref<!tpu.dma_semaphore, #tpu.memory_space<semaphore_mem>>) src(%dma_wait3A_183 : memref<128x128xf32, #tpu.memory_space<vmem>>) dst(%dma_wait3A_179 : memref<128x128xf32, #tpu.memory_space<vmem_shared>>)
      tpu.yield
    }) : () -> ()
    %mul3A_23 = arith.constant 632 : i32
    %mul3A_24 = arith.muli %arg1, %mul3A_23 : i32
    %add3A_25 = arith.constant 512 : i32
    %add3A_26 = arith.addi %mul3A_24, %add3A_25 : i32
    %run_scoped3A_27 = arith.constant 0 : i32
    "tpu.region"() ({
      %run_scoped3A_159 = tpu.sem_alloc : memref<!tpu.dma_semaphore, #tpu.memory_space<semaphore_mem>>
      %dma_start3A_160 = arith.constant 0 : i32
      %dma_start3A_161 = arith.constant 0 : i32
      %dma_start3A_162 = tpu.memref_slice %arg8[%run_scoped3A_27, %dma_start3A_160, %dma_start3A_161] : memref<2x128x128xf32, #tpu.memory_space<vmem>> -> memref<1x128x128xf32, #tpu.memory_space<vmem>>
      %dma_start3A_163 = tpu.memref_squeeze %dma_start3A_162 : memref<1x128x128xf32, #tpu.memory_space<vmem>> -> memref<128x128xf32, #tpu.memory_space<vmem>>
      %dma_start3A_164 = arith.constant 0 : i32
      %dma_start3A_165 = arith.constant 0 : i32
      %dma_start3A_166 = tpu.memref_slice %dma_start3A_163[%dma_start3A_164, %dma_start3A_165] : memref<128x128xf32, #tpu.memory_space<vmem>> -> memref<120x128xf32, #tpu.memory_space<vmem>>
      %dma_start3A_167 = arith.constant 0 : i32
      %dma_start3A_168 = tpu.memref_slice %arg9[%add3A_26, %dma_start3A_167] : memref<10112x128xf32, #tpu.memory_space<vmem_shared>> -> memref<120x128xf32, #tpu.memory_space<vmem_shared>>
      %dma_start3A_169 = arith.constant 0 : i32
      %dma_start3A_170 = tpu.memref_slice %arg9[%add3A_26, %dma_start3A_169] : memref<10112x128xf32, #tpu.memory_space<vmem_shared>> -> memref<120x128xf32, #tpu.memory_space<vmem_shared>>
      %dma_start3A_171 = arith.constant 0 : i32
      %dma_start3A_172 = arith.constant 0 : i32
      %dma_start3A_173 = tpu.memref_slice %arg8[%run_scoped3A_27, %dma_start3A_171, %dma_start3A_172] : memref<2x128x128xf32, #tpu.memory_space<vmem>> -> memref<1x128x128xf32, #tpu.memory_space<vmem>>
      %dma_start3A_174 = tpu.memref_squeeze %dma_start3A_173 : memref<1x128x128xf32, #tpu.memory_space<vmem>> -> memref<128x128xf32, #tpu.memory_space<vmem>>
      %dma_start3A_175 = arith.constant 0 : i32
      %dma_start3A_176 = arith.constant 0 : i32
      %dma_start3A_177 = tpu.memref_slice %dma_start3A_174[%dma_start3A_175, %dma_start3A_176] : memref<128x128xf32, #tpu.memory_space<vmem>> -> memref<120x128xf32, #tpu.memory_space<vmem>>
      tpu.enqueue_dma source(%dma_start3A_177 : memref<120x128xf32, #tpu.memory_space<vmem>>) target(%dma_start3A_170 : memref<120x128xf32, #tpu.memory_space<vmem_shared>>) target_semaphore(%run_scoped3A_159 : memref<!tpu.dma_semaphore, #tpu.memory_space<semaphore_mem>>)
      %dma_wait3A_178 = arith.constant 0 : i32
      %dma_wait3A_179 = arith.constant 0 : i32
      %dma_wait3A_180 = tpu.memref_slice %arg8[%run_scoped3A_27, %dma_wait3A_178, %dma_wait3A_179] : memref<2x128x128xf32, #tpu.memory_space<vmem>> -> memref<1x128x128xf32, #tpu.memory_space<vmem>>
      %dma_wait3A_181 = tpu.memref_squeeze %dma_wait3A_180 : memref<1x128x128xf32, #tpu.memory_space<vmem>> -> memref<128x128xf32, #tpu.memory_space<vmem>>
      %dma_wait3A_182 = arith.constant 0 : i32
      %dma_wait3A_183 = arith.constant 0 : i32
      %dma_wait3A_184 = tpu.memref_slice %dma_wait3A_181[%dma_wait3A_182, %dma_wait3A_183] : memref<128x128xf32, #tpu.memory_space<vmem>> -> memref<120x128xf32, #tpu.memory_space<vmem>>
      %dma_wait3A_185 = arith.constant 0 : i32
      %dma_wait3A_186 = tpu.memref_slice %arg9[%add3A_26, %dma_wait3A_185] : memref<10112x128xf32, #tpu.memory_space<vmem_shared>> -> memref<120x128xf32, #tpu.memory_space<vmem_shared>>
      %dma_wait3A_187 = arith.constant 0 : i32
      %dma_wait3A_188 = tpu.memref_slice %arg9[%add3A_26, %dma_wait3A_187] : memref<10112x128xf32, #tpu.memory_space<vmem_shared>> -> memref<120x128xf32, #tpu.memory_space<vmem_shared>>
      %dma_wait3A_189 = arith.constant 0 : i32
      %dma_wait3A_190 = arith.constant 0 : i32
      %dma_wait3A_191 = tpu.memref_slice %arg8[%run_scoped3A_27, %dma_wait3A_189, %dma_wait3A_190] : memref<2x128x128xf32, #tpu.memory_space<vmem>> -> memref<1x128x128xf32, #tpu.memory_space<vmem>>
      %dma_wait3A_192 = tpu.memref_squeeze %dma_wait3A_191 : memref<1x128x128xf32, #tpu.memory_space<vmem>> -> memref<128x128xf32, #tpu.memory_space<vmem>>
      %dma_wait3A_193 = arith.constant 0 : i32
      %dma_wait3A_194 = arith.constant 0 : i32
      %dma_wait3A_195 = tpu.memref_slice %dma_wait3A_192[%dma_wait3A_193, %dma_wait3A_194] : memref<128x128xf32, #tpu.memory_space<vmem>> -> memref<120x128xf32, #tpu.memory_space<vmem>>
      tpu.wait_dma2 semaphore(%run_scoped3A_159 : memref<!tpu.dma_semaphore, #tpu.memory_space<semaphore_mem>>) src(%dma_wait3A_195 : memref<120x128xf32, #tpu.memory_space<vmem>>) dst(%dma_wait3A_188 : memref<120x128xf32, #tpu.memory_space<vmem_shared>>)
      tpu.yield
    }) : () -> ()
    %mul3A_28 = arith.constant 1280 : i32
    %mul3A_29 = arith.muli %arg0, %mul3A_28 : i32
    %mul3A_30 = arith.constant 80 : i32
    %mul3A_31 = arith.muli %arg1, %mul3A_30 : i32
    %add3A_32 = arith.addi %mul3A_29, %mul3A_31 : i32
    %add3A_33 = arith.constant 0 : i32
    %add3A_34 = arith.addi %add3A_32, %add3A_33 : i32
    "tpu.region"() ({
      %run_scoped3A_159 = tpu.sem_alloc : memref<!tpu.dma_semaphore, #tpu.memory_space<semaphore_mem>>
      %dma_start3A_160 = arith.constant 0 : i32
      %dma_start3A_161 = arith.constant 0 : i32
      %dma_start3A_162 = tpu.memref_slice %arg6[%dma_start3A_160, %dma_start3A_161] : memref<40x128xi32, #tpu.memory_space<vmem>> -> memref<40x128xi32, #tpu.memory_space<vmem>>
      %dma_start3A_163 = arith.constant 0 : i32
      %dma_start3A_164 = tpu.memref_slice %arg3[%add3A_34, %dma_start3A_163] : memref<2560x128xi32, #tpu.memory_space<hbm>> -> memref<40x128xi32, #tpu.memory_space<hbm>>
      %dma_start3A_165 = arith.constant 0 : i32
      %dma_start3A_166 = arith.constant 0 : i32
      %dma_start3A_167 = tpu.memref_slice %arg6[%dma_start3A_165, %dma_start3A_166] : memref<40x128xi32, #tpu.memory_space<vmem>> -> memref<40x128xi32, #tpu.memory_space<vmem>>
      %dma_start3A_168 = arith.constant 0 : i32
      %dma_start3A_169 = tpu.memref_slice %arg3[%add3A_34, %dma_start3A_168] : memref<2560x128xi32, #tpu.memory_space<hbm>> -> memref<40x128xi32, #tpu.memory_space<hbm>>
      tpu.enqueue_dma source(%dma_start3A_169 : memref<40x128xi32, #tpu.memory_space<hbm>>) target(%dma_start3A_167 : memref<40x128xi32, #tpu.memory_space<vmem>>) target_semaphore(%run_scoped3A_159 : memref<!tpu.dma_semaphore, #tpu.memory_space<semaphore_mem>>)
      %dma_wait3A_170 = arith.constant 0 : i32
      %dma_wait3A_171 = arith.constant 0 : i32
      %dma_wait3A_172 = tpu.memref_slice %arg6[%dma_wait3A_170, %dma_wait3A_171] : memref<40x128xi32, #tpu.memory_space<vmem>> -> memref<40x128xi32, #tpu.memory_space<vmem>>
      %dma_wait3A_173 = arith.constant 0 : i32
      %dma_wait3A_174 = tpu.memref_slice %arg3[%add3A_34, %dma_wait3A_173] : memref<2560x128xi32, #tpu.memory_space<hbm>> -> memref<40x128xi32, #tpu.memory_space<hbm>>
      %dma_wait3A_175 = arith.constant 0 : i32
      %dma_wait3A_176 = arith.constant 0 : i32
      %dma_wait3A_177 = tpu.memref_slice %arg6[%dma_wait3A_175, %dma_wait3A_176] : memref<40x128xi32, #tpu.memory_space<vmem>> -> memref<40x128xi32, #tpu.memory_space<vmem>>
      %dma_wait3A_178 = arith.constant 0 : i32
      %dma_wait3A_179 = tpu.memref_slice %arg3[%add3A_34, %dma_wait3A_178] : memref<2560x128xi32, #tpu.memory_space<hbm>> -> memref<40x128xi32, #tpu.memory_space<hbm>>
      tpu.wait_dma2 semaphore(%run_scoped3A_159 : memref<!tpu.dma_semaphore, #tpu.memory_space<semaphore_mem>>) src(%dma_wait3A_179 : memref<40x128xi32, #tpu.memory_space<hbm>>) dst(%dma_wait3A_177 : memref<40x128xi32, #tpu.memory_space<vmem>>)
      tpu.yield
    }) : () -> ()
    "tpu.region"() ({
      %run_scoped3A_159 = tpu.sem_alloc : memref<!tpu.dma_semaphore, #tpu.memory_space<semaphore_mem>>
      %dma_start3A_160 = arith.constant 0 : i32
      %dma_start3A_161 = arith.constant 0 : i32
      %dma_start3A_162 = tpu.memref_slice %arg7[%dma_start3A_160, %dma_start3A_161] : memref<40x128xi32, #tpu.memory_space<vmem>> -> memref<40x128xi32, #tpu.memory_space<vmem>>
      %dma_start3A_163 = arith.constant 0 : i32
      %dma_start3A_164 = tpu.memref_slice %arg4[%add3A_34, %dma_start3A_163] : memref<2560x128xi32, #tpu.memory_space<hbm>> -> memref<40x128xi32, #tpu.memory_space<hbm>>
      %dma_start3A_165 = arith.constant 0 : i32
      %dma_start3A_166 = arith.constant 0 : i32
      %dma_start3A_167 = tpu.memref_slice %arg7[%dma_start3A_165, %dma_start3A_166] : memref<40x128xi32, #tpu.memory_space<vmem>> -> memref<40x128xi32, #tpu.memory_space<vmem>>
      %dma_start3A_168 = arith.constant 0 : i32
      %dma_start3A_169 = tpu.memref_slice %arg4[%add3A_34, %dma_start3A_168] : memref<2560x128xi32, #tpu.memory_space<hbm>> -> memref<40x128xi32, #tpu.memory_space<hbm>>
      tpu.enqueue_dma source(%dma_start3A_169 : memref<40x128xi32, #tpu.memory_space<hbm>>) target(%dma_start3A_167 : memref<40x128xi32, #tpu.memory_space<vmem>>) target_semaphore(%run_scoped3A_159 : memref<!tpu.dma_semaphore, #tpu.memory_space<semaphore_mem>>)
      %dma_wait3A_170 = arith.constant 0 : i32
      %dma_wait3A_171 = arith.constant 0 : i32
      %dma_wait3A_172 = tpu.memref_slice %arg7[%dma_wait3A_170, %dma_wait3A_171] : memref<40x128xi32, #tpu.memory_space<vmem>> -> memref<40x128xi32, #tpu.memory_space<vmem>>
      %dma_wait3A_173 = arith.constant 0 : i32
      %dma_wait3A_174 = tpu.memref_slice %arg4[%add3A_34, %dma_wait3A_173] : memref<2560x128xi32, #tpu.memory_space<hbm>> -> memref<40x128xi32, #tpu.memory_space<hbm>>
      %dma_wait3A_175 = arith.constant 0 : i32
      %dma_wait3A_176 = arith.constant 0 : i32
      %dma_wait3A_177 = tpu.memref_slice %arg7[%dma_wait3A_175, %dma_wait3A_176] : memref<40x128xi32, #tpu.memory_space<vmem>> -> memref<40x128xi32, #tpu.memory_space<vmem>>
      %dma_wait3A_178 = arith.constant 0 : i32
      %dma_wait3A_179 = tpu.memref_slice %arg4[%add3A_34, %dma_wait3A_178] : memref<2560x128xi32, #tpu.memory_space<hbm>> -> memref<40x128xi32, #tpu.memory_space<hbm>>
      tpu.wait_dma2 semaphore(%run_scoped3A_159 : memref<!tpu.dma_semaphore, #tpu.memory_space<semaphore_mem>>) src(%dma_wait3A_179 : memref<40x128xi32, #tpu.memory_space<hbm>>) dst(%dma_wait3A_177 : memref<40x128xi32, #tpu.memory_space<vmem>>)
      tpu.yield
    }) : () -> ()
    %dma_start3A = arith.constant 0 : i32
    %dma_start3A_35 = arith.constant 0 : i32
    %dma_start3A_36 = arith.constant 0 : i32
    %dma_start3A_37 = arith.constant 0 : i32
    %dma_start3A_38 = tpu.memref_slice %arg8[%dma_start3A_35, %dma_start3A_36, %dma_start3A_37] : memref<2x128x128xf32, #tpu.memory_space<vmem>> -> memref<1x128x128xf32, #tpu.memory_space<vmem>>
    %dma_start3A_39 = tpu.memref_squeeze %dma_start3A_38 : memref<1x128x128xf32, #tpu.memory_space<vmem>> -> memref<128x128xf32, #tpu.memory_space<vmem>>
    %dma_start3A_40 = arith.constant 0 : i32
    %dma_start3A_41 = tpu.memref_slice %arg6[%dma_start3A, %dma_start3A_40] : memref<40x128xi32, #tpu.memory_space<vmem>> -> memref<1x128xi32, #tpu.memory_space<vmem>>
    %dma_start3A_42 = tpu.memref_squeeze %dma_start3A_41 : memref<1x128xi32, #tpu.memory_space<vmem>> -> memref<128xi32, #tpu.memory_space<vmem>>
    %dma_start3A_43 = arith.constant 0 : i32
    %dma_start3A_44 = arith.constant 0 : i32
    %dma_start3A_45 = tpu.memref_slice %arg2[%dma_start3A_43, %dma_start3A_44] : memref<10000x128xf32, #tpu.memory_space<hbm>> -> memref<10000x128xf32, #tpu.memory_space<hbm>>
    tpu.enqueue_indirect_dma source(%dma_start3A_45 : memref<10000x128xf32, #tpu.memory_space<hbm>>) target(%dma_start3A_39 : memref<128x128xf32, #tpu.memory_space<vmem>>) offsets(%dma_start3A_42 : memref<128xi32, #tpu.memory_space<vmem>>) semaphore(%arg10 : memref<!tpu.dma_semaphore, #tpu.memory_space<semaphore_mem>>)
    %dma_start3A_46 = arith.constant 1 : i32
    %dma_start3A_47 = arith.constant 1 : i32
    %dma_start3A_48 = arith.constant 0 : i32
    %dma_start3A_49 = arith.constant 0 : i32
    %dma_start3A_50 = tpu.memref_slice %arg8[%dma_start3A_47, %dma_start3A_48, %dma_start3A_49] : memref<2x128x128xf32, #tpu.memory_space<vmem>> -> memref<1x128x128xf32, #tpu.memory_space<vmem>>
    %dma_start3A_51 = tpu.memref_squeeze %dma_start3A_50 : memref<1x128x128xf32, #tpu.memory_space<vmem>> -> memref<128x128xf32, #tpu.memory_space<vmem>>
    %dma_start3A_52 = arith.constant 0 : i32
    %dma_start3A_53 = tpu.memref_slice %arg6[%dma_start3A_46, %dma_start3A_52] : memref<40x128xi32, #tpu.memory_space<vmem>> -> memref<1x128xi32, #tpu.memory_space<vmem>>
    %dma_start3A_54 = tpu.memref_squeeze %dma_start3A_53 : memref<1x128xi32, #tpu.memory_space<vmem>> -> memref<128xi32, #tpu.memory_space<vmem>>
    %dma_start3A_55 = arith.constant 0 : i32
    %dma_start3A_56 = arith.constant 0 : i32
    %dma_start3A_57 = tpu.memref_slice %arg2[%dma_start3A_55, %dma_start3A_56] : memref<10000x128xf32, #tpu.memory_space<hbm>> -> memref<10000x128xf32, #tpu.memory_space<hbm>>
    tpu.enqueue_indirect_dma source(%dma_start3A_57 : memref<10000x128xf32, #tpu.memory_space<hbm>>) target(%dma_start3A_51 : memref<128x128xf32, #tpu.memory_space<vmem>>) offsets(%dma_start3A_54 : memref<128xi32, #tpu.memory_space<vmem>>) semaphore(%arg11 : memref<!tpu.dma_semaphore, #tpu.memory_space<semaphore_mem>>)
    %barrier3A = arith.constant 0 : index
    tpu.barrier barrier_id(%barrier3A)
    %scan3A_58 = arith.constant 0 : i32
    %scan3A_59 = arith.constant 0 : i32
    %scan3A_60 = arith.constant 19 : i32
    %scan3A_61 = arith.addi %scan3A_59, %scan3A_60 : i32
    %scan3A_62 = arith.constant 1 : i32
    scf.for %scan3A_159 = %scan3A_59 to %scan3A_61 step %scan3A_62  : i32 {
      %mul3A_160 = arith.constant 2 : i32
      %mul3A_161 = arith.muli %scan3A_159, %mul3A_160 : i32
      %add3A_162 = arith.constant 0 : i32
      %add3A_163 = arith.addi %mul3A_161, %add3A_162 : i32
      %dma_wait3A_164 = arith.constant 0 : i32
      %dma_wait3A_165 = arith.constant 0 : i32
      %dma_wait3A_166 = arith.constant 0 : i32
      %dma_wait3A_167 = tpu.memref_slice %arg8[%dma_wait3A_164, %dma_wait3A_165, %dma_wait3A_166] : memref<2x128x128xf32, #tpu.memory_space<vmem>> -> memref<1x128x128xf32, #tpu.memory_space<vmem>>
      %dma_wait3A_168 = tpu.memref_squeeze %dma_wait3A_167 : memref<1x128x128xf32, #tpu.memory_space<vmem>> -> memref<128x128xf32, #tpu.memory_space<vmem>>
      %dma_wait3A_169 = arith.constant 0 : i32
      %dma_wait3A_170 = tpu.memref_slice %arg6[%add3A_163, %dma_wait3A_169] : memref<40x128xi32, #tpu.memory_space<vmem>> -> memref<1x128xi32, #tpu.memory_space<vmem>>
      %dma_wait3A_171 = tpu.memref_squeeze %dma_wait3A_170 : memref<1x128xi32, #tpu.memory_space<vmem>> -> memref<128xi32, #tpu.memory_space<vmem>>
      %dma_wait3A_172 = arith.constant 0 : i32
      %dma_wait3A_173 = arith.constant 0 : i32
      %dma_wait3A_174 = tpu.memref_slice %arg2[%dma_wait3A_172, %dma_wait3A_173] : memref<10000x128xf32, #tpu.memory_space<hbm>> -> memref<10000x128xf32, #tpu.memory_space<hbm>>
      tpu.wait_indirect_dma semaphore(%arg10 : memref<!tpu.dma_semaphore, #tpu.memory_space<semaphore_mem>>) src(%dma_wait3A_174 : memref<10000x128xf32, #tpu.memory_space<hbm>>) dst(%dma_wait3A_168 : memref<128x128xf32, #tpu.memory_space<vmem>>)
      %run_scoped3A_175 = arith.constant 0 : i32
      "tpu.region"() ({
        %run_scoped3A_216 = tpu.sem_alloc : memref<!tpu.dma_semaphore, #tpu.memory_space<semaphore_mem>>
        %dma_start3A_217 = arith.constant 0 : i32
        %dma_start3A_218 = arith.constant 0 : i32
        %dma_start3A_219 = tpu.memref_slice %arg8[%run_scoped3A_175, %dma_start3A_217, %dma_start3A_218] : memref<2x128x128xf32, #tpu.memory_space<vmem>> -> memref<1x128x128xf32, #tpu.memory_space<vmem>>
        %dma_start3A_220 = tpu.memref_squeeze %dma_start3A_219 : memref<1x128x128xf32, #tpu.memory_space<vmem>> -> memref<128x128xf32, #tpu.memory_space<vmem>>
        %dma_start3A_221 = arith.constant 0 : i32
        %dma_start3A_222 = tpu.memref_slice %arg7[%add3A_163, %dma_start3A_221] : memref<40x128xi32, #tpu.memory_space<vmem>> -> memref<1x128xi32, #tpu.memory_space<vmem>>
        %dma_start3A_223 = tpu.memref_squeeze %dma_start3A_222 : memref<1x128xi32, #tpu.memory_space<vmem>> -> memref<128xi32, #tpu.memory_space<vmem>>
        %dma_start3A_224 = arith.constant 0 : i32
        %dma_start3A_225 = arith.constant 0 : i32
        %dma_start3A_226 = tpu.memref_slice %arg9[%dma_start3A_224, %dma_start3A_225] : memref<10112x128xf32, #tpu.memory_space<vmem_shared>> -> memref<10112x128xf32, #tpu.memory_space<vmem_shared>>
        tpu.enqueue_indirect_dma source(%dma_start3A_220 : memref<128x128xf32, #tpu.memory_space<vmem>>) target(%dma_start3A_226 : memref<10112x128xf32, #tpu.memory_space<vmem_shared>>) offsets(%dma_start3A_223 : memref<128xi32, #tpu.memory_space<vmem>>) semaphore(%run_scoped3A_216 : memref<!tpu.dma_semaphore, #tpu.memory_space<semaphore_mem>>) {add = true}
        %dma_wait3A_227 = arith.constant 0 : i32
        %dma_wait3A_228 = arith.constant 0 : i32
        %dma_wait3A_229 = tpu.memref_slice %arg8[%run_scoped3A_175, %dma_wait3A_227, %dma_wait3A_228] : memref<2x128x128xf32, #tpu.memory_space<vmem>> -> memref<1x128x128xf32, #tpu.memory_space<vmem>>
        %dma_wait3A_230 = tpu.memref_squeeze %dma_wait3A_229 : memref<1x128x128xf32, #tpu.memory_space<vmem>> -> memref<128x128xf32, #tpu.memory_space<vmem>>
        %dma_wait3A_231 = arith.constant 0 : i32
        %dma_wait3A_232 = tpu.memref_slice %arg7[%add3A_163, %dma_wait3A_231] : memref<40x128xi32, #tpu.memory_space<vmem>> -> memref<1x128xi32, #tpu.memory_space<vmem>>
        %dma_wait3A_233 = tpu.memref_squeeze %dma_wait3A_232 : memref<1x128xi32, #tpu.memory_space<vmem>> -> memref<128xi32, #tpu.memory_space<vmem>>
        %dma_wait3A_234 = arith.constant 0 : i32
        %dma_wait3A_235 = arith.constant 0 : i32
        %dma_wait3A_236 = tpu.memref_slice %arg9[%dma_wait3A_234, %dma_wait3A_235] : memref<10112x128xf32, #tpu.memory_space<vmem_shared>> -> memref<10112x128xf32, #tpu.memory_space<vmem_shared>>
        tpu.wait_indirect_dma semaphore(%run_scoped3A_216 : memref<!tpu.dma_semaphore, #tpu.memory_space<semaphore_mem>>) src(%dma_wait3A_230 : memref<128x128xf32, #tpu.memory_space<vmem>>) dst(%dma_wait3A_236 : memref<10112x128xf32, #tpu.memory_space<vmem_shared>>)
        tpu.yield
      }) : () -> ()
      %add3A_176 = arith.constant 2 : i32
      %add3A_177 = arith.addi %add3A_163, %add3A_176 : i32
      %dma_start3A_178 = arith.constant 0 : i32
      %dma_start3A_179 = arith.constant 0 : i32
      %dma_start3A_180 = arith.constant 0 : i32
      %dma_start3A_181 = tpu.memref_slice %arg8[%dma_start3A_178, %dma_start3A_179, %dma_start3A_180] : memref<2x128x128xf32, #tpu.memory_space<vmem>> -> memref<1x128x128xf32, #tpu.memory_space<vmem>>
      %dma_start3A_182 = tpu.memref_squeeze %dma_start3A_181 : memref<1x128x128xf32, #tpu.memory_space<vmem>> -> memref<128x128xf32, #tpu.memory_space<vmem>>
      %dma_start3A_183 = arith.constant 0 : i32
      %dma_start3A_184 = tpu.memref_slice %arg6[%add3A_177, %dma_start3A_183] : memref<40x128xi32, #tpu.memory_space<vmem>> -> memref<1x128xi32, #tpu.memory_space<vmem>>
      %dma_start3A_185 = tpu.memref_squeeze %dma_start3A_184 : memref<1x128xi32, #tpu.memory_space<vmem>> -> memref<128xi32, #tpu.memory_space<vmem>>
      %dma_start3A_186 = arith.constant 0 : i32
      %dma_start3A_187 = arith.constant 0 : i32
      %dma_start3A_188 = tpu.memref_slice %arg2[%dma_start3A_186, %dma_start3A_187] : memref<10000x128xf32, #tpu.memory_space<hbm>> -> memref<10000x128xf32, #tpu.memory_space<hbm>>
      tpu.enqueue_indirect_dma source(%dma_start3A_188 : memref<10000x128xf32, #tpu.memory_space<hbm>>) target(%dma_start3A_182 : memref<128x128xf32, #tpu.memory_space<vmem>>) offsets(%dma_start3A_185 : memref<128xi32, #tpu.memory_space<vmem>>) semaphore(%arg10 : memref<!tpu.dma_semaphore, #tpu.memory_space<semaphore_mem>>)
      %add3A_189 = arith.constant 1 : i32
      %add3A_190 = arith.addi %mul3A_161, %add3A_189 : i32
      %dma_wait3A_191 = arith.constant 1 : i32
      %dma_wait3A_192 = arith.constant 0 : i32
      %dma_wait3A_193 = arith.constant 0 : i32
      %dma_wait3A_194 = tpu.memref_slice %arg8[%dma_wait3A_191, %dma_wait3A_192, %dma_wait3A_193] : memref<2x128x128xf32, #tpu.memory_space<vmem>> -> memref<1x128x128xf32, #tpu.memory_space<vmem>>
      %dma_wait3A_195 = tpu.memref_squeeze %dma_wait3A_194 : memref<1x128x128xf32, #tpu.memory_space<vmem>> -> memref<128x128xf32, #tpu.memory_space<vmem>>
      %dma_wait3A_196 = arith.constant 0 : i32
      %dma_wait3A_197 = tpu.memref_slice %arg6[%add3A_190, %dma_wait3A_196] : memref<40x128xi32, #tpu.memory_space<vmem>> -> memref<1x128xi32, #tpu.memory_space<vmem>>
      %dma_wait3A_198 = tpu.memref_squeeze %dma_wait3A_197 : memref<1x128xi32, #tpu.memory_space<vmem>> -> memref<128xi32, #tpu.memory_space<vmem>>
      %dma_wait3A_199 = arith.constant 0 : i32
      %dma_wait3A_200 = arith.constant 0 : i32
      %dma_wait3A_201 = tpu.memref_slice %arg2[%dma_wait3A_199, %dma_wait3A_200] : memref<10000x128xf32, #tpu.memory_space<hbm>> -> memref<10000x128xf32, #tpu.memory_space<hbm>>
      tpu.wait_indirect_dma semaphore(%arg11 : memref<!tpu.dma_semaphore, #tpu.memory_space<semaphore_mem>>) src(%dma_wait3A_201 : memref<10000x128xf32, #tpu.memory_space<hbm>>) dst(%dma_wait3A_195 : memref<128x128xf32, #tpu.memory_space<vmem>>)
      %run_scoped3A_202 = arith.constant 1 : i32
      "tpu.region"() ({
        %run_scoped3A_216 = tpu.sem_alloc : memref<!tpu.dma_semaphore, #tpu.memory_space<semaphore_mem>>
        %dma_start3A_217 = arith.constant 0 : i32
        %dma_start3A_218 = arith.constant 0 : i32
        %dma_start3A_219 = tpu.memref_slice %arg8[%run_scoped3A_202, %dma_start3A_217, %dma_start3A_218] : memref<2x128x128xf32, #tpu.memory_space<vmem>> -> memref<1x128x128xf32, #tpu.memory_space<vmem>>
        %dma_start3A_220 = tpu.memref_squeeze %dma_start3A_219 : memref<1x128x128xf32, #tpu.memory_space<vmem>> -> memref<128x128xf32, #tpu.memory_space<vmem>>
        %dma_start3A_221 = arith.constant 0 : i32
        %dma_start3A_222 = tpu.memref_slice %arg7[%add3A_190, %dma_start3A_221] : memref<40x128xi32, #tpu.memory_space<vmem>> -> memref<1x128xi32, #tpu.memory_space<vmem>>
        %dma_start3A_223 = tpu.memref_squeeze %dma_start3A_222 : memref<1x128xi32, #tpu.memory_space<vmem>> -> memref<128xi32, #tpu.memory_space<vmem>>
        %dma_start3A_224 = arith.constant 0 : i32
        %dma_start3A_225 = arith.constant 0 : i32
        %dma_start3A_226 = tpu.memref_slice %arg9[%dma_start3A_224, %dma_start3A_225] : memref<10112x128xf32, #tpu.memory_space<vmem_shared>> -> memref<10112x128xf32, #tpu.memory_space<vmem_shared>>
        tpu.enqueue_indirect_dma source(%dma_start3A_220 : memref<128x128xf32, #tpu.memory_space<vmem>>) target(%dma_start3A_226 : memref<10112x128xf32, #tpu.memory_space<vmem_shared>>) offsets(%dma_start3A_223 : memref<128xi32, #tpu.memory_space<vmem>>) semaphore(%run_scoped3A_216 : memref<!tpu.dma_semaphore, #tpu.memory_space<semaphore_mem>>) {add = true}
        %dma_wait3A_227 = arith.constant 0 : i32
        %dma_wait3A_228 = arith.constant 0 : i32
        %dma_wait3A_229 = tpu.memref_slice %arg8[%run_scoped3A_202, %dma_wait3A_227, %dma_wait3A_228] : memref<2x128x128xf32, #tpu.memory_space<vmem>> -> memref<1x128x128xf32, #tpu.memory_space<vmem>>
        %dma_wait3A_230 = tpu.memref_squeeze %dma_wait3A_229 : memref<1x128x128xf32, #tpu.memory_space<vmem>> -> memref<128x128xf32, #tpu.memory_space<vmem>>
        %dma_wait3A_231 = arith.constant 0 : i32
        %dma_wait3A_232 = tpu.memref_slice %arg7[%add3A_190, %dma_wait3A_231] : memref<40x128xi32, #tpu.memory_space<vmem>> -> memref<1x128xi32, #tpu.memory_space<vmem>>
        %dma_wait3A_233 = tpu.memref_squeeze %dma_wait3A_232 : memref<1x128xi32, #tpu.memory_space<vmem>> -> memref<128xi32, #tpu.memory_space<vmem>>
        %dma_wait3A_234 = arith.constant 0 : i32
        %dma_wait3A_235 = arith.constant 0 : i32
        %dma_wait3A_236 = tpu.memref_slice %arg9[%dma_wait3A_234, %dma_wait3A_235] : memref<10112x128xf32, #tpu.memory_space<vmem_shared>> -> memref<10112x128xf32, #tpu.memory_space<vmem_shared>>
        tpu.wait_indirect_dma semaphore(%run_scoped3A_216 : memref<!tpu.dma_semaphore, #tpu.memory_space<semaphore_mem>>) src(%dma_wait3A_230 : memref<128x128xf32, #tpu.memory_space<vmem>>) dst(%dma_wait3A_236 : memref<10112x128xf32, #tpu.memory_space<vmem_shared>>)
        tpu.yield
      }) : () -> ()
      %add3A_203 = arith.constant 2 : i32
      %add3A_204 = arith.addi %add3A_190, %add3A_203 : i32
      %dma_start3A_205 = arith.constant 1 : i32
      %dma_start3A_206 = arith.constant 0 : i32
      %dma_start3A_207 = arith.constant 0 : i32
      %dma_start3A_208 = tpu.memref_slice %arg8[%dma_start3A_205, %dma_start3A_206, %dma_start3A_207] : memref<2x128x128xf32, #tpu.memory_space<vmem>> -> memref<1x128x128xf32, #tpu.memory_space<vmem>>
      %dma_start3A_209 = tpu.memref_squeeze %dma_start3A_208 : memref<1x128x128xf32, #tpu.memory_space<vmem>> -> memref<128x128xf32, #tpu.memory_space<vmem>>
      %dma_start3A_210 = arith.constant 0 : i32
      %dma_start3A_211 = tpu.memref_slice %arg6[%add3A_204, %dma_start3A_210] : memref<40x128xi32, #tpu.memory_space<vmem>> -> memref<1x128xi32, #tpu.memory_space<vmem>>
      %dma_start3A_212 = tpu.memref_squeeze %dma_start3A_211 : memref<1x128xi32, #tpu.memory_space<vmem>> -> memref<128xi32, #tpu.memory_space<vmem>>
      %dma_start3A_213 = arith.constant 0 : i32
      %dma_start3A_214 = arith.constant 0 : i32
      %dma_start3A_215 = tpu.memref_slice %arg2[%dma_start3A_213, %dma_start3A_214] : memref<10000x128xf32, #tpu.memory_space<hbm>> -> memref<10000x128xf32, #tpu.memory_space<hbm>>
      tpu.enqueue_indirect_dma source(%dma_start3A_215 : memref<10000x128xf32, #tpu.memory_space<hbm>>) target(%dma_start3A_209 : memref<128x128xf32, #tpu.memory_space<vmem>>) offsets(%dma_start3A_212 : memref<128xi32, #tpu.memory_space<vmem>>) semaphore(%arg11 : memref<!tpu.dma_semaphore, #tpu.memory_space<semaphore_mem>>)
    }
    %scan3A_63 = arith.constant 19 : i32
    %dma_wait3A = arith.constant 38 : i32
    %dma_wait3A_64 = arith.constant 0 : i32
    %dma_wait3A_65 = arith.constant 0 : i32
    %dma_wait3A_66 = arith.constant 0 : i32
    %dma_wait3A_67 = tpu.memref_slice %arg8[%dma_wait3A_64, %dma_wait3A_65, %dma_wait3A_66] : memref<2x128x128xf32, #tpu.memory_space<vmem>> -> memref<1x128x128xf32, #tpu.memory_space<vmem>>
    %dma_wait3A_68 = tpu.memref_squeeze %dma_wait3A_67 : memref<1x128x128xf32, #tpu.memory_space<vmem>> -> memref<128x128xf32, #tpu.memory_space<vmem>>
    %dma_wait3A_69 = arith.constant 0 : i32
    %dma_wait3A_70 = tpu.memref_slice %arg6[%dma_wait3A, %dma_wait3A_69] : memref<40x128xi32, #tpu.memory_space<vmem>> -> memref<1x128xi32, #tpu.memory_space<vmem>>
    %dma_wait3A_71 = tpu.memref_squeeze %dma_wait3A_70 : memref<1x128xi32, #tpu.memory_space<vmem>> -> memref<128xi32, #tpu.memory_space<vmem>>
    %dma_wait3A_72 = arith.constant 0 : i32
    %dma_wait3A_73 = arith.constant 0 : i32
    %dma_wait3A_74 = tpu.memref_slice %arg2[%dma_wait3A_72, %dma_wait3A_73] : memref<10000x128xf32, #tpu.memory_space<hbm>> -> memref<10000x128xf32, #tpu.memory_space<hbm>>
    tpu.wait_indirect_dma semaphore(%arg10 : memref<!tpu.dma_semaphore, #tpu.memory_space<semaphore_mem>>) src(%dma_wait3A_74 : memref<10000x128xf32, #tpu.memory_space<hbm>>) dst(%dma_wait3A_68 : memref<128x128xf32, #tpu.memory_space<vmem>>)
    %run_scoped3A_75 = arith.constant 0 : i32
    %run_scoped3A_76 = arith.constant 38 : i32
    "tpu.region"() ({
      %run_scoped3A_159 = tpu.sem_alloc : memref<!tpu.dma_semaphore, #tpu.memory_space<semaphore_mem>>
      %dma_start3A_160 = arith.constant 0 : i32
      %dma_start3A_161 = arith.constant 0 : i32
      %dma_start3A_162 = tpu.memref_slice %arg8[%run_scoped3A_75, %dma_start3A_160, %dma_start3A_161] : memref<2x128x128xf32, #tpu.memory_space<vmem>> -> memref<1x128x128xf32, #tpu.memory_space<vmem>>
      %dma_start3A_163 = tpu.memref_squeeze %dma_start3A_162 : memref<1x128x128xf32, #tpu.memory_space<vmem>> -> memref<128x128xf32, #tpu.memory_space<vmem>>
      %dma_start3A_164 = arith.constant 0 : i32
      %dma_start3A_165 = tpu.memref_slice %arg7[%run_scoped3A_76, %dma_start3A_164] : memref<40x128xi32, #tpu.memory_space<vmem>> -> memref<1x128xi32, #tpu.memory_space<vmem>>
      %dma_start3A_166 = tpu.memref_squeeze %dma_start3A_165 : memref<1x128xi32, #tpu.memory_space<vmem>> -> memref<128xi32, #tpu.memory_space<vmem>>
      %dma_start3A_167 = arith.constant 0 : i32
      %dma_start3A_168 = arith.constant 0 : i32
      %dma_start3A_169 = tpu.memref_slice %arg9[%dma_start3A_167, %dma_start3A_168] : memref<10112x128xf32, #tpu.memory_space<vmem_shared>> -> memref<10112x128xf32, #tpu.memory_space<vmem_shared>>
      tpu.enqueue_indirect_dma source(%dma_start3A_163 : memref<128x128xf32, #tpu.memory_space<vmem>>) target(%dma_start3A_169 : memref<10112x128xf32, #tpu.memory_space<vmem_shared>>) offsets(%dma_start3A_166 : memref<128xi32, #tpu.memory_space<vmem>>) semaphore(%run_scoped3A_159 : memref<!tpu.dma_semaphore, #tpu.memory_space<semaphore_mem>>) {add = true}
      %dma_wait3A_170 = arith.constant 0 : i32
      %dma_wait3A_171 = arith.constant 0 : i32
      %dma_wait3A_172 = tpu.memref_slice %arg8[%run_scoped3A_75, %dma_wait3A_170, %dma_wait3A_171] : memref<2x128x128xf32, #tpu.memory_space<vmem>> -> memref<1x128x128xf32, #tpu.memory_space<vmem>>
      %dma_wait3A_173 = tpu.memref_squeeze %dma_wait3A_172 : memref<1x128x128xf32, #tpu.memory_space<vmem>> -> memref<128x128xf32, #tpu.memory_space<vmem>>
      %dma_wait3A_174 = arith.constant 0 : i32
      %dma_wait3A_175 = tpu.memref_slice %arg7[%run_scoped3A_76, %dma_wait3A_174] : memref<40x128xi32, #tpu.memory_space<vmem>> -> memref<1x128xi32, #tpu.memory_space<vmem>>
      %dma_wait3A_176 = tpu.memref_squeeze %dma_wait3A_175 : memref<1x128xi32, #tpu.memory_space<vmem>> -> memref<128xi32, #tpu.memory_space<vmem>>
      %dma_wait3A_177 = arith.constant 0 : i32
      %dma_wait3A_178 = arith.constant 0 : i32
      %dma_wait3A_179 = tpu.memref_slice %arg9[%dma_wait3A_177, %dma_wait3A_178] : memref<10112x128xf32, #tpu.memory_space<vmem_shared>> -> memref<10112x128xf32, #tpu.memory_space<vmem_shared>>
      tpu.wait_indirect_dma semaphore(%run_scoped3A_159 : memref<!tpu.dma_semaphore, #tpu.memory_space<semaphore_mem>>) src(%dma_wait3A_173 : memref<128x128xf32, #tpu.memory_space<vmem>>) dst(%dma_wait3A_179 : memref<10112x128xf32, #tpu.memory_space<vmem_shared>>)
      tpu.yield
    }) : () -> ()
    %dma_wait3A_77 = arith.constant 39 : i32
    %dma_wait3A_78 = arith.constant 1 : i32
    %dma_wait3A_79 = arith.constant 0 : i32
    %dma_wait3A_80 = arith.constant 0 : i32
    %dma_wait3A_81 = tpu.memref_slice %arg8[%dma_wait3A_78, %dma_wait3A_79, %dma_wait3A_80] : memref<2x128x128xf32, #tpu.memory_space<vmem>> -> memref<1x128x128xf32, #tpu.memory_space<vmem>>
    %dma_wait3A_82 = tpu.memref_squeeze %dma_wait3A_81 : memref<1x128x128xf32, #tpu.memory_space<vmem>> -> memref<128x128xf32, #tpu.memory_space<vmem>>
    %dma_wait3A_83 = arith.constant 0 : i32
    %dma_wait3A_84 = tpu.memref_slice %arg6[%dma_wait3A_77, %dma_wait3A_83] : memref<40x128xi32, #tpu.memory_space<vmem>> -> memref<1x128xi32, #tpu.memory_space<vmem>>
    %dma_wait3A_85 = tpu.memref_squeeze %dma_wait3A_84 : memref<1x128xi32, #tpu.memory_space<vmem>> -> memref<128xi32, #tpu.memory_space<vmem>>
    %dma_wait3A_86 = arith.constant 0 : i32
    %dma_wait3A_87 = arith.constant 0 : i32
    %dma_wait3A_88 = tpu.memref_slice %arg2[%dma_wait3A_86, %dma_wait3A_87] : memref<10000x128xf32, #tpu.memory_space<hbm>> -> memref<10000x128xf32, #tpu.memory_space<hbm>>
    tpu.wait_indirect_dma semaphore(%arg11 : memref<!tpu.dma_semaphore, #tpu.memory_space<semaphore_mem>>) src(%dma_wait3A_88 : memref<10000x128xf32, #tpu.memory_space<hbm>>) dst(%dma_wait3A_82 : memref<128x128xf32, #tpu.memory_space<vmem>>)
    %run_scoped3A_89 = arith.constant 1 : i32
    %run_scoped3A_90 = arith.constant 39 : i32
    "tpu.region"() ({
      %run_scoped3A_159 = tpu.sem_alloc : memref<!tpu.dma_semaphore, #tpu.memory_space<semaphore_mem>>
      %dma_start3A_160 = arith.constant 0 : i32
      %dma_start3A_161 = arith.constant 0 : i32
      %dma_start3A_162 = tpu.memref_slice %arg8[%run_scoped3A_89, %dma_start3A_160, %dma_start3A_161] : memref<2x128x128xf32, #tpu.memory_space<vmem>> -> memref<1x128x128xf32, #tpu.memory_space<vmem>>
      %dma_start3A_163 = tpu.memref_squeeze %dma_start3A_162 : memref<1x128x128xf32, #tpu.memory_space<vmem>> -> memref<128x128xf32, #tpu.memory_space<vmem>>
      %dma_start3A_164 = arith.constant 0 : i32
      %dma_start3A_165 = tpu.memref_slice %arg7[%run_scoped3A_90, %dma_start3A_164] : memref<40x128xi32, #tpu.memory_space<vmem>> -> memref<1x128xi32, #tpu.memory_space<vmem>>
      %dma_start3A_166 = tpu.memref_squeeze %dma_start3A_165 : memref<1x128xi32, #tpu.memory_space<vmem>> -> memref<128xi32, #tpu.memory_space<vmem>>
      %dma_start3A_167 = arith.constant 0 : i32
      %dma_start3A_168 = arith.constant 0 : i32
      %dma_start3A_169 = tpu.memref_slice %arg9[%dma_start3A_167, %dma_start3A_168] : memref<10112x128xf32, #tpu.memory_space<vmem_shared>> -> memref<10112x128xf32, #tpu.memory_space<vmem_shared>>
      tpu.enqueue_indirect_dma source(%dma_start3A_163 : memref<128x128xf32, #tpu.memory_space<vmem>>) target(%dma_start3A_169 : memref<10112x128xf32, #tpu.memory_space<vmem_shared>>) offsets(%dma_start3A_166 : memref<128xi32, #tpu.memory_space<vmem>>) semaphore(%run_scoped3A_159 : memref<!tpu.dma_semaphore, #tpu.memory_space<semaphore_mem>>) {add = true}
      %dma_wait3A_170 = arith.constant 0 : i32
      %dma_wait3A_171 = arith.constant 0 : i32
      %dma_wait3A_172 = tpu.memref_slice %arg8[%run_scoped3A_89, %dma_wait3A_170, %dma_wait3A_171] : memref<2x128x128xf32, #tpu.memory_space<vmem>> -> memref<1x128x128xf32, #tpu.memory_space<vmem>>
      %dma_wait3A_173 = tpu.memref_squeeze %dma_wait3A_172 : memref<1x128x128xf32, #tpu.memory_space<vmem>> -> memref<128x128xf32, #tpu.memory_space<vmem>>
      %dma_wait3A_174 = arith.constant 0 : i32
      %dma_wait3A_175 = tpu.memref_slice %arg7[%run_scoped3A_90, %dma_wait3A_174] : memref<40x128xi32, #tpu.memory_space<vmem>> -> memref<1x128xi32, #tpu.memory_space<vmem>>
      %dma_wait3A_176 = tpu.memref_squeeze %dma_wait3A_175 : memref<1x128xi32, #tpu.memory_space<vmem>> -> memref<128xi32, #tpu.memory_space<vmem>>
      %dma_wait3A_177 = arith.constant 0 : i32
      %dma_wait3A_178 = arith.constant 0 : i32
      %dma_wait3A_179 = tpu.memref_slice %arg9[%dma_wait3A_177, %dma_wait3A_178] : memref<10112x128xf32, #tpu.memory_space<vmem_shared>> -> memref<10112x128xf32, #tpu.memory_space<vmem_shared>>
      tpu.wait_indirect_dma semaphore(%run_scoped3A_159 : memref<!tpu.dma_semaphore, #tpu.memory_space<semaphore_mem>>) src(%dma_wait3A_173 : memref<128x128xf32, #tpu.memory_space<vmem>>) dst(%dma_wait3A_179 : memref<10112x128xf32, #tpu.memory_space<vmem_shared>>)
      tpu.yield
    }) : () -> ()
    %mul3A_91 = arith.constant 1280 : i32
    %mul3A_92 = arith.muli %arg0, %mul3A_91 : i32
    %mul3A_93 = arith.constant 80 : i32
    %mul3A_94 = arith.muli %arg1, %mul3A_93 : i32
    %add3A_95 = arith.addi %mul3A_92, %mul3A_94 : i32
    %add3A_96 = arith.constant 40 : i32
    %add3A_97 = arith.addi %add3A_95, %add3A_96 : i32
    "tpu.region"() ({
      %run_scoped3A_159 = tpu.sem_alloc : memref<!tpu.dma_semaphore, #tpu.memory_space<semaphore_mem>>
      %dma_start3A_160 = arith.constant 0 : i32
      %dma_start3A_161 = arith.constant 0 : i32
      %dma_start3A_162 = tpu.memref_slice %arg6[%dma_start3A_160, %dma_start3A_161] : memref<40x128xi32, #tpu.memory_space<vmem>> -> memref<40x128xi32, #tpu.memory_space<vmem>>
      %dma_start3A_163 = arith.constant 0 : i32
      %dma_start3A_164 = tpu.memref_slice %arg3[%add3A_97, %dma_start3A_163] : memref<2560x128xi32, #tpu.memory_space<hbm>> -> memref<40x128xi32, #tpu.memory_space<hbm>>
      %dma_start3A_165 = arith.constant 0 : i32
      %dma_start3A_166 = arith.constant 0 : i32
      %dma_start3A_167 = tpu.memref_slice %arg6[%dma_start3A_165, %dma_start3A_166] : memref<40x128xi32, #tpu.memory_space<vmem>> -> memref<40x128xi32, #tpu.memory_space<vmem>>
      %dma_start3A_168 = arith.constant 0 : i32
      %dma_start3A_169 = tpu.memref_slice %arg3[%add3A_97, %dma_start3A_168] : memref<2560x128xi32, #tpu.memory_space<hbm>> -> memref<40x128xi32, #tpu.memory_space<hbm>>
      tpu.enqueue_dma source(%dma_start3A_169 : memref<40x128xi32, #tpu.memory_space<hbm>>) target(%dma_start3A_167 : memref<40x128xi32, #tpu.memory_space<vmem>>) target_semaphore(%run_scoped3A_159 : memref<!tpu.dma_semaphore, #tpu.memory_space<semaphore_mem>>)
      %dma_wait3A_170 = arith.constant 0 : i32
      %dma_wait3A_171 = arith.constant 0 : i32
      %dma_wait3A_172 = tpu.memref_slice %arg6[%dma_wait3A_170, %dma_wait3A_171] : memref<40x128xi32, #tpu.memory_space<vmem>> -> memref<40x128xi32, #tpu.memory_space<vmem>>
      %dma_wait3A_173 = arith.constant 0 : i32
      %dma_wait3A_174 = tpu.memref_slice %arg3[%add3A_97, %dma_wait3A_173] : memref<2560x128xi32, #tpu.memory_space<hbm>> -> memref<40x128xi32, #tpu.memory_space<hbm>>
      %dma_wait3A_175 = arith.constant 0 : i32
      %dma_wait3A_176 = arith.constant 0 : i32
      %dma_wait3A_177 = tpu.memref_slice %arg6[%dma_wait3A_175, %dma_wait3A_176] : memref<40x128xi32, #tpu.memory_space<vmem>> -> memref<40x128xi32, #tpu.memory_space<vmem>>
      %dma_wait3A_178 = arith.constant 0 : i32
      %dma_wait3A_179 = tpu.memref_slice %arg3[%add3A_97, %dma_wait3A_178] : memref<2560x128xi32, #tpu.memory_space<hbm>> -> memref<40x128xi32, #tpu.memory_space<hbm>>
      tpu.wait_dma2 semaphore(%run_scoped3A_159 : memref<!tpu.dma_semaphore, #tpu.memory_space<semaphore_mem>>) src(%dma_wait3A_179 : memref<40x128xi32, #tpu.memory_space<hbm>>) dst(%dma_wait3A_177 : memref<40x128xi32, #tpu.memory_space<vmem>>)
      tpu.yield
    }) : () -> ()
    "tpu.region"() ({
      %run_scoped3A_159 = tpu.sem_alloc : memref<!tpu.dma_semaphore, #tpu.memory_space<semaphore_mem>>
      %dma_start3A_160 = arith.constant 0 : i32
      %dma_start3A_161 = arith.constant 0 : i32
      %dma_start3A_162 = tpu.memref_slice %arg7[%dma_start3A_160, %dma_start3A_161] : memref<40x128xi32, #tpu.memory_space<vmem>> -> memref<40x128xi32, #tpu.memory_space<vmem>>
      %dma_start3A_163 = arith.constant 0 : i32
      %dma_start3A_164 = tpu.memref_slice %arg4[%add3A_97, %dma_start3A_163] : memref<2560x128xi32, #tpu.memory_space<hbm>> -> memref<40x128xi32, #tpu.memory_space<hbm>>
      %dma_start3A_165 = arith.constant 0 : i32
      %dma_start3A_166 = arith.constant 0 : i32
      %dma_start3A_167 = tpu.memref_slice %arg7[%dma_start3A_165, %dma_start3A_166] : memref<40x128xi32, #tpu.memory_space<vmem>> -> memref<40x128xi32, #tpu.memory_space<vmem>>
      %dma_start3A_168 = arith.constant 0 : i32
      %dma_start3A_169 = tpu.memref_slice %arg4[%add3A_97, %dma_start3A_168] : memref<2560x128xi32, #tpu.memory_space<hbm>> -> memref<40x128xi32, #tpu.memory_space<hbm>>
      tpu.enqueue_dma source(%dma_start3A_169 : memref<40x128xi32, #tpu.memory_space<hbm>>) target(%dma_start3A_167 : memref<40x128xi32, #tpu.memory_space<vmem>>) target_semaphore(%run_scoped3A_159 : memref<!tpu.dma_semaphore, #tpu.memory_space<semaphore_mem>>)
      %dma_wait3A_170 = arith.constant 0 : i32
      %dma_wait3A_171 = arith.constant 0 : i32
      %dma_wait3A_172 = tpu.memref_slice %arg7[%dma_wait3A_170, %dma_wait3A_171] : memref<40x128xi32, #tpu.memory_space<vmem>> -> memref<40x128xi32, #tpu.memory_space<vmem>>
      %dma_wait3A_173 = arith.constant 0 : i32
      %dma_wait3A_174 = tpu.memref_slice %arg4[%add3A_97, %dma_wait3A_173] : memref<2560x128xi32, #tpu.memory_space<hbm>> -> memref<40x128xi32, #tpu.memory_space<hbm>>
      %dma_wait3A_175 = arith.constant 0 : i32
      %dma_wait3A_176 = arith.constant 0 : i32
      %dma_wait3A_177 = tpu.memref_slice %arg7[%dma_wait3A_175, %dma_wait3A_176] : memref<40x128xi32, #tpu.memory_space<vmem>> -> memref<40x128xi32, #tpu.memory_space<vmem>>
      %dma_wait3A_178 = arith.constant 0 : i32
      %dma_wait3A_179 = tpu.memref_slice %arg4[%add3A_97, %dma_wait3A_178] : memref<2560x128xi32, #tpu.memory_space<hbm>> -> memref<40x128xi32, #tpu.memory_space<hbm>>
      tpu.wait_dma2 semaphore(%run_scoped3A_159 : memref<!tpu.dma_semaphore, #tpu.memory_space<semaphore_mem>>) src(%dma_wait3A_179 : memref<40x128xi32, #tpu.memory_space<hbm>>) dst(%dma_wait3A_177 : memref<40x128xi32, #tpu.memory_space<vmem>>)
      tpu.yield
    }) : () -> ()
    %dma_start3A_98 = arith.constant 0 : i32
    %dma_start3A_99 = arith.constant 0 : i32
    %dma_start3A_100 = arith.constant 0 : i32
    %dma_start3A_101 = arith.constant 0 : i32
    %dma_start3A_102 = tpu.memref_slice %arg8[%dma_start3A_99, %dma_start3A_100, %dma_start3A_101] : memref<2x128x128xf32, #tpu.memory_space<vmem>> -> memref<1x128x128xf32, #tpu.memory_space<vmem>>
    %dma_start3A_103 = tpu.memref_squeeze %dma_start3A_102 : memref<1x128x128xf32, #tpu.memory_space<vmem>> -> memref<128x128xf32, #tpu.memory_space<vmem>>
    %dma_start3A_104 = arith.constant 0 : i32
    %dma_start3A_105 = tpu.memref_slice %arg6[%dma_start3A_98, %dma_start3A_104] : memref<40x128xi32, #tpu.memory_space<vmem>> -> memref<1x128xi32, #tpu.memory_space<vmem>>
    %dma_start3A_106 = tpu.memref_squeeze %dma_start3A_105 : memref<1x128xi32, #tpu.memory_space<vmem>> -> memref<128xi32, #tpu.memory_space<vmem>>
    %dma_start3A_107 = arith.constant 0 : i32
    %dma_start3A_108 = arith.constant 0 : i32
    %dma_start3A_109 = tpu.memref_slice %arg2[%dma_start3A_107, %dma_start3A_108] : memref<10000x128xf32, #tpu.memory_space<hbm>> -> memref<10000x128xf32, #tpu.memory_space<hbm>>
    tpu.enqueue_indirect_dma source(%dma_start3A_109 : memref<10000x128xf32, #tpu.memory_space<hbm>>) target(%dma_start3A_103 : memref<128x128xf32, #tpu.memory_space<vmem>>) offsets(%dma_start3A_106 : memref<128xi32, #tpu.memory_space<vmem>>) semaphore(%arg10 : memref<!tpu.dma_semaphore, #tpu.memory_space<semaphore_mem>>)
    %dma_start3A_110 = arith.constant 1 : i32
    %dma_start3A_111 = arith.constant 1 : i32
    %dma_start3A_112 = arith.constant 0 : i32
    %dma_start3A_113 = arith.constant 0 : i32
    %dma_start3A_114 = tpu.memref_slice %arg8[%dma_start3A_111, %dma_start3A_112, %dma_start3A_113] : memref<2x128x128xf32, #tpu.memory_space<vmem>> -> memref<1x128x128xf32, #tpu.memory_space<vmem>>
    %dma_start3A_115 = tpu.memref_squeeze %dma_start3A_114 : memref<1x128x128xf32, #tpu.memory_space<vmem>> -> memref<128x128xf32, #tpu.memory_space<vmem>>
    %dma_start3A_116 = arith.constant 0 : i32
    %dma_start3A_117 = tpu.memref_slice %arg6[%dma_start3A_110, %dma_start3A_116] : memref<40x128xi32, #tpu.memory_space<vmem>> -> memref<1x128xi32, #tpu.memory_space<vmem>>
    %dma_start3A_118 = tpu.memref_squeeze %dma_start3A_117 : memref<1x128xi32, #tpu.memory_space<vmem>> -> memref<128xi32, #tpu.memory_space<vmem>>
    %dma_start3A_119 = arith.constant 0 : i32
    %dma_start3A_120 = arith.constant 0 : i32
    %dma_start3A_121 = tpu.memref_slice %arg2[%dma_start3A_119, %dma_start3A_120] : memref<10000x128xf32, #tpu.memory_space<hbm>> -> memref<10000x128xf32, #tpu.memory_space<hbm>>
    tpu.enqueue_indirect_dma source(%dma_start3A_121 : memref<10000x128xf32, #tpu.memory_space<hbm>>) target(%dma_start3A_115 : memref<128x128xf32, #tpu.memory_space<vmem>>) offsets(%dma_start3A_118 : memref<128xi32, #tpu.memory_space<vmem>>) semaphore(%arg11 : memref<!tpu.dma_semaphore, #tpu.memory_space<semaphore_mem>>)
    %scan3A_122 = arith.constant 0 : i32
    %scan3A_123 = arith.constant 0 : i32
    %scan3A_124 = arith.constant 19 : i32
    %scan3A_125 = arith.addi %scan3A_123, %scan3A_124 : i32
    %scan3A_126 = arith.constant 1 : i32
    scf.for %scan3A_159 = %scan3A_123 to %scan3A_125 step %scan3A_126  : i32 {
      %mul3A_160 = arith.constant 2 : i32
      %mul3A_161 = arith.muli %scan3A_159, %mul3A_160 : i32
      %add3A_162 = arith.constant 0 : i32
      %add3A_163 = arith.addi %mul3A_161, %add3A_162 : i32
      %dma_wait3A_164 = arith.constant 0 : i32
      %dma_wait3A_165 = arith.constant 0 : i32
      %dma_wait3A_166 = arith.constant 0 : i32
      %dma_wait3A_167 = tpu.memref_slice %arg8[%dma_wait3A_164, %dma_wait3A_165, %dma_wait3A_166] : memref<2x128x128xf32, #tpu.memory_space<vmem>> -> memref<1x128x128xf32, #tpu.memory_space<vmem>>
      %dma_wait3A_168 = tpu.memref_squeeze %dma_wait3A_167 : memref<1x128x128xf32, #tpu.memory_space<vmem>> -> memref<128x128xf32, #tpu.memory_space<vmem>>
      %dma_wait3A_169 = arith.constant 0 : i32
      %dma_wait3A_170 = tpu.memref_slice %arg6[%add3A_163, %dma_wait3A_169] : memref<40x128xi32, #tpu.memory_space<vmem>> -> memref<1x128xi32, #tpu.memory_space<vmem>>
      %dma_wait3A_171 = tpu.memref_squeeze %dma_wait3A_170 : memref<1x128xi32, #tpu.memory_space<vmem>> -> memref<128xi32, #tpu.memory_space<vmem>>
      %dma_wait3A_172 = arith.constant 0 : i32
      %dma_wait3A_173 = arith.constant 0 : i32
      %dma_wait3A_174 = tpu.memref_slice %arg2[%dma_wait3A_172, %dma_wait3A_173] : memref<10000x128xf32, #tpu.memory_space<hbm>> -> memref<10000x128xf32, #tpu.memory_space<hbm>>
      tpu.wait_indirect_dma semaphore(%arg10 : memref<!tpu.dma_semaphore, #tpu.memory_space<semaphore_mem>>) src(%dma_wait3A_174 : memref<10000x128xf32, #tpu.memory_space<hbm>>) dst(%dma_wait3A_168 : memref<128x128xf32, #tpu.memory_space<vmem>>)
      %run_scoped3A_175 = arith.constant 0 : i32
      "tpu.region"() ({
        %run_scoped3A_216 = tpu.sem_alloc : memref<!tpu.dma_semaphore, #tpu.memory_space<semaphore_mem>>
        %dma_start3A_217 = arith.constant 0 : i32
        %dma_start3A_218 = arith.constant 0 : i32
        %dma_start3A_219 = tpu.memref_slice %arg8[%run_scoped3A_175, %dma_start3A_217, %dma_start3A_218] : memref<2x128x128xf32, #tpu.memory_space<vmem>> -> memref<1x128x128xf32, #tpu.memory_space<vmem>>
        %dma_start3A_220 = tpu.memref_squeeze %dma_start3A_219 : memref<1x128x128xf32, #tpu.memory_space<vmem>> -> memref<128x128xf32, #tpu.memory_space<vmem>>
        %dma_start3A_221 = arith.constant 0 : i32
        %dma_start3A_222 = tpu.memref_slice %arg7[%add3A_163, %dma_start3A_221] : memref<40x128xi32, #tpu.memory_space<vmem>> -> memref<1x128xi32, #tpu.memory_space<vmem>>
        %dma_start3A_223 = tpu.memref_squeeze %dma_start3A_222 : memref<1x128xi32, #tpu.memory_space<vmem>> -> memref<128xi32, #tpu.memory_space<vmem>>
        %dma_start3A_224 = arith.constant 0 : i32
        %dma_start3A_225 = arith.constant 0 : i32
        %dma_start3A_226 = tpu.memref_slice %arg9[%dma_start3A_224, %dma_start3A_225] : memref<10112x128xf32, #tpu.memory_space<vmem_shared>> -> memref<10112x128xf32, #tpu.memory_space<vmem_shared>>
        tpu.enqueue_indirect_dma source(%dma_start3A_220 : memref<128x128xf32, #tpu.memory_space<vmem>>) target(%dma_start3A_226 : memref<10112x128xf32, #tpu.memory_space<vmem_shared>>) offsets(%dma_start3A_223 : memref<128xi32, #tpu.memory_space<vmem>>) semaphore(%run_scoped3A_216 : memref<!tpu.dma_semaphore, #tpu.memory_space<semaphore_mem>>) {add = true}
        %dma_wait3A_227 = arith.constant 0 : i32
        %dma_wait3A_228 = arith.constant 0 : i32
        %dma_wait3A_229 = tpu.memref_slice %arg8[%run_scoped3A_175, %dma_wait3A_227, %dma_wait3A_228] : memref<2x128x128xf32, #tpu.memory_space<vmem>> -> memref<1x128x128xf32, #tpu.memory_space<vmem>>
        %dma_wait3A_230 = tpu.memref_squeeze %dma_wait3A_229 : memref<1x128x128xf32, #tpu.memory_space<vmem>> -> memref<128x128xf32, #tpu.memory_space<vmem>>
        %dma_wait3A_231 = arith.constant 0 : i32
        %dma_wait3A_232 = tpu.memref_slice %arg7[%add3A_163, %dma_wait3A_231] : memref<40x128xi32, #tpu.memory_space<vmem>> -> memref<1x128xi32, #tpu.memory_space<vmem>>
        %dma_wait3A_233 = tpu.memref_squeeze %dma_wait3A_232 : memref<1x128xi32, #tpu.memory_space<vmem>> -> memref<128xi32, #tpu.memory_space<vmem>>
        %dma_wait3A_234 = arith.constant 0 : i32
        %dma_wait3A_235 = arith.constant 0 : i32
        %dma_wait3A_236 = tpu.memref_slice %arg9[%dma_wait3A_234, %dma_wait3A_235] : memref<10112x128xf32, #tpu.memory_space<vmem_shared>> -> memref<10112x128xf32, #tpu.memory_space<vmem_shared>>
        tpu.wait_indirect_dma semaphore(%run_scoped3A_216 : memref<!tpu.dma_semaphore, #tpu.memory_space<semaphore_mem>>) src(%dma_wait3A_230 : memref<128x128xf32, #tpu.memory_space<vmem>>) dst(%dma_wait3A_236 : memref<10112x128xf32, #tpu.memory_space<vmem_shared>>)
        tpu.yield
      }) : () -> ()
      %add3A_176 = arith.constant 2 : i32
      %add3A_177 = arith.addi %add3A_163, %add3A_176 : i32
      %dma_start3A_178 = arith.constant 0 : i32
      %dma_start3A_179 = arith.constant 0 : i32
      %dma_start3A_180 = arith.constant 0 : i32
      %dma_start3A_181 = tpu.memref_slice %arg8[%dma_start3A_178, %dma_start3A_179, %dma_start3A_180] : memref<2x128x128xf32, #tpu.memory_space<vmem>> -> memref<1x128x128xf32, #tpu.memory_space<vmem>>
      %dma_start3A_182 = tpu.memref_squeeze %dma_start3A_181 : memref<1x128x128xf32, #tpu.memory_space<vmem>> -> memref<128x128xf32, #tpu.memory_space<vmem>>
      %dma_start3A_183 = arith.constant 0 : i32
      %dma_start3A_184 = tpu.memref_slice %arg6[%add3A_177, %dma_start3A_183] : memref<40x128xi32, #tpu.memory_space<vmem>> -> memref<1x128xi32, #tpu.memory_space<vmem>>
      %dma_start3A_185 = tpu.memref_squeeze %dma_start3A_184 : memref<1x128xi32, #tpu.memory_space<vmem>> -> memref<128xi32, #tpu.memory_space<vmem>>
      %dma_start3A_186 = arith.constant 0 : i32
      %dma_start3A_187 = arith.constant 0 : i32
      %dma_start3A_188 = tpu.memref_slice %arg2[%dma_start3A_186, %dma_start3A_187] : memref<10000x128xf32, #tpu.memory_space<hbm>> -> memref<10000x128xf32, #tpu.memory_space<hbm>>
      tpu.enqueue_indirect_dma source(%dma_start3A_188 : memref<10000x128xf32, #tpu.memory_space<hbm>>) target(%dma_start3A_182 : memref<128x128xf32, #tpu.memory_space<vmem>>) offsets(%dma_start3A_185 : memref<128xi32, #tpu.memory_space<vmem>>) semaphore(%arg10 : memref<!tpu.dma_semaphore, #tpu.memory_space<semaphore_mem>>)
      %add3A_189 = arith.constant 1 : i32
      %add3A_190 = arith.addi %mul3A_161, %add3A_189 : i32
      %dma_wait3A_191 = arith.constant 1 : i32
      %dma_wait3A_192 = arith.constant 0 : i32
      %dma_wait3A_193 = arith.constant 0 : i32
      %dma_wait3A_194 = tpu.memref_slice %arg8[%dma_wait3A_191, %dma_wait3A_192, %dma_wait3A_193] : memref<2x128x128xf32, #tpu.memory_space<vmem>> -> memref<1x128x128xf32, #tpu.memory_space<vmem>>
      %dma_wait3A_195 = tpu.memref_squeeze %dma_wait3A_194 : memref<1x128x128xf32, #tpu.memory_space<vmem>> -> memref<128x128xf32, #tpu.memory_space<vmem>>
      %dma_wait3A_196 = arith.constant 0 : i32
      %dma_wait3A_197 = tpu.memref_slice %arg6[%add3A_190, %dma_wait3A_196] : memref<40x128xi32, #tpu.memory_space<vmem>> -> memref<1x128xi32, #tpu.memory_space<vmem>>
      %dma_wait3A_198 = tpu.memref_squeeze %dma_wait3A_197 : memref<1x128xi32, #tpu.memory_space<vmem>> -> memref<128xi32, #tpu.memory_space<vmem>>
      %dma_wait3A_199 = arith.constant 0 : i32
      %dma_wait3A_200 = arith.constant 0 : i32
      %dma_wait3A_201 = tpu.memref_slice %arg2[%dma_wait3A_199, %dma_wait3A_200] : memref<10000x128xf32, #tpu.memory_space<hbm>> -> memref<10000x128xf32, #tpu.memory_space<hbm>>
      tpu.wait_indirect_dma semaphore(%arg11 : memref<!tpu.dma_semaphore, #tpu.memory_space<semaphore_mem>>) src(%dma_wait3A_201 : memref<10000x128xf32, #tpu.memory_space<hbm>>) dst(%dma_wait3A_195 : memref<128x128xf32, #tpu.memory_space<vmem>>)
      %run_scoped3A_202 = arith.constant 1 : i32
      "tpu.region"() ({
        %run_scoped3A_216 = tpu.sem_alloc : memref<!tpu.dma_semaphore, #tpu.memory_space<semaphore_mem>>
        %dma_start3A_217 = arith.constant 0 : i32
        %dma_start3A_218 = arith.constant 0 : i32
        %dma_start3A_219 = tpu.memref_slice %arg8[%run_scoped3A_202, %dma_start3A_217, %dma_start3A_218] : memref<2x128x128xf32, #tpu.memory_space<vmem>> -> memref<1x128x128xf32, #tpu.memory_space<vmem>>
        %dma_start3A_220 = tpu.memref_squeeze %dma_start3A_219 : memref<1x128x128xf32, #tpu.memory_space<vmem>> -> memref<128x128xf32, #tpu.memory_space<vmem>>
        %dma_start3A_221 = arith.constant 0 : i32
        %dma_start3A_222 = tpu.memref_slice %arg7[%add3A_190, %dma_start3A_221] : memref<40x128xi32, #tpu.memory_space<vmem>> -> memref<1x128xi32, #tpu.memory_space<vmem>>
        %dma_start3A_223 = tpu.memref_squeeze %dma_start3A_222 : memref<1x128xi32, #tpu.memory_space<vmem>> -> memref<128xi32, #tpu.memory_space<vmem>>
        %dma_start3A_224 = arith.constant 0 : i32
        %dma_start3A_225 = arith.constant 0 : i32
        %dma_start3A_226 = tpu.memref_slice %arg9[%dma_start3A_224, %dma_start3A_225] : memref<10112x128xf32, #tpu.memory_space<vmem_shared>> -> memref<10112x128xf32, #tpu.memory_space<vmem_shared>>
        tpu.enqueue_indirect_dma source(%dma_start3A_220 : memref<128x128xf32, #tpu.memory_space<vmem>>) target(%dma_start3A_226 : memref<10112x128xf32, #tpu.memory_space<vmem_shared>>) offsets(%dma_start3A_223 : memref<128xi32, #tpu.memory_space<vmem>>) semaphore(%run_scoped3A_216 : memref<!tpu.dma_semaphore, #tpu.memory_space<semaphore_mem>>) {add = true}
        %dma_wait3A_227 = arith.constant 0 : i32
        %dma_wait3A_228 = arith.constant 0 : i32
        %dma_wait3A_229 = tpu.memref_slice %arg8[%run_scoped3A_202, %dma_wait3A_227, %dma_wait3A_228] : memref<2x128x128xf32, #tpu.memory_space<vmem>> -> memref<1x128x128xf32, #tpu.memory_space<vmem>>
        %dma_wait3A_230 = tpu.memref_squeeze %dma_wait3A_229 : memref<1x128x128xf32, #tpu.memory_space<vmem>> -> memref<128x128xf32, #tpu.memory_space<vmem>>
        %dma_wait3A_231 = arith.constant 0 : i32
        %dma_wait3A_232 = tpu.memref_slice %arg7[%add3A_190, %dma_wait3A_231] : memref<40x128xi32, #tpu.memory_space<vmem>> -> memref<1x128xi32, #tpu.memory_space<vmem>>
        %dma_wait3A_233 = tpu.memref_squeeze %dma_wait3A_232 : memref<1x128xi32, #tpu.memory_space<vmem>> -> memref<128xi32, #tpu.memory_space<vmem>>
        %dma_wait3A_234 = arith.constant 0 : i32
        %dma_wait3A_235 = arith.constant 0 : i32
        %dma_wait3A_236 = tpu.memref_slice %arg9[%dma_wait3A_234, %dma_wait3A_235] : memref<10112x128xf32, #tpu.memory_space<vmem_shared>> -> memref<10112x128xf32, #tpu.memory_space<vmem_shared>>
        tpu.wait_indirect_dma semaphore(%run_scoped3A_216 : memref<!tpu.dma_semaphore, #tpu.memory_space<semaphore_mem>>) src(%dma_wait3A_230 : memref<128x128xf32, #tpu.memory_space<vmem>>) dst(%dma_wait3A_236 : memref<10112x128xf32, #tpu.memory_space<vmem_shared>>)
        tpu.yield
      }) : () -> ()
      %add3A_203 = arith.constant 2 : i32
      %add3A_204 = arith.addi %add3A_190, %add3A_203 : i32
      %dma_start3A_205 = arith.constant 1 : i32
      %dma_start3A_206 = arith.constant 0 : i32
      %dma_start3A_207 = arith.constant 0 : i32
      %dma_start3A_208 = tpu.memref_slice %arg8[%dma_start3A_205, %dma_start3A_206, %dma_start3A_207] : memref<2x128x128xf32, #tpu.memory_space<vmem>> -> memref<1x128x128xf32, #tpu.memory_space<vmem>>
      %dma_start3A_209 = tpu.memref_squeeze %dma_start3A_208 : memref<1x128x128xf32, #tpu.memory_space<vmem>> -> memref<128x128xf32, #tpu.memory_space<vmem>>
      %dma_start3A_210 = arith.constant 0 : i32
      %dma_start3A_211 = tpu.memref_slice %arg6[%add3A_204, %dma_start3A_210] : memref<40x128xi32, #tpu.memory_space<vmem>> -> memref<1x128xi32, #tpu.memory_space<vmem>>
      %dma_start3A_212 = tpu.memref_squeeze %dma_start3A_211 : memref<1x128xi32, #tpu.memory_space<vmem>> -> memref<128xi32, #tpu.memory_space<vmem>>
      %dma_start3A_213 = arith.constant 0 : i32
      %dma_start3A_214 = arith.constant 0 : i32
      %dma_start3A_215 = tpu.memref_slice %arg2[%dma_start3A_213, %dma_start3A_214] : memref<10000x128xf32, #tpu.memory_space<hbm>> -> memref<10000x128xf32, #tpu.memory_space<hbm>>
      tpu.enqueue_indirect_dma source(%dma_start3A_215 : memref<10000x128xf32, #tpu.memory_space<hbm>>) target(%dma_start3A_209 : memref<128x128xf32, #tpu.memory_space<vmem>>) offsets(%dma_start3A_212 : memref<128xi32, #tpu.memory_space<vmem>>) semaphore(%arg11 : memref<!tpu.dma_semaphore, #tpu.memory_space<semaphore_mem>>)
    }
    %scan3A_127 = arith.constant 19 : i32
    %dma_wait3A_128 = arith.constant 38 : i32
    %dma_wait3A_129 = arith.constant 0 : i32
    %dma_wait3A_130 = arith.constant 0 : i32
    %dma_wait3A_131 = arith.constant 0 : i32
    %dma_wait3A_132 = tpu.memref_slice %arg8[%dma_wait3A_129, %dma_wait3A_130, %dma_wait3A_131] : memref<2x128x128xf32, #tpu.memory_space<vmem>> -> memref<1x128x128xf32, #tpu.memory_space<vmem>>
    %dma_wait3A_133 = tpu.memref_squeeze %dma_wait3A_132 : memref<1x128x128xf32, #tpu.memory_space<vmem>> -> memref<128x128xf32, #tpu.memory_space<vmem>>
    %dma_wait3A_134 = arith.constant 0 : i32
    %dma_wait3A_135 = tpu.memref_slice %arg6[%dma_wait3A_128, %dma_wait3A_134] : memref<40x128xi32, #tpu.memory_space<vmem>> -> memref<1x128xi32, #tpu.memory_space<vmem>>
    %dma_wait3A_136 = tpu.memref_squeeze %dma_wait3A_135 : memref<1x128xi32, #tpu.memory_space<vmem>> -> memref<128xi32, #tpu.memory_space<vmem>>
    %dma_wait3A_137 = arith.constant 0 : i32
    %dma_wait3A_138 = arith.constant 0 : i32
    %dma_wait3A_139 = tpu.memref_slice %arg2[%dma_wait3A_137, %dma_wait3A_138] : memref<10000x128xf32, #tpu.memory_space<hbm>> -> memref<10000x128xf32, #tpu.memory_space<hbm>>
    tpu.wait_indirect_dma semaphore(%arg10 : memref<!tpu.dma_semaphore, #tpu.memory_space<semaphore_mem>>) src(%dma_wait3A_139 : memref<10000x128xf32, #tpu.memory_space<hbm>>) dst(%dma_wait3A_133 : memref<128x128xf32, #tpu.memory_space<vmem>>)
    %run_scoped3A_140 = arith.constant 0 : i32
    %run_scoped3A_141 = arith.constant 38 : i32
    "tpu.region"() ({
      %run_scoped3A_159 = tpu.sem_alloc : memref<!tpu.dma_semaphore, #tpu.memory_space<semaphore_mem>>
      %dma_start3A_160 = arith.constant 0 : i32
      %dma_start3A_161 = arith.constant 0 : i32
      %dma_start3A_162 = tpu.memref_slice %arg8[%run_scoped3A_140, %dma_start3A_160, %dma_start3A_161] : memref<2x128x128xf32, #tpu.memory_space<vmem>> -> memref<1x128x128xf32, #tpu.memory_space<vmem>>
      %dma_start3A_163 = tpu.memref_squeeze %dma_start3A_162 : memref<1x128x128xf32, #tpu.memory_space<vmem>> -> memref<128x128xf32, #tpu.memory_space<vmem>>
      %dma_start3A_164 = arith.constant 0 : i32
      %dma_start3A_165 = tpu.memref_slice %arg7[%run_scoped3A_141, %dma_start3A_164] : memref<40x128xi32, #tpu.memory_space<vmem>> -> memref<1x128xi32, #tpu.memory_space<vmem>>
      %dma_start3A_166 = tpu.memref_squeeze %dma_start3A_165 : memref<1x128xi32, #tpu.memory_space<vmem>> -> memref<128xi32, #tpu.memory_space<vmem>>
      %dma_start3A_167 = arith.constant 0 : i32
      %dma_start3A_168 = arith.constant 0 : i32
      %dma_start3A_169 = tpu.memref_slice %arg9[%dma_start3A_167, %dma_start3A_168] : memref<10112x128xf32, #tpu.memory_space<vmem_shared>> -> memref<10112x128xf32, #tpu.memory_space<vmem_shared>>
      tpu.enqueue_indirect_dma source(%dma_start3A_163 : memref<128x128xf32, #tpu.memory_space<vmem>>) target(%dma_start3A_169 : memref<10112x128xf32, #tpu.memory_space<vmem_shared>>) offsets(%dma_start3A_166 : memref<128xi32, #tpu.memory_space<vmem>>) semaphore(%run_scoped3A_159 : memref<!tpu.dma_semaphore, #tpu.memory_space<semaphore_mem>>) {add = true}
      %dma_wait3A_170 = arith.constant 0 : i32
      %dma_wait3A_171 = arith.constant 0 : i32
      %dma_wait3A_172 = tpu.memref_slice %arg8[%run_scoped3A_140, %dma_wait3A_170, %dma_wait3A_171] : memref<2x128x128xf32, #tpu.memory_space<vmem>> -> memref<1x128x128xf32, #tpu.memory_space<vmem>>
      %dma_wait3A_173 = tpu.memref_squeeze %dma_wait3A_172 : memref<1x128x128xf32, #tpu.memory_space<vmem>> -> memref<128x128xf32, #tpu.memory_space<vmem>>
      %dma_wait3A_174 = arith.constant 0 : i32
      %dma_wait3A_175 = tpu.memref_slice %arg7[%run_scoped3A_141, %dma_wait3A_174] : memref<40x128xi32, #tpu.memory_space<vmem>> -> memref<1x128xi32, #tpu.memory_space<vmem>>
      %dma_wait3A_176 = tpu.memref_squeeze %dma_wait3A_175 : memref<1x128xi32, #tpu.memory_space<vmem>> -> memref<128xi32, #tpu.memory_space<vmem>>
      %dma_wait3A_177 = arith.constant 0 : i32
      %dma_wait3A_178 = arith.constant 0 : i32
      %dma_wait3A_179 = tpu.memref_slice %arg9[%dma_wait3A_177, %dma_wait3A_178] : memref<10112x128xf32, #tpu.memory_space<vmem_shared>> -> memref<10112x128xf32, #tpu.memory_space<vmem_shared>>
      tpu.wait_indirect_dma semaphore(%run_scoped3A_159 : memref<!tpu.dma_semaphore, #tpu.memory_space<semaphore_mem>>) src(%dma_wait3A_173 : memref<128x128xf32, #tpu.memory_space<vmem>>) dst(%dma_wait3A_179 : memref<10112x128xf32, #tpu.memory_space<vmem_shared>>)
      tpu.yield
    }) : () -> ()
    %dma_wait3A_142 = arith.constant 39 : i32
    %dma_wait3A_143 = arith.constant 1 : i32
    %dma_wait3A_144 = arith.constant 0 : i32
    %dma_wait3A_145 = arith.constant 0 : i32
    %dma_wait3A_146 = tpu.memref_slice %arg8[%dma_wait3A_143, %dma_wait3A_144, %dma_wait3A_145] : memref<2x128x128xf32, #tpu.memory_space<vmem>> -> memref<1x128x128xf32, #tpu.memory_space<vmem>>
    %dma_wait3A_147 = tpu.memref_squeeze %dma_wait3A_146 : memref<1x128x128xf32, #tpu.memory_space<vmem>> -> memref<128x128xf32, #tpu.memory_space<vmem>>
    %dma_wait3A_148 = arith.constant 0 : i32
    %dma_wait3A_149 = tpu.memref_slice %arg6[%dma_wait3A_142, %dma_wait3A_148] : memref<40x128xi32, #tpu.memory_space<vmem>> -> memref<1x128xi32, #tpu.memory_space<vmem>>
    %dma_wait3A_150 = tpu.memref_squeeze %dma_wait3A_149 : memref<1x128xi32, #tpu.memory_space<vmem>> -> memref<128xi32, #tpu.memory_space<vmem>>
    %dma_wait3A_151 = arith.constant 0 : i32
    %dma_wait3A_152 = arith.constant 0 : i32
    %dma_wait3A_153 = tpu.memref_slice %arg2[%dma_wait3A_151, %dma_wait3A_152] : memref<10000x128xf32, #tpu.memory_space<hbm>> -> memref<10000x128xf32, #tpu.memory_space<hbm>>
    tpu.wait_indirect_dma semaphore(%arg11 : memref<!tpu.dma_semaphore, #tpu.memory_space<semaphore_mem>>) src(%dma_wait3A_153 : memref<10000x128xf32, #tpu.memory_space<hbm>>) dst(%dma_wait3A_147 : memref<128x128xf32, #tpu.memory_space<vmem>>)
    %run_scoped3A_154 = arith.constant 1 : i32
    %run_scoped3A_155 = arith.constant 39 : i32
    "tpu.region"() ({
      %run_scoped3A_159 = tpu.sem_alloc : memref<!tpu.dma_semaphore, #tpu.memory_space<semaphore_mem>>
      %dma_start3A_160 = arith.constant 0 : i32
      %dma_start3A_161 = arith.constant 0 : i32
      %dma_start3A_162 = tpu.memref_slice %arg8[%run_scoped3A_154, %dma_start3A_160, %dma_start3A_161] : memref<2x128x128xf32, #tpu.memory_space<vmem>> -> memref<1x128x128xf32, #tpu.memory_space<vmem>>
      %dma_start3A_163 = tpu.memref_squeeze %dma_start3A_162 : memref<1x128x128xf32, #tpu.memory_space<vmem>> -> memref<128x128xf32, #tpu.memory_space<vmem>>
      %dma_start3A_164 = arith.constant 0 : i32
      %dma_start3A_165 = tpu.memref_slice %arg7[%run_scoped3A_155, %dma_start3A_164] : memref<40x128xi32, #tpu.memory_space<vmem>> -> memref<1x128xi32, #tpu.memory_space<vmem>>
      %dma_start3A_166 = tpu.memref_squeeze %dma_start3A_165 : memref<1x128xi32, #tpu.memory_space<vmem>> -> memref<128xi32, #tpu.memory_space<vmem>>
      %dma_start3A_167 = arith.constant 0 : i32
      %dma_start3A_168 = arith.constant 0 : i32
      %dma_start3A_169 = tpu.memref_slice %arg9[%dma_start3A_167, %dma_start3A_168] : memref<10112x128xf32, #tpu.memory_space<vmem_shared>> -> memref<10112x128xf32, #tpu.memory_space<vmem_shared>>
      tpu.enqueue_indirect_dma source(%dma_start3A_163 : memref<128x128xf32, #tpu.memory_space<vmem>>) target(%dma_start3A_169 : memref<10112x128xf32, #tpu.memory_space<vmem_shared>>) offsets(%dma_start3A_166 : memref<128xi32, #tpu.memory_space<vmem>>) semaphore(%run_scoped3A_159 : memref<!tpu.dma_semaphore, #tpu.memory_space<semaphore_mem>>) {add = true}
      %dma_wait3A_170 = arith.constant 0 : i32
      %dma_wait3A_171 = arith.constant 0 : i32
      %dma_wait3A_172 = tpu.memref_slice %arg8[%run_scoped3A_154, %dma_wait3A_170, %dma_wait3A_171] : memref<2x128x128xf32, #tpu.memory_space<vmem>> -> memref<1x128x128xf32, #tpu.memory_space<vmem>>
      %dma_wait3A_173 = tpu.memref_squeeze %dma_wait3A_172 : memref<1x128x128xf32, #tpu.memory_space<vmem>> -> memref<128x128xf32, #tpu.memory_space<vmem>>
      %dma_wait3A_174 = arith.constant 0 : i32
      %dma_wait3A_175 = tpu.memref_slice %arg7[%run_scoped3A_155, %dma_wait3A_174] : memref<40x128xi32, #tpu.memory_space<vmem>> -> memref<1x128xi32, #tpu.memory_space<vmem>>
      %dma_wait3A_176 = tpu.memref_squeeze %dma_wait3A_175 : memref<1x128xi32, #tpu.memory_space<vmem>> -> memref<128xi32, #tpu.memory_space<vmem>>
      %dma_wait3A_177 = arith.constant 0 : i32
      %dma_wait3A_178 = arith.constant 0 : i32
      %dma_wait3A_179 = tpu.memref_slice %arg9[%dma_wait3A_177, %dma_wait3A_178] : memref<10112x128xf32, #tpu.memory_space<vmem_shared>> -> memref<10112x128xf32, #tpu.memory_space<vmem_shared>>
      tpu.wait_indirect_dma semaphore(%run_scoped3A_159 : memref<!tpu.dma_semaphore, #tpu.memory_space<semaphore_mem>>) src(%dma_wait3A_173 : memref<128x128xf32, #tpu.memory_space<vmem>>) dst(%dma_wait3A_179 : memref<10112x128xf32, #tpu.memory_space<vmem_shared>>)
      tpu.yield
    }) : () -> ()
    %barrier3A_156 = arith.constant 0 : index
    tpu.barrier barrier_id(%barrier3A_156)
    %mul3A_157 = arith.constant 632 : i32
    %mul3A_158 = arith.muli %arg1, %mul3A_157 : i32
    "tpu.region"() ({
      %run_scoped3A_159 = tpu.sem_alloc : memref<!tpu.dma_semaphore, #tpu.memory_space<semaphore_mem>>
      %dma_start3A_160 = arith.constant 0 : i32
      %dma_start3A_161 = tpu.memref_slice %arg5[%arg0, %mul3A_158, %dma_start3A_160] : memref<2x10112x128xf32, #tpu.memory_space<hbm>> -> memref<1x632x128xf32, #tpu.memory_space<hbm>>
      %dma_start3A_162 = tpu.memref_squeeze %dma_start3A_161 : memref<1x632x128xf32, #tpu.memory_space<hbm>> -> memref<632x128xf32, #tpu.memory_space<hbm>>
      %dma_start3A_163 = arith.constant 0 : i32
      %dma_start3A_164 = tpu.memref_slice %arg9[%mul3A_158, %dma_start3A_163] : memref<10112x128xf32, #tpu.memory_space<vmem_shared>> -> memref<632x128xf32, #tpu.memory_space<vmem_shared>>
      tpu.enqueue_dma source(%dma_start3A_164 : memref<632x128xf32, #tpu.memory_space<vmem_shared>>) target(%dma_start3A_162 : memref<632x128xf32, #tpu.memory_space<hbm>>) target_semaphore(%run_scoped3A_159 : memref<!tpu.dma_semaphore, #tpu.memory_space<semaphore_mem>>)
      %dma_wait3A_165 = arith.constant 0 : i32
      %dma_wait3A_166 = tpu.memref_slice %arg5[%arg0, %mul3A_158, %dma_wait3A_165] : memref<2x10112x128xf32, #tpu.memory_space<hbm>> -> memref<1x632x128xf32, #tpu.memory_space<hbm>>
      %dma_wait3A_167 = tpu.memref_squeeze %dma_wait3A_166 : memref<1x632x128xf32, #tpu.memory_space<hbm>> -> memref<632x128xf32, #tpu.memory_space<hbm>>
      %dma_wait3A_168 = arith.constant 0 : i32
      %dma_wait3A_169 = tpu.memref_slice %arg9[%mul3A_158, %dma_wait3A_168] : memref<10112x128xf32, #tpu.memory_space<vmem_shared>> -> memref<632x128xf32, #tpu.memory_space<vmem_shared>>
      tpu.wait_dma2 semaphore(%run_scoped3A_159 : memref<!tpu.dma_semaphore, #tpu.memory_space<semaphore_mem>>) src(%dma_wait3A_169 : memref<632x128xf32, #tpu.memory_space<vmem_shared>>) dst(%dma_wait3A_167 : memref<632x128xf32, #tpu.memory_space<hbm>>)
      tpu.yield
    }) : () -> ()
    return
  }
}

module attributes {stable_mosaic.version = 14 : i64} {
  func.func @_layer_body(%arg0: i32, %arg1: i32, %arg2: memref<2000x128xf32, #tpu.memory_space<vmem>>, %arg3: memref<2x2000x128xf32, #tpu.memory_space<vmem>>, %arg4: memref<128x128xf32, #tpu.memory_space<vmem>>, %arg5: memref<1x128xf32, #tpu.memory_space<vmem>>, %arg6: memref<128x128xf32, #tpu.memory_space<vmem>>, %arg7: memref<1x128xf32, #tpu.memory_space<vmem>>, %arg8: memref<1x128xf32, #tpu.memory_space<vmem>>, %arg9: memref<1x128xf32, #tpu.memory_space<vmem>>, %arg10: memref<1x1x2000xi32, #tpu.memory_space<vmem>>, %arg11: memref<2000x128xf32, #tpu.memory_space<vmem>>, %arg12: memref<64x128xf32, #tpu.memory_space<vmem>>, %arg13: memref<10000x128xf32, #tpu.memory_space<vmem>>, %arg14: memref<1x128xf32, #tpu.memory_space<vmem>>, %arg15: memref<1x128xf32, #tpu.memory_space<vmem>>) attributes {dimension_semantics = [#tpu.dimension_semantics<arbitrary>, #tpu.dimension_semantics<arbitrary>], iteration_bounds = array<i64: 2, 5>, scalar_prefetch = 0 : i64, scratch_operands = 3 : i64, tpu.core_type = #tpu.core_type<tc>, window_params = [{transform_indices = @transform_0, window_bounds = array<i64: 2000, 128>}, {transform_indices = @transform_1, window_bounds = array<i64: 2, 2000, 128>}, {pipeline_mode = #tpu.pipeline_mode<synchronous>, transform_indices = @transform_2, window_bounds = array<i64: 128, 128>}, {pipeline_mode = #tpu.pipeline_mode<synchronous>, transform_indices = @transform_3, window_bounds = array<i64: 1, 128>}, {pipeline_mode = #tpu.pipeline_mode<synchronous>, transform_indices = @transform_4, window_bounds = array<i64: 128, 128>}, {pipeline_mode = #tpu.pipeline_mode<synchronous>, transform_indices = @transform_5, window_bounds = array<i64: 1, 128>}, {pipeline_mode = #tpu.pipeline_mode<synchronous>, transform_indices = @transform_6, window_bounds = array<i64: 1, 128>}, {pipeline_mode = #tpu.pipeline_mode<synchronous>, transform_indices = @transform_7, window_bounds = array<i64: 1, 128>}, {transform_indices = @transform_8, window_bounds = array<i64: 1, 1, 2000>}, {transform_indices = @transform_9, window_bounds = array<i64: 2000, 128>}, {pipeline_mode = #tpu.pipeline_mode<synchronous>, transform_indices = @transform_10, window_bounds = array<i64: 64, 128>}]} {
    %eq3A = arith.constant 0 : i32
    %eq3A_0 = arith.cmpi eq, %arg0, %eq3A : i32
    %eq3A_1 = arith.constant 0 : i32
    %eq3A_2 = arith.cmpi eq, %arg1, %eq3A_1 : i32
    %and3A = arith.andi %eq3A_0, %eq3A_2 : i1
    %convert_element_type3A = arith.extui %and3A : i1 to i32
    %cond3A = arith.constant 0 : i32
    %cond3A_3 = arith.cmpi ne, %convert_element_type3A, %cond3A : i32
    scf.if %cond3A_3 {
      %broadcast_in_dim3A = arith.constant 0.000000e+00 : f32
      %broadcast_in_dim3A_14 = vector.broadcast %broadcast_in_dim3A : f32 to vector<1x128xf32>
      %swap3A = arith.constant 0 : index
      %swap3A_15 = arith.constant 0 : index
      %swap3A_16 = vector.load %arg14[%swap3A, %swap3A_15] : memref<1x128xf32, #tpu.memory_space<vmem>>, vector<1x128xf32>
      tpu.vector_store %arg14[%swap3A, %swap3A_15], %broadcast_in_dim3A_14 {strides = array<i32>} : memref<1x128xf32, #tpu.memory_space<vmem>>, vector<1x128xf32>,
      %broadcast_in_dim3A_17 = arith.constant 0.000000e+00 : f32
      %broadcast_in_dim3A_18 = vector.broadcast %broadcast_in_dim3A_17 : f32 to vector<1x128xf32>
      %swap3A_19 = arith.constant 0 : index
      %swap3A_20 = arith.constant 0 : index
      %swap3A_21 = vector.load %arg15[%swap3A_19, %swap3A_20] : memref<1x128xf32, #tpu.memory_space<vmem>>, vector<1x128xf32>
      tpu.vector_store %arg15[%swap3A_19, %swap3A_20], %broadcast_in_dim3A_18 {strides = array<i32>} : memref<1x128xf32, #tpu.memory_space<vmem>>, vector<1x128xf32>,
    } else {
    }
    %eq3A_4 = arith.constant 0 : i32
    %eq3A_5 = arith.cmpi eq, %arg0, %eq3A_4 : i32
    %convert_element_type3A_6 = arith.extui %eq3A_5 : i1 to i32
    %cond3A_7 = arith.constant 0 : i32
    %cond3A_8 = arith.cmpi ne, %convert_element_type3A_6, %cond3A_7 : i32
    scf.if %cond3A_8 {
      %get3A = arith.constant 0 : index
      %get3A_14 = arith.constant 0 : index
      %get3A_15 = vector.load %arg2[%get3A, %get3A_14] : memref<2000x128xf32, #tpu.memory_space<vmem>>, vector<2000x128xf32>
      %get3A_16 = arith.constant 0 : index
      %get3A_17 = arith.constant 0 : index
      %get3A_18 = arith.constant 0 : index
      %get3A_19 = vector.load %arg3[%get3A_16, %get3A_17, %get3A_18] : memref<2x2000x128xf32, #tpu.memory_space<vmem>>, vector<1x2000x128xf32>
      %get3A_20 = vector.shape_cast %get3A_19 : vector<1x2000x128xf32> to vector<2000x128xf32>
      %add3A = arith.addf %get3A_15, %get3A_20 : vector<2000x128xf32>
      %get3A_21 = arith.constant 1 : index
      %get3A_22 = arith.constant 0 : index
      %get3A_23 = arith.constant 0 : index
      %get3A_24 = vector.load %arg3[%get3A_21, %get3A_22, %get3A_23] : memref<2x2000x128xf32, #tpu.memory_space<vmem>>, vector<1x2000x128xf32>
      %get3A_25 = vector.shape_cast %get3A_24 : vector<1x2000x128xf32> to vector<2000x128xf32>
      %add3A_26 = arith.addf %add3A, %get3A_25 : vector<2000x128xf32>
      %get3A_27 = arith.constant 0 : index
      %get3A_28 = arith.constant 0 : index
      %get3A_29 = vector.load %arg4[%get3A_27, %get3A_28] : memref<128x128xf32, #tpu.memory_space<vmem>>, vector<128x128xf32>
      %dot_general3A = arith.constant dense<0.000000e+00> : vector<2000x128xf32>
      %dot_general3A_30 = tpu.matmul %add3A_26, %get3A_29, %dot_general3A {dimension_numbers = #tpu.dot_dimension_numbers<[1], [0], [0], [1], [0, 0, 1, 1], [], []>, transpose_lhs_hint = false} : vector<2000x128xf32>, vector<128x128xf32>, vector<2000x128xf32> -> vector<2000x128xf32>
      %get3A_31 = arith.constant 0 : index
      %get3A_32 = arith.constant 0 : index
      %get3A_33 = vector.load %arg5[%get3A_31, %get3A_32] : memref<1x128xf32, #tpu.memory_space<vmem>>, vector<1x128xf32>
      %add3A_34 = vector.broadcast %get3A_33 : vector<1x128xf32> to vector<2000x128xf32>
      %add3A_35 = arith.addf %dot_general3A_30, %add3A_34 : vector<2000x128xf32>
      %tanh3A = math.tanh %add3A_35 : vector<2000x128xf32>
      %get3A_36 = arith.constant 0 : index
      %get3A_37 = arith.constant 0 : index
      %get3A_38 = vector.load %arg6[%get3A_36, %get3A_37] : memref<128x128xf32, #tpu.memory_space<vmem>>, vector<128x128xf32>
      %dot_general3A_39 = arith.constant dense<0.000000e+00> : vector<2000x128xf32>
      %dot_general3A_40 = tpu.matmul %tanh3A, %get3A_38, %dot_general3A_39 {dimension_numbers = #tpu.dot_dimension_numbers<[1], [0], [0], [1], [0, 0, 1, 1], [], []>, transpose_lhs_hint = false} : vector<2000x128xf32>, vector<128x128xf32>, vector<2000x128xf32> -> vector<2000x128xf32>
      %get3A_41 = arith.constant 0 : index
      %get3A_42 = arith.constant 0 : index
      %get3A_43 = vector.load %arg7[%get3A_41, %get3A_42] : memref<1x128xf32, #tpu.memory_space<vmem>>, vector<1x128xf32>
      %add3A_44 = vector.broadcast %get3A_43 : vector<1x128xf32> to vector<2000x128xf32>
      %add3A_45 = arith.addf %dot_general3A_40, %add3A_44 : vector<2000x128xf32>
      %tanh3A_46 = math.tanh %add3A_45 : vector<2000x128xf32>
      %mul3A = arith.constant 2000 : i32
      %mul3A_47 = arith.muli %arg1, %mul3A : i32
      %swap3A = arith.index_cast %mul3A_47 : i32 to index
      %swap3A_48 = arith.constant 0 : index
      %swap3A_49 = vector.load %arg13[%swap3A, %swap3A_48] : memref<10000x128xf32, #tpu.memory_space<vmem>>, vector<2000x128xf32>
      tpu.vector_store %arg13[%swap3A, %swap3A_48], %tanh3A_46 {strides = array<i32>} : memref<10000x128xf32, #tpu.memory_space<vmem>>, vector<2000x128xf32>,
      %get3A_50 = arith.constant 0 : index
      %get3A_51 = arith.constant 0 : index
      %get3A_52 = vector.load %arg14[%get3A_50, %get3A_51] : memref<1x128xf32, #tpu.memory_space<vmem>>, vector<1x128xf32>
      %reduce_sum3A = arith.constant dense<0.000000e+00> : vector<128xf32>
      %reduce_sum3A_53 = vector.multi_reduction <add>, %tanh3A_46, %reduce_sum3A [0] : vector<2000x128xf32> to vector<128xf32>
      %broadcast_in_dim3A = vector.shape_cast %reduce_sum3A_53 : vector<128xf32> to vector<1x128xf32>
      %add3A_54 = arith.addf %get3A_52, %broadcast_in_dim3A : vector<1x128xf32>
      %swap3A_55 = arith.constant 0 : index
      %swap3A_56 = arith.constant 0 : index
      %swap3A_57 = vector.load %arg14[%swap3A_55, %swap3A_56] : memref<1x128xf32, #tpu.memory_space<vmem>>, vector<1x128xf32>
      tpu.vector_store %arg14[%swap3A_55, %swap3A_56], %add3A_54 {strides = array<i32>} : memref<1x128xf32, #tpu.memory_space<vmem>>, vector<1x128xf32>,
      %get3A_58 = arith.constant 0 : index
      %get3A_59 = arith.constant 0 : index
      %get3A_60 = vector.load %arg15[%get3A_58, %get3A_59] : memref<1x128xf32, #tpu.memory_space<vmem>>, vector<1x128xf32>
      %mul3A_61 = arith.mulf %tanh3A_46, %tanh3A_46 : vector<2000x128xf32>
      %reduce_sum3A_62 = arith.constant dense<0.000000e+00> : vector<128xf32>
      %reduce_sum3A_63 = vector.multi_reduction <add>, %mul3A_61, %reduce_sum3A_62 [0] : vector<2000x128xf32> to vector<128xf32>
      %broadcast_in_dim3A_64 = vector.shape_cast %reduce_sum3A_63 : vector<128xf32> to vector<1x128xf32>
      %add3A_65 = arith.addf %get3A_60, %broadcast_in_dim3A_64 : vector<1x128xf32>
      %swap3A_66 = arith.constant 0 : index
      %swap3A_67 = arith.constant 0 : index
      %swap3A_68 = vector.load %arg15[%swap3A_66, %swap3A_67] : memref<1x128xf32, #tpu.memory_space<vmem>>, vector<1x128xf32>
      tpu.vector_store %arg15[%swap3A_66, %swap3A_67], %add3A_65 {strides = array<i32>} : memref<1x128xf32, #tpu.memory_space<vmem>>, vector<1x128xf32>,
    } else {
    }
    %eq3A_9 = arith.constant 1 : i32
    %eq3A_10 = arith.cmpi eq, %arg0, %eq3A_9 : i32
    %convert_element_type3A_11 = arith.extui %eq3A_10 : i1 to i32
    %cond3A_12 = arith.constant 0 : i32
    %cond3A_13 = arith.cmpi ne, %convert_element_type3A_11, %cond3A_12 : i32
    scf.if %cond3A_13 {
      %get3A = arith.constant 0 : index
      %get3A_14 = arith.constant 0 : index
      %get3A_15 = vector.load %arg14[%get3A, %get3A_14] : memref<1x128xf32, #tpu.memory_space<vmem>>, vector<1x128xf32>
      %mul3A = arith.constant 9.99999974E-5 : f32
      %mul3A_16 = vector.broadcast %mul3A : f32 to vector<1x128xf32>
      %mul3A_17 = arith.mulf %get3A_15, %mul3A_16 : vector<1x128xf32>
      %get3A_18 = arith.constant 0 : index
      %get3A_19 = arith.constant 0 : index
      %get3A_20 = vector.load %arg15[%get3A_18, %get3A_19] : memref<1x128xf32, #tpu.memory_space<vmem>>, vector<1x128xf32>
      %mul3A_21 = arith.constant 9.99999974E-5 : f32
      %mul3A_22 = vector.broadcast %mul3A_21 : f32 to vector<1x128xf32>
      %mul3A_23 = arith.mulf %get3A_20, %mul3A_22 : vector<1x128xf32>
      %mul3A_24 = arith.mulf %mul3A_17, %mul3A_17 : vector<1x128xf32>
      %sub3A = arith.subf %mul3A_23, %mul3A_24 : vector<1x128xf32>
      %get3A_25 = arith.constant 0 : index
      %get3A_26 = arith.constant 0 : index
      %get3A_27 = vector.load %arg8[%get3A_25, %get3A_26] : memref<1x128xf32, #tpu.memory_space<vmem>>, vector<1x128xf32>
      %add3A = arith.constant 9.99999974E-6 : f32
      %add3A_28 = vector.broadcast %add3A : f32 to vector<1x128xf32>
      %add3A_29 = arith.addf %sub3A, %add3A_28 : vector<1x128xf32>
      %rsqrt3A = math.rsqrt %add3A_29 : vector<1x128xf32>
      %mul3A_30 = arith.mulf %get3A_27, %rsqrt3A : vector<1x128xf32>
      %get3A_31 = arith.constant 0 : index
      %get3A_32 = arith.constant 0 : index
      %get3A_33 = vector.load %arg9[%get3A_31, %get3A_32] : memref<1x128xf32, #tpu.memory_space<vmem>>, vector<1x128xf32>
      %mul3A_34 = arith.mulf %mul3A_17, %mul3A_30 : vector<1x128xf32>
      %sub3A_35 = arith.subf %get3A_33, %mul3A_34 : vector<1x128xf32>
      %mul3A_36 = arith.constant 2000 : i32
      %mul3A_37 = arith.muli %arg1, %mul3A_36 : i32
      %get3A_38 = arith.index_cast %mul3A_37 : i32 to index
      %get3A_39 = arith.constant 0 : index
      %get3A_40 = vector.load %arg13[%get3A_38, %get3A_39] : memref<10000x128xf32, #tpu.memory_space<vmem>>, vector<2000x128xf32>
      %mul3A_41 = vector.broadcast %mul3A_30 : vector<1x128xf32> to vector<2000x128xf32>
      %mul3A_42 = arith.mulf %get3A_40, %mul3A_41 : vector<2000x128xf32>
      %add3A_43 = vector.broadcast %sub3A_35 : vector<1x128xf32> to vector<2000x128xf32>
      %add3A_44 = arith.addf %mul3A_42, %add3A_43 : vector<2000x128xf32>
      %swap3A = arith.constant 0 : index
      %swap3A_45 = arith.constant 0 : index
      %swap3A_46 = vector.load %arg11[%swap3A, %swap3A_45] : memref<2000x128xf32, #tpu.memory_space<vmem>>, vector<2000x128xf32>
      tpu.vector_store %arg11[%swap3A, %swap3A_45], %add3A_44 {strides = array<i32>} : memref<2000x128xf32, #tpu.memory_space<vmem>>, vector<2000x128xf32>,
      %get3A_47 = arith.constant 0 : index
      %get3A_48 = arith.constant 0 : index
      %get3A_49 = arith.constant 0 : index
      %get3A_50 = vector.load %arg10[%get3A_47, %get3A_48, %get3A_49] : memref<1x1x2000xi32, #tpu.memory_space<vmem>>, vector<1x1x2000xi32>
      %get3A_51 = vector.shape_cast %get3A_50 : vector<1x1x2000xi32> to vector<1x2000xi32>
      %iota3A = tpu.iota {dimensions = array<i32: 0>} : vector<64x2000xi32>
      %eq3A_52 = vector.broadcast %get3A_51 : vector<1x2000xi32> to vector<64x2000xi32>
      %eq3A_53 = arith.cmpi eq, %iota3A, %eq3A_52 : vector<64x2000xi32>
      %convert_element_type3A_54 = arith.extui %eq3A_53 : vector<64x2000xi1> to vector<64x2000xi32>
      %convert_element_type3A_55 = arith.sitofp %convert_element_type3A_54 : vector<64x2000xi32> to vector<64x2000xf32>
      %eq3A_56 = arith.constant 0 : i32
      %eq3A_57 = arith.cmpi eq, %arg1, %eq3A_56 : i32
      %convert_element_type3A_58 = arith.extui %eq3A_57 : i1 to i32
      %cond3A_59 = arith.constant 0 : i32
      %cond3A_60 = arith.cmpi ne, %convert_element_type3A_58, %cond3A_59 : i32
      scf.if %cond3A_60 {
        %broadcast_in_dim3A = arith.constant 0.000000e+00 : f32
        %broadcast_in_dim3A_69 = vector.broadcast %broadcast_in_dim3A : f32 to vector<64x128xf32>
        %swap3A_70 = arith.constant 0 : index
        %swap3A_71 = arith.constant 0 : index
        %swap3A_72 = vector.load %arg12[%swap3A_70, %swap3A_71] : memref<64x128xf32, #tpu.memory_space<vmem>>, vector<64x128xf32>
        tpu.vector_store %arg12[%swap3A_70, %swap3A_71], %broadcast_in_dim3A_69 {strides = array<i32>} : memref<64x128xf32, #tpu.memory_space<vmem>>, vector<64x128xf32>,
      } else {
      }
      %get3A_61 = arith.constant 0 : index
      %get3A_62 = arith.constant 0 : index
      %get3A_63 = vector.load %arg12[%get3A_61, %get3A_62] : memref<64x128xf32, #tpu.memory_space<vmem>>, vector<64x128xf32>
      %dot_general3A = arith.constant dense<0.000000e+00> : vector<64x128xf32>
      %dot_general3A_64 = tpu.matmul %convert_element_type3A_55, %add3A_44, %dot_general3A {dimension_numbers = #tpu.dot_dimension_numbers<[1], [0], [0], [1], [0, 0, 1, 1], [], []>, transpose_lhs_hint = false} : vector<64x2000xf32>, vector<2000x128xf32>, vector<64x128xf32> -> vector<64x128xf32>
      %add3A_65 = arith.addf %get3A_63, %dot_general3A_64 : vector<64x128xf32>
      %swap3A_66 = arith.constant 0 : index
      %swap3A_67 = arith.constant 0 : index
      %swap3A_68 = vector.load %arg12[%swap3A_66, %swap3A_67] : memref<64x128xf32, #tpu.memory_space<vmem>>, vector<64x128xf32>
      tpu.vector_store %arg12[%swap3A_66, %swap3A_67], %add3A_65 {strides = array<i32>} : memref<64x128xf32, #tpu.memory_space<vmem>>, vector<64x128xf32>,
    } else {
    }
    return
  }
  func.func @transform_0(%arg0: i32, %arg1: i32) -> (i32, i32) {
    %sub3A = arith.constant 1 : i32
    %sub3A_0 = arith.subi %sub3A, %arg0 : i32
    %mul3A = arith.muli %sub3A_0, %arg1 : i32
    %c0_i32 = arith.constant 0 : i32
    %c0_i32_1 = arith.constant 0 : i32
    return %mul3A, %c0_i32 : i32, i32
  }
  func.func @transform_1(%arg0: i32, %arg1: i32) -> (i32, i32, i32) {
    %sub3A = arith.constant 1 : i32
    %sub3A_0 = arith.subi %sub3A, %arg0 : i32
    %mul3A = arith.muli %sub3A_0, %arg1 : i32
    %c0_i32 = arith.constant 0 : i32
    %c0_i32_1 = arith.constant 0 : i32
    %c0_i32_2 = arith.constant 0 : i32
    return %c0_i32, %mul3A, %c0_i32_1 : i32, i32, i32
  }
  func.func @transform_2(%arg0: i32, %arg1: i32) -> (i32, i32) {
    %c0_i32 = arith.constant 0 : i32
    %c0_i32_0 = arith.constant 0 : i32
    %c0_i32_1 = arith.constant 0 : i32
    return %c0_i32, %c0_i32_0 : i32, i32
  }
  func.func @transform_3(%arg0: i32, %arg1: i32) -> (i32, i32) {
    %c0_i32 = arith.constant 0 : i32
    %c0_i32_0 = arith.constant 0 : i32
    %c0_i32_1 = arith.constant 0 : i32
    return %c0_i32, %c0_i32_0 : i32, i32
  }
  func.func @transform_4(%arg0: i32, %arg1: i32) -> (i32, i32) {
    %c0_i32 = arith.constant 0 : i32
    %c0_i32_0 = arith.constant 0 : i32
    %c0_i32_1 = arith.constant 0 : i32
    return %c0_i32, %c0_i32_0 : i32, i32
  }
  func.func @transform_5(%arg0: i32, %arg1: i32) -> (i32, i32) {
    %c0_i32 = arith.constant 0 : i32
    %c0_i32_0 = arith.constant 0 : i32
    %c0_i32_1 = arith.constant 0 : i32
    return %c0_i32, %c0_i32_0 : i32, i32
  }
  func.func @transform_6(%arg0: i32, %arg1: i32) -> (i32, i32) {
    %c0_i32 = arith.constant 0 : i32
    %c0_i32_0 = arith.constant 0 : i32
    %c0_i32_1 = arith.constant 0 : i32
    return %c0_i32, %c0_i32_0 : i32, i32
  }
  func.func @transform_7(%arg0: i32, %arg1: i32) -> (i32, i32) {
    %c0_i32 = arith.constant 0 : i32
    %c0_i32_0 = arith.constant 0 : i32
    %c0_i32_1 = arith.constant 0 : i32
    return %c0_i32, %c0_i32_0 : i32, i32
  }
  func.func @transform_8(%arg0: i32, %arg1: i32) -> (i32, i32, i32) {
    %c0_i32 = arith.constant 0 : i32
    %c0_i32_0 = arith.constant 0 : i32
    %c0_i32_1 = arith.constant 0 : i32
    return %arg1, %c0_i32, %c0_i32_0 : i32, i32, i32
  }
  func.func @transform_9(%arg0: i32, %arg1: i32) -> (i32, i32) {
    %c0_i32 = arith.constant 0 : i32
    %c0_i32_0 = arith.constant 0 : i32
    return %arg1, %c0_i32 : i32, i32
  }
  func.func @transform_10(%arg0: i32, %arg1: i32) -> (i32, i32) {
    %c0_i32 = arith.constant 0 : i32
    %c0_i32_0 = arith.constant 0 : i32
    %c0_i32_1 = arith.constant 0 : i32
    return %c0_i32, %c0_i32_0 : i32, i32
  }
}

module attributes {stable_mosaic.version = 14 : i64} {
  func.func @_layer_body(%arg0: i32, %arg1: i32, %arg2: memref<2000x128xf32, #tpu.memory_space<vmem>>, %arg3: memref<2x2000x128xf32, #tpu.memory_space<vmem>>, %arg4: memref<128x128xf32, #tpu.memory_space<vmem>>, %arg5: memref<1x128xf32, #tpu.memory_space<vmem>>, %arg6: memref<128x128xf32, #tpu.memory_space<vmem>>, %arg7: memref<1x128xf32, #tpu.memory_space<vmem>>, %arg8: memref<1x128xf32, #tpu.memory_space<vmem>>, %arg9: memref<1x128xf32, #tpu.memory_space<vmem>>, %arg10: memref<1x1x2000xi32, #tpu.memory_space<vmem>>, %arg11: memref<2000x128xf32, #tpu.memory_space<vmem>>, %arg12: memref<64x128xf32, #tpu.memory_space<vmem>>, %arg13: memref<10000x128xf32, #tpu.memory_space<vmem>>, %arg14: memref<1x128xf32, #tpu.memory_space<vmem>>, %arg15: memref<1x128xf32, #tpu.memory_space<vmem>>) attributes {dimension_semantics = [#tpu.dimension_semantics<arbitrary>, #tpu.dimension_semantics<arbitrary>], iteration_bounds = array<i64: 2, 5>, scalar_prefetch = 0 : i64, scratch_operands = 3 : i64, tpu.core_type = #tpu.core_type<tc>, window_params = [{transform_indices = @transform_0, window_bounds = array<i64: 2000, 128>}, {transform_indices = @transform_1, window_bounds = array<i64: 2, 2000, 128>}, {pipeline_mode = #tpu.pipeline_mode<synchronous>, transform_indices = @transform_2, window_bounds = array<i64: 128, 128>}, {pipeline_mode = #tpu.pipeline_mode<synchronous>, transform_indices = @transform_3, window_bounds = array<i64: 1, 128>}, {pipeline_mode = #tpu.pipeline_mode<synchronous>, transform_indices = @transform_4, window_bounds = array<i64: 128, 128>}, {pipeline_mode = #tpu.pipeline_mode<synchronous>, transform_indices = @transform_5, window_bounds = array<i64: 1, 128>}, {pipeline_mode = #tpu.pipeline_mode<synchronous>, transform_indices = @transform_6, window_bounds = array<i64: 1, 128>}, {pipeline_mode = #tpu.pipeline_mode<synchronous>, transform_indices = @transform_7, window_bounds = array<i64: 1, 128>}, {transform_indices = @transform_8, window_bounds = array<i64: 1, 1, 2000>}, {transform_indices = @transform_9, window_bounds = array<i64: 2000, 128>}, {pipeline_mode = #tpu.pipeline_mode<synchronous>, transform_indices = @transform_10, window_bounds = array<i64: 64, 128>}]} {
    %eq3A = arith.constant 0 : i32
    %eq3A_0 = arith.cmpi eq, %arg0, %eq3A : i32
    %eq3A_1 = arith.constant 0 : i32
    %eq3A_2 = arith.cmpi eq, %arg1, %eq3A_1 : i32
    %and3A = arith.andi %eq3A_0, %eq3A_2 : i1
    %convert_element_type3A = arith.extui %and3A : i1 to i32
    %cond3A = arith.constant 0 : i32
    %cond3A_3 = arith.cmpi ne, %convert_element_type3A, %cond3A : i32
    scf.if %cond3A_3 {
      %broadcast_in_dim3A = arith.constant 0.000000e+00 : f32
      %broadcast_in_dim3A_14 = vector.broadcast %broadcast_in_dim3A : f32 to vector<1x128xf32>
      %swap3A = arith.constant 0 : index
      %swap3A_15 = arith.constant 0 : index
      %swap3A_16 = vector.load %arg14[%swap3A, %swap3A_15] : memref<1x128xf32, #tpu.memory_space<vmem>>, vector<1x128xf32>
      tpu.vector_store %arg14[%swap3A, %swap3A_15], %broadcast_in_dim3A_14 {strides = array<i32>} : memref<1x128xf32, #tpu.memory_space<vmem>>, vector<1x128xf32>,
      %broadcast_in_dim3A_17 = arith.constant 0.000000e+00 : f32
      %broadcast_in_dim3A_18 = vector.broadcast %broadcast_in_dim3A_17 : f32 to vector<1x128xf32>
      %swap3A_19 = arith.constant 0 : index
      %swap3A_20 = arith.constant 0 : index
      %swap3A_21 = vector.load %arg15[%swap3A_19, %swap3A_20] : memref<1x128xf32, #tpu.memory_space<vmem>>, vector<1x128xf32>
      tpu.vector_store %arg15[%swap3A_19, %swap3A_20], %broadcast_in_dim3A_18 {strides = array<i32>} : memref<1x128xf32, #tpu.memory_space<vmem>>, vector<1x128xf32>,
    } else {
    }
    %eq3A_4 = arith.constant 0 : i32
    %eq3A_5 = arith.cmpi eq, %arg0, %eq3A_4 : i32
    %convert_element_type3A_6 = arith.extui %eq3A_5 : i1 to i32
    %cond3A_7 = arith.constant 0 : i32
    %cond3A_8 = arith.cmpi ne, %convert_element_type3A_6, %cond3A_7 : i32
    scf.if %cond3A_8 {
      %get3A = arith.constant 0 : index
      %get3A_14 = arith.constant 0 : index
      %get3A_15 = vector.load %arg2[%get3A, %get3A_14] : memref<2000x128xf32, #tpu.memory_space<vmem>>, vector<2000x128xf32>
      %get3A_16 = arith.constant 0 : index
      %get3A_17 = arith.constant 0 : index
      %get3A_18 = arith.constant 0 : index
      %get3A_19 = vector.load %arg3[%get3A_16, %get3A_17, %get3A_18] : memref<2x2000x128xf32, #tpu.memory_space<vmem>>, vector<1x2000x128xf32>
      %get3A_20 = vector.shape_cast %get3A_19 : vector<1x2000x128xf32> to vector<2000x128xf32>
      %add3A = arith.addf %get3A_15, %get3A_20 : vector<2000x128xf32>
      %get3A_21 = arith.constant 1 : index
      %get3A_22 = arith.constant 0 : index
      %get3A_23 = arith.constant 0 : index
      %get3A_24 = vector.load %arg3[%get3A_21, %get3A_22, %get3A_23] : memref<2x2000x128xf32, #tpu.memory_space<vmem>>, vector<1x2000x128xf32>
      %get3A_25 = vector.shape_cast %get3A_24 : vector<1x2000x128xf32> to vector<2000x128xf32>
      %add3A_26 = arith.addf %add3A, %get3A_25 : vector<2000x128xf32>
      %get3A_27 = arith.constant 0 : index
      %get3A_28 = arith.constant 0 : index
      %get3A_29 = vector.load %arg4[%get3A_27, %get3A_28] : memref<128x128xf32, #tpu.memory_space<vmem>>, vector<128x128xf32>
      %dot_general3A = arith.constant dense<0.000000e+00> : vector<2000x128xf32>
      %dot_general3A_30 = tpu.matmul %add3A_26, %get3A_29, %dot_general3A {dimension_numbers = #tpu.dot_dimension_numbers<[1], [0], [0], [1], [0, 0, 1, 1], [], []>, transpose_lhs_hint = false} : vector<2000x128xf32>, vector<128x128xf32>, vector<2000x128xf32> -> vector<2000x128xf32>
      %get3A_31 = arith.constant 0 : index
      %get3A_32 = arith.constant 0 : index
      %get3A_33 = vector.load %arg5[%get3A_31, %get3A_32] : memref<1x128xf32, #tpu.memory_space<vmem>>, vector<1x128xf32>
      %add3A_34 = vector.broadcast %get3A_33 : vector<1x128xf32> to vector<2000x128xf32>
      %add3A_35 = arith.addf %dot_general3A_30, %add3A_34 : vector<2000x128xf32>
      %tanh3A = math.tanh %add3A_35 : vector<2000x128xf32>
      %get3A_36 = arith.constant 0 : index
      %get3A_37 = arith.constant 0 : index
      %get3A_38 = vector.load %arg6[%get3A_36, %get3A_37] : memref<128x128xf32, #tpu.memory_space<vmem>>, vector<128x128xf32>
      %dot_general3A_39 = arith.constant dense<0.000000e+00> : vector<2000x128xf32>
      %dot_general3A_40 = tpu.matmul %tanh3A, %get3A_38, %dot_general3A_39 {dimension_numbers = #tpu.dot_dimension_numbers<[1], [0], [0], [1], [0, 0, 1, 1], [], []>, transpose_lhs_hint = false} : vector<2000x128xf32>, vector<128x128xf32>, vector<2000x128xf32> -> vector<2000x128xf32>
      %get3A_41 = arith.constant 0 : index
      %get3A_42 = arith.constant 0 : index
      %get3A_43 = vector.load %arg7[%get3A_41, %get3A_42] : memref<1x128xf32, #tpu.memory_space<vmem>>, vector<1x128xf32>
      %add3A_44 = vector.broadcast %get3A_43 : vector<1x128xf32> to vector<2000x128xf32>
      %add3A_45 = arith.addf %dot_general3A_40, %add3A_44 : vector<2000x128xf32>
      %tanh3A_46 = math.tanh %add3A_45 : vector<2000x128xf32>
      %mul3A = arith.constant 2000 : i32
      %mul3A_47 = arith.muli %arg1, %mul3A : i32
      %swap3A = arith.index_cast %mul3A_47 : i32 to index
      %swap3A_48 = arith.constant 0 : index
      %swap3A_49 = vector.load %arg13[%swap3A, %swap3A_48] : memref<10000x128xf32, #tpu.memory_space<vmem>>, vector<2000x128xf32>
      tpu.vector_store %arg13[%swap3A, %swap3A_48], %tanh3A_46 {strides = array<i32>} : memref<10000x128xf32, #tpu.memory_space<vmem>>, vector<2000x128xf32>,
      %get3A_50 = arith.constant 0 : index
      %get3A_51 = arith.constant 0 : index
      %get3A_52 = vector.load %arg14[%get3A_50, %get3A_51] : memref<1x128xf32, #tpu.memory_space<vmem>>, vector<1x128xf32>
      %reduce_sum3A = arith.constant dense<0.000000e+00> : vector<128xf32>
      %reduce_sum3A_53 = vector.multi_reduction <add>, %tanh3A_46, %reduce_sum3A [0] : vector<2000x128xf32> to vector<128xf32>
      %broadcast_in_dim3A = vector.shape_cast %reduce_sum3A_53 : vector<128xf32> to vector<1x128xf32>
      %add3A_54 = arith.addf %get3A_52, %broadcast_in_dim3A : vector<1x128xf32>
      %swap3A_55 = arith.constant 0 : index
      %swap3A_56 = arith.constant 0 : index
      %swap3A_57 = vector.load %arg14[%swap3A_55, %swap3A_56] : memref<1x128xf32, #tpu.memory_space<vmem>>, vector<1x128xf32>
      tpu.vector_store %arg14[%swap3A_55, %swap3A_56], %add3A_54 {strides = array<i32>} : memref<1x128xf32, #tpu.memory_space<vmem>>, vector<1x128xf32>,
      %get3A_58 = arith.constant 0 : index
      %get3A_59 = arith.constant 0 : index
      %get3A_60 = vector.load %arg15[%get3A_58, %get3A_59] : memref<1x128xf32, #tpu.memory_space<vmem>>, vector<1x128xf32>
      %mul3A_61 = arith.mulf %tanh3A_46, %tanh3A_46 : vector<2000x128xf32>
      %reduce_sum3A_62 = arith.constant dense<0.000000e+00> : vector<128xf32>
      %reduce_sum3A_63 = vector.multi_reduction <add>, %mul3A_61, %reduce_sum3A_62 [0] : vector<2000x128xf32> to vector<128xf32>
      %broadcast_in_dim3A_64 = vector.shape_cast %reduce_sum3A_63 : vector<128xf32> to vector<1x128xf32>
      %add3A_65 = arith.addf %get3A_60, %broadcast_in_dim3A_64 : vector<1x128xf32>
      %swap3A_66 = arith.constant 0 : index
      %swap3A_67 = arith.constant 0 : index
      %swap3A_68 = vector.load %arg15[%swap3A_66, %swap3A_67] : memref<1x128xf32, #tpu.memory_space<vmem>>, vector<1x128xf32>
      tpu.vector_store %arg15[%swap3A_66, %swap3A_67], %add3A_65 {strides = array<i32>} : memref<1x128xf32, #tpu.memory_space<vmem>>, vector<1x128xf32>,
    } else {
    }
    %eq3A_9 = arith.constant 1 : i32
    %eq3A_10 = arith.cmpi eq, %arg0, %eq3A_9 : i32
    %convert_element_type3A_11 = arith.extui %eq3A_10 : i1 to i32
    %cond3A_12 = arith.constant 0 : i32
    %cond3A_13 = arith.cmpi ne, %convert_element_type3A_11, %cond3A_12 : i32
    scf.if %cond3A_13 {
      %get3A = arith.constant 0 : index
      %get3A_14 = arith.constant 0 : index
      %get3A_15 = vector.load %arg14[%get3A, %get3A_14] : memref<1x128xf32, #tpu.memory_space<vmem>>, vector<1x128xf32>
      %mul3A = arith.constant 9.99999974E-5 : f32
      %mul3A_16 = vector.broadcast %mul3A : f32 to vector<1x128xf32>
      %mul3A_17 = arith.mulf %get3A_15, %mul3A_16 : vector<1x128xf32>
      %get3A_18 = arith.constant 0 : index
      %get3A_19 = arith.constant 0 : index
      %get3A_20 = vector.load %arg15[%get3A_18, %get3A_19] : memref<1x128xf32, #tpu.memory_space<vmem>>, vector<1x128xf32>
      %mul3A_21 = arith.constant 9.99999974E-5 : f32
      %mul3A_22 = vector.broadcast %mul3A_21 : f32 to vector<1x128xf32>
      %mul3A_23 = arith.mulf %get3A_20, %mul3A_22 : vector<1x128xf32>
      %mul3A_24 = arith.mulf %mul3A_17, %mul3A_17 : vector<1x128xf32>
      %sub3A = arith.subf %mul3A_23, %mul3A_24 : vector<1x128xf32>
      %get3A_25 = arith.constant 0 : index
      %get3A_26 = arith.constant 0 : index
      %get3A_27 = vector.load %arg8[%get3A_25, %get3A_26] : memref<1x128xf32, #tpu.memory_space<vmem>>, vector<1x128xf32>
      %add3A = arith.constant 9.99999974E-6 : f32
      %add3A_28 = vector.broadcast %add3A : f32 to vector<1x128xf32>
      %add3A_29 = arith.addf %sub3A, %add3A_28 : vector<1x128xf32>
      %rsqrt3A = math.rsqrt %add3A_29 : vector<1x128xf32>
      %mul3A_30 = arith.mulf %get3A_27, %rsqrt3A : vector<1x128xf32>
      %get3A_31 = arith.constant 0 : index
      %get3A_32 = arith.constant 0 : index
      %get3A_33 = vector.load %arg9[%get3A_31, %get3A_32] : memref<1x128xf32, #tpu.memory_space<vmem>>, vector<1x128xf32>
      %mul3A_34 = arith.mulf %mul3A_17, %mul3A_30 : vector<1x128xf32>
      %sub3A_35 = arith.subf %get3A_33, %mul3A_34 : vector<1x128xf32>
      %mul3A_36 = arith.constant 2000 : i32
      %mul3A_37 = arith.muli %arg1, %mul3A_36 : i32
      %get3A_38 = arith.index_cast %mul3A_37 : i32 to index
      %get3A_39 = arith.constant 0 : index
      %get3A_40 = vector.load %arg13[%get3A_38, %get3A_39] : memref<10000x128xf32, #tpu.memory_space<vmem>>, vector<2000x128xf32>
      %mul3A_41 = vector.broadcast %mul3A_30 : vector<1x128xf32> to vector<2000x128xf32>
      %mul3A_42 = arith.mulf %get3A_40, %mul3A_41 : vector<2000x128xf32>
      %add3A_43 = vector.broadcast %sub3A_35 : vector<1x128xf32> to vector<2000x128xf32>
      %add3A_44 = arith.addf %mul3A_42, %add3A_43 : vector<2000x128xf32>
      %swap3A = arith.constant 0 : index
      %swap3A_45 = arith.constant 0 : index
      %swap3A_46 = vector.load %arg11[%swap3A, %swap3A_45] : memref<2000x128xf32, #tpu.memory_space<vmem>>, vector<2000x128xf32>
      tpu.vector_store %arg11[%swap3A, %swap3A_45], %add3A_44 {strides = array<i32>} : memref<2000x128xf32, #tpu.memory_space<vmem>>, vector<2000x128xf32>,
      %get3A_47 = arith.constant 0 : index
      %get3A_48 = arith.constant 0 : index
      %get3A_49 = arith.constant 0 : index
      %get3A_50 = vector.load %arg10[%get3A_47, %get3A_48, %get3A_49] : memref<1x1x2000xi32, #tpu.memory_space<vmem>>, vector<1x1x2000xi32>
      %get3A_51 = vector.shape_cast %get3A_50 : vector<1x1x2000xi32> to vector<1x2000xi32>
      %iota3A = tpu.iota {dimensions = array<i32: 0>} : vector<64x2000xi32>
      %eq3A_52 = vector.broadcast %get3A_51 : vector<1x2000xi32> to vector<64x2000xi32>
      %eq3A_53 = arith.cmpi eq, %iota3A, %eq3A_52 : vector<64x2000xi32>
      %convert_element_type3A_54 = arith.extui %eq3A_53 : vector<64x2000xi1> to vector<64x2000xi32>
      %convert_element_type3A_55 = arith.sitofp %convert_element_type3A_54 : vector<64x2000xi32> to vector<64x2000xf32>
      %eq3A_56 = arith.constant 0 : i32
      %eq3A_57 = arith.cmpi eq, %arg1, %eq3A_56 : i32
      %convert_element_type3A_58 = arith.extui %eq3A_57 : i1 to i32
      %cond3A_59 = arith.constant 0 : i32
      %cond3A_60 = arith.cmpi ne, %convert_element_type3A_58, %cond3A_59 : i32
      scf.if %cond3A_60 {
        %broadcast_in_dim3A = arith.constant 0.000000e+00 : f32
        %broadcast_in_dim3A_69 = vector.broadcast %broadcast_in_dim3A : f32 to vector<64x128xf32>
        %swap3A_70 = arith.constant 0 : index
        %swap3A_71 = arith.constant 0 : index
        %swap3A_72 = vector.load %arg12[%swap3A_70, %swap3A_71] : memref<64x128xf32, #tpu.memory_space<vmem>>, vector<64x128xf32>
        tpu.vector_store %arg12[%swap3A_70, %swap3A_71], %broadcast_in_dim3A_69 {strides = array<i32>} : memref<64x128xf32, #tpu.memory_space<vmem>>, vector<64x128xf32>,
      } else {
      }
      %get3A_61 = arith.constant 0 : index
      %get3A_62 = arith.constant 0 : index
      %get3A_63 = vector.load %arg12[%get3A_61, %get3A_62] : memref<64x128xf32, #tpu.memory_space<vmem>>, vector<64x128xf32>
      %dot_general3A = arith.constant dense<0.000000e+00> : vector<64x128xf32>
      %dot_general3A_64 = tpu.matmul %convert_element_type3A_55, %add3A_44, %dot_general3A {dimension_numbers = #tpu.dot_dimension_numbers<[1], [0], [0], [1], [0, 0, 1, 1], [], []>, transpose_lhs_hint = false} : vector<64x2000xf32>, vector<2000x128xf32>, vector<64x128xf32> -> vector<64x128xf32>
      %add3A_65 = arith.addf %get3A_63, %dot_general3A_64 : vector<64x128xf32>
      %swap3A_66 = arith.constant 0 : index
      %swap3A_67 = arith.constant 0 : index
      %swap3A_68 = vector.load %arg12[%swap3A_66, %swap3A_67] : memref<64x128xf32, #tpu.memory_space<vmem>>, vector<64x128xf32>
      tpu.vector_store %arg12[%swap3A_66, %swap3A_67], %add3A_65 {strides = array<i32>} : memref<64x128xf32, #tpu.memory_space<vmem>>, vector<64x128xf32>,
    } else {
    }
    return
  }
  func.func @transform_0(%arg0: i32, %arg1: i32) -> (i32, i32) {
    %sub3A = arith.constant 1 : i32
    %sub3A_0 = arith.subi %sub3A, %arg0 : i32
    %mul3A = arith.muli %sub3A_0, %arg1 : i32
    %c0_i32 = arith.constant 0 : i32
    %c0_i32_1 = arith.constant 0 : i32
    return %mul3A, %c0_i32 : i32, i32
  }
  func.func @transform_1(%arg0: i32, %arg1: i32) -> (i32, i32, i32) {
    %sub3A = arith.constant 1 : i32
    %sub3A_0 = arith.subi %sub3A, %arg0 : i32
    %mul3A = arith.muli %sub3A_0, %arg1 : i32
    %c0_i32 = arith.constant 0 : i32
    %c0_i32_1 = arith.constant 0 : i32
    %c0_i32_2 = arith.constant 0 : i32
    return %c0_i32, %mul3A, %c0_i32_1 : i32, i32, i32
  }
  func.func @transform_2(%arg0: i32, %arg1: i32) -> (i32, i32) {
    %c0_i32 = arith.constant 0 : i32
    %c0_i32_0 = arith.constant 0 : i32
    %c0_i32_1 = arith.constant 0 : i32
    return %c0_i32, %c0_i32_0 : i32, i32
  }
  func.func @transform_3(%arg0: i32, %arg1: i32) -> (i32, i32) {
    %c0_i32 = arith.constant 0 : i32
    %c0_i32_0 = arith.constant 0 : i32
    %c0_i32_1 = arith.constant 0 : i32
    return %c0_i32, %c0_i32_0 : i32, i32
  }
  func.func @transform_4(%arg0: i32, %arg1: i32) -> (i32, i32) {
    %c0_i32 = arith.constant 0 : i32
    %c0_i32_0 = arith.constant 0 : i32
    %c0_i32_1 = arith.constant 0 : i32
    return %c0_i32, %c0_i32_0 : i32, i32
  }
  func.func @transform_5(%arg0: i32, %arg1: i32) -> (i32, i32) {
    %c0_i32 = arith.constant 0 : i32
    %c0_i32_0 = arith.constant 0 : i32
    %c0_i32_1 = arith.constant 0 : i32
    return %c0_i32, %c0_i32_0 : i32, i32
  }
  func.func @transform_6(%arg0: i32, %arg1: i32) -> (i32, i32) {
    %c0_i32 = arith.constant 0 : i32
    %c0_i32_0 = arith.constant 0 : i32
    %c0_i32_1 = arith.constant 0 : i32
    return %c0_i32, %c0_i32_0 : i32, i32
  }
  func.func @transform_7(%arg0: i32, %arg1: i32) -> (i32, i32) {
    %c0_i32 = arith.constant 0 : i32
    %c0_i32_0 = arith.constant 0 : i32
    %c0_i32_1 = arith.constant 0 : i32
    return %c0_i32, %c0_i32_0 : i32, i32
  }
  func.func @transform_8(%arg0: i32, %arg1: i32) -> (i32, i32, i32) {
    %c0_i32 = arith.constant 0 : i32
    %c0_i32_0 = arith.constant 0 : i32
    %c0_i32_1 = arith.constant 0 : i32
    return %arg1, %c0_i32, %c0_i32_0 : i32, i32, i32
  }
  func.func @transform_9(%arg0: i32, %arg1: i32) -> (i32, i32) {
    %c0_i32 = arith.constant 0 : i32
    %c0_i32_0 = arith.constant 0 : i32
    return %arg1, %c0_i32 : i32, i32
  }
  func.func @transform_10(%arg0: i32, %arg1: i32) -> (i32, i32) {
    %c0_i32 = arith.constant 0 : i32
    %c0_i32_0 = arith.constant 0 : i32
    %c0_i32_1 = arith.constant 0 : i32
    return %c0_i32, %c0_i32_0 : i32, i32
  }
}

</mosaic_0001>

<sc_bundles>
// kernel: kernel.6.cloned.1.call-start
scs
__scs_entry_jumppad:
0x0: {  	(pc) =	sbr.rel $0x88, $3  }
0x1: {  	(tag) =	ssettag $0x0;
	lr =	simm.s32 $0x1  }
0x2: {  	[smem:$0x3F92] =	sst lr;
	_ =	strace $0xD0000000  }
0x3: {  	_ = 	snop  }
0x4: {  	_ = 	snop  }
0x5: {  	_ = 	snop  }
0x6: {  	_ = 	snop  }
0x7: {  	_ = 	snop  }
__scs_overlays_trampoline_lowered:
0x8: {  	[smem:$0x3FA1] =	sst s0  }
0x9: {  	[smem:$0x3FA2] =	sst s1  }
0xa: {  	[smem:$0x3FA3] =	sst s2  }
0xb: {  	[smem:$0x3FA4] =	sst s3  }
0xc: {  	[smem:$0x3FA5] =	sst s4  }
0xd: {  	[smem:$0x3FA6] =	sst s5  }
0xe: {  	[smem:$0x3FA7] =	sst s6  }
0xf: {  	[smem:$0x3FA8] =	sst s7  }
0x10: {  	[smem:$0x3FA9] =	sst s8  }
0x11: {  	[smem:$0x3FAA] =	sst s9;
	s0 =	simm.s32 @!p0 $0x0  }
0x12: {  	s1 =	sld [smem:$0x3F90];
	s0 =	simm.s32 @p0 $0x1  }
0x13: {  	[smem:$0x3FAB] =	sst s0;
	s0 =	simm.s32 @!p1 $0x0  }
0x14: {  	s2 =	sld [smem:$0x3F8F];
	s0 =	simm.s32 @p1 $0x1  }
0x15: {  	[smem:$0x3FAC] =	sst s0;
	s0 =	simm.s32 @!p2 $0x0  }
0x16: {  	s3 =	sld [smem:$0x3FDB];
	s0 =	simm.s32 @p2 $0x1  }
0x17: {  	s4 =	simm.s32 $0x1BF5;
	[smem:$0x3FAE] =	sst s0  }
0x18: {  	s0 =	sld [smem:$0x3F91];
	_ =	swait.ge [sflag:s4], $0x0  }
0x19: {  	s7 =	sld [smem:$0x3F92]  }
0x1a: {  	s8 =	sadd.s32 $0xFFFFE003, lr  }
0x1b: {  	s9 =	sadd.s32 $0xFFFFFEF7, lr;
	s5 =	simm.s32 $0xFFFFFFFF;
	p2 =	slt.u32 s8, $0xFFFFF086  }
0x1c: {  	p1 =	slt.u32 s9, $0xF7A;
	s5 =	simm.s32 @!p2 $0x0  }
0x1d: {  	s5 =	simm.s32 @p1 $0x1;
	p0 =	seq.s32 s7, s2  }
0x1e: {  	s7 =	smul.u32 @!p0 $0xF7A, s2;
	p2 =	seq.s32 @!p0 s5, $0x0  }
0x1f: {  	s9 =	smul.u32 $0xF7A, s1;
	s8 =	simm.s32 @!p0 $0x1BF5;
	p2 =	por !p2, p0  }
0x20: {  	[sflag:s8] =	ssyncset.s32 @!p0 $0xFFFFF086;
	s6 =	sadd.s32 @!p0 s3, s7;
	s7 =	simm.s32 @!p0 $0x108  }
0x21: {  	s3 =	sadd.s32 s3, s9;
	s6 =	sadd.s32 @!p0 $0x88, s6;
	s7 =	simm.s32 @p2 $0x1082  }
0x22: {  	[simem:s7], [sflag:s8] =	dma.local @!p0 [hbm:s6], $0xF7A  }
0x23: {  	s9 =	sor.u32 $0xD0000000, s2;
	s6 =	simm.s32 $0x108;
	_ =	swait.ge @!p0 [sflag:s8], $0x0  }
0x24: {  	s3 =	sadd.s32 $0x88, s3;
	s6 =	simm.s32 @!p1 $0x1082;
	[sflag:s4] =	ssyncset.s32 $0xFFFFF086  }
0x25: {  	[simem:s6], [sflag:s4] =	dma.local [hbm:s3], $0xF7A  }
0x26: {  	[smem:$0x3F92] =	sst s1;
	(tag) =	ssettag s2;
	_ =	strace s9  }
0x27: {  	s1 =	sld [smem:$0x3FA2]  }
0x28: {  	s2 =	sld [smem:$0x3FA3]  }
0x29: {  	s4 =	sld [smem:$0x3FA5]  }
0x2a: {  	p0 =	seq.s32 s5, $0x0;
	s5 =	sld [smem:$0x3FA6]  }
0x2b: {  	s6 =	sld [smem:$0x3FA7]  }
0x2c: {  	s7 =	sld [smem:$0x3FA8]  }
0x2d: {  	s3 =	simm.s32 $0x108;
	s8 =	sld [smem:$0x3FA9]  }
0x2e: {  	s3 =	simm.s32 @!p0 $0x1082;
	s9 =	sld [smem:$0x3FAA]  }
0x2f: {  	lr =	sadd.s32 s0, s3;
	s0 =	sld [smem:$0x3FA1]  }
0x30: {  	s3 =	sld [smem:$0x3FA4]  }
0x31: {  	[smem:$0x3FAD] =	sst s10  }
0x32: {  	s10 =	sld [smem:$0x3FAB];
	_ =	sdelay $0x3  }
0x33: {  	p0 =	seq.s32 s10, $0x1;
	s10 =	sld [smem:$0x3FAD];
	_ =	sdelay $0x3  }
0x34: {  	[smem:$0x3FAD] =	sst s10  }
0x35: {  	s10 =	sld [smem:$0x3FAC];
	_ =	sdelay $0x3  }
0x36: {  	p1 =	seq.s32 s10, $0x1;
	s10 =	sld [smem:$0x3FAD];
	_ =	sdelay $0x3  }
0x37: {  	[smem:$0x3FAD] =	sst s10  }
0x38: {  	s10 =	sld [smem:$0x3FAE]  }
0x39: {  	_ = 	snop;
	(pc) =	sbr.ind lr, $3  }
0x3a: {  	_ = 	snop  }
0x3b: {  	_ = 	snop  }
0x3c: {  	p2 =	seq.s32 s10, $0x1;
	s10 =	sld [smem:$0x3FAD]  }
0x3d: {  	_ =	shalt  }
0x3e: {  	_ =	shalt  }
0x3f: {  	_ =	shalt  }
0x40: {  	_ =	shalt  }
0x41: {  	_ =	shalt  }
0x42: {  	_ =	shalt  }
0x43: {  	_ =	shalt  }
0x44: {  	_ =	shalt  }
0x45: {  	_ =	shalt  }
0x46: {  	_ =	shalt  }
0x47: {  	_ =	shalt  }
0x48: {  	_ =	shalt  }
0x49: {  	_ =	shalt  }
0x4a: {  	_ =	shalt  }
0x4b: {  	_ =	shalt  }
0x4c: {  	_ =	shalt  }
0x4d: {  	_ =	shalt  }
0x4e: {  	_ =	shalt  }
0x4f: {  	_ =	shalt  }
0x50: {  	_ =	shalt  }
0x51: {  	_ =	shalt  }
0x52: {  	_ =	shalt  }
0x53: {  	_ =	shalt  }
0x54: {  	_ =	shalt  }
0x55: {  	_ =	shalt  }
0x56: {  	_ =	shalt  }
0x57: {  	_ =	shalt  }
0x58: {  	_ =	shalt  }
0x59: {  	_ =	shalt  }
0x5a: {  	_ =	shalt  }
0x5b: {  	_ =	shalt  }
0x5c: {  	_ =	shalt  }
0x5d: {  	_ =	shalt  }
0x5e: {  	_ =	shalt  }
0x5f: {  	_ =	shalt  }
0x60: {  	_ =	shalt  }
0x61: {  	_ =	shalt  }
0x62: {  	_ =	shalt  }
0x63: {  	_ =	shalt  }
0x64: {  	_ =	shalt  }
0x65: {  	_ =	shalt  }
0x66: {  	_ =	shalt  }
0x67: {  	_ =	shalt  }
0x68: {  	_ =	shalt  }
0x69: {  	_ =	shalt  }
0x6a: {  	_ =	shalt  }
0x6b: {  	_ =	shalt  }
0x6c: {  	_ =	shalt  }
0x6d: {  	_ =	shalt  }
0x6e: {  	_ =	shalt  }
0x6f: {  	_ =	shalt  }
0x70: {  	_ =	shalt  }
0x71: {  	_ =	shalt  }
0x72: {  	_ =	shalt  }
0x73: {  	_ =	shalt  }
0x74: {  	_ =	shalt  }
0x75: {  	_ =	shalt  }
0x76: {  	_ =	shalt  }
0x77: {  	_ =	shalt  }
0x78: {  	_ =	shalt  }
0x79: {  	_ =	shalt  }
0x7a: {  	_ =	shalt  }
0x7b: {  	_ =	shalt  }
0x7c: {  	_ =	shalt  }
0x7d: {  	_ =	shalt  }
0x7e: {  	_ =	shalt  }
0x7f: {  	_ =	shalt  }
0x80: {  	_ =	shalt  }
0x81: {  	_ =	shalt  }
0x82: {  	_ =	shalt  }
0x83: {  	_ =	shalt  }
0x84: {  	_ =	shalt  }
0x85: {  	_ =	shalt  }
0x86: {  	_ =	shalt  }
0x87: {  	_ =	shalt  }
.Lfunc_end0:
.L_simem_size_0:
called_computation_lowered:
.L_overlay_start_0:
0x88: {  	s2 =	sld [smem:$0x3FD9]  }
0x89: {  	s3 =	sld [smem:$0x3FFE];
	_ =	sdelay $0x1  }
0x8a: {  	s1 =	srdreg.scid  }
0x8b: {  	s0 =	sand.u32 $0x1, s1  }
0x8c: {  	s17 =	sshll.u32 s0, $0xA;
	s2 =	sadd.s32 s3, s2  }
0x8d: {  	s2 =	sadd.s32 s2, s17  }
0x8e: {  	[smem:$0x3FB9] =	sst s2  }
0x8f: {  	_ = 	snop  }
0x90: {  	s2 =	sld [smem:$0x3FC9];
	(tm) =	ssettm $0x1  }
0x91: {  	s18 =	sld [smem:$0x3FFB];
	_ =	sdelay $0x3  }
0x92: {  	_ =	strace s18  }
0x93: {  	s3 =	sld [smem:$0x3FFC];
	_ =	sdelay $0x3  }
0x94: {  	_ =	strace s3  }
0x95: {  	s3 =	sld [smem:$0x3FFD];
	_ =	sdelay $0x3  }
0x96: {  	_ =	strace s3  }
0x97: {  	_ =	strace $0x8FFFFFFF  }
0x98: {  	s19 =	sld [smem:$0x3FDB];
	_ =	sdelay $0x1  }
0x99: {  	s4 =	simm.s32 $_scs_section_size  }
0x9a: {  	s5 =	simm.s32 $_size__tile_overlayer_lowered;
	s6 =	simm.s32 $_tile_overlayer_lowered  }
0x9b: {  	s22 =	simm.s32 $0x1BFF;
	s21 =	sshll.u32 s6, $0x1;
	s3 =	sadd.s32 s4, s19  }
0x9c: {  	s7 =	simm.s32 $0x0;
	s20 =	sshll.u32 s5, $0x1;
	s5 =	sadd.s32 s21, s3  }
0x9d: {  	[timem:s7], [sflag:s22] =	dma.local [hbm:s5], s20  }
0x9e: {  	_ =	swait.ge [sflag:s22], s20  }
0x9f: {  	s4 =	ssub.s32 $0x0, s20;
	[sflag:s22] =	ssyncset.done $0x0  }
0xa0: {  	[sflag:s22] =	ssyncadd.s32 s4;
	_ =	sdelay $0x1  }
0xa1: {  	s23 =	simm.s32 $0x1B8B  }
0xa2: {  	_ =	swait.ge [sflag:s23], $0x1  }
0xa3: {  	[sflag:s23] =	ssyncset.done $0x0  }
0xa4: {  	s25 =	simm.s32 $0x1B8E;
	s24 =	sld [smem:$0x3FFE];
	[sflag:s23] =	ssyncadd.s32 $0xFFFFFFFF  }
0xa5: {  	s26 =	simm.s32 $execute0_lowered;
	[smem:$0x3FD2] =	sst s25  }
0xa6: {  	s5 =	sshll.u32 s26, $0x1;
	_ =	strace $0x80000046;
	[dreg:$0x1] =	wrdreg $0xFFFFFFFF  }
0xa7: {  	s28 =	simm.s32 $_size_execute0_lowered;
	s3 =	sadd.s32 s3, s5;
	[dreg:$0x0] =	wrdreg $0x0  }
0xa8: {  	s5 =	sshll.u32 s28, $0x1;
	[dreg:$0x2] =	wrdreg s3  }
0xa9: {  	[dreg:$0x3] =	wrdreg s5  }
0xaa: {  	[dreg:$0x4] =	wrdreg $0xC0  }
0xab: {  	_ =	task [dreg:s7], $0x5FFFF  }
0xac: {  	[dreg:$0x1] =	wrdreg $0xFFFFFFFF  }
0xad: {  	[dreg:$0x0] =	wrdreg $0x60  }
0xae: {  	[dreg:$0x2] =	wrdreg s2  }
0xaf: {  	[dreg:$0x3] =	wrdreg s24  }
0xb0: {  	[dreg:$0x4] =	wrdreg $0xA8000  }
0xb1: {  	[dreg:$0x5] =	wrdreg $0x9  }
0xb2: {  	_ =	task.clear_ibuf [dreg:s7], $0x6FFFF;
	_ =	strace $0x90000046  }
0xb3: {  	s29 =	simm.s32 $0x9;
	_ =	strace $0x80000048  }
0xb4: {  	_ =	swait.ge [sflag:s29], $0x1  }
0xb5: {  	[sflag:s29] =	ssyncadd.s32 $0xFFFFFFFF  }
0xb6: {  	_ =	strace $0x90000048  }
0xb7: {  	_ =	sfence  }
0xb8: {  	s30 =	sld [smem:$0x0];
	_ =	sdelay $0x2  }
0xb9: {  	s31 =	sshll.u32 s1, $0xD;
	s1 =	sshrl.u32 s1, $0x2  }
0xba: {  	s3 =	sand.u32 $0x4000, s31;
	s1 =	sadd.s32 s1, s30  }
0xbb: {  	s0 =	sor.u32 s3, s0;
	s1 =	sshll.u32 s1, $0x11  }
0xbc: {  	s0 =	sor.u32 s1, s0  }
0xbd: {  	s0 =	sadd.s32 $0x8F2B, s0  }
0xbe: {  	[sflag:s0] =	ssyncadd.remote.s32 $0x1  }
0xbf: {  	_ =	sfence.sel $0xFFFF  }
0xc0: {  	[dreg:$0x0] =	wrdreg $0xFFFFFFFF;
	(pc) =	sbr.abs _section_cstart, $3  }
0xc1: {  	[dreg:$0x1] =	wrdreg $0xFFFFFFFF  }
0xc2: {  	_ =	task.clear_ibuf [dreg:s7], $0x2FFFF;
	_ =	strace $0x9FFFFFFF  }
0xc3: {  	(tm) =	ssettm $0x7FFFFFFF  }
tec
execute0_lowered:
.L_overlay_start_1:
0x0: {  	(tag) =	ssettag $0x1  }
0x1: {  	s1 =	rddreg [dreg:$0x0]  }
0x2: {  	s5 =	rddreg [dreg:$0x1]  }
0x3: {  	s2 =	rddreg [dreg:$0x2]  }
0x4: {  	s3 =	srdreg.scid;
	s0 =	rddreg [dreg:$0x3]  }
0x5: {  	s4 =	simm.s32 $0x0;
	s17 =	simm.s32 $0x3;
	s18 =	simm.s32 $0x1400  }
0x6: {  	s19 =	simm.s32 $0x80;
	s20 =	simm.s32 $0x6800;
	s6 =	sand.u32 $0x1, s3  }
0x7: {  	s21 =	simm.s32 $0x1;
	s3 =	stileid.u32;
	s7 =	smul.u32 $0x13C000, s6  }
0x8: {  	s22 =	simm.s32 $0x2;
	s23 =	simm.s32 $0x2700;
	s8 =	smul.u32 $0x13C00, s3  }
0x9: {  	s24 =	simm.s32 $0x2780;
	[smem:$0x7FF] =	sst s4;
	s9 =	smul.u32 $0x4F000, s3  }
0xa: {  	s12 =	sadd.s32 $0x3600, s5;
	s13 =	sadd.s32 $0xD600, s5;
	s29 =	smul.u32 $0x500, s6  }
0xb: {  	_ =	strace $0x80000047;
	s6 =	ssub.s32 $0x2, s6;
	s10 =	smul.u32 $0x50, s3  }
0xc: {  	s30 =	sshrl.u32 s6, $0x1;
	s7 =	sadd.s32 s8, s7;
	s31 =	sshrl.u32 s9, $0x2  }
0xd: {  	s15 =	ssub.s32 s6, s30;
	s8 =	sadd.s32 s10, s29;
	s7 =	sshrl.u32 s7, $0x3  }
0xe: {  	s11 =	sshll.u32 s8, $0x4;
	s15 =	smax.u32 s15, $0x1;
	s14 =	sadd.s32 s7, s5  }
0xf: {  	s5 =	sadd.s32 s31, s2;
	s16 =	sadd.s32 $0x280, s11;
	s10 =	sadd.s32 s12, s11  }
0x10: {  	s11 =	sadd.s32 s13, s11;
	s6 =	sadd.s32 $0x4000, s5;
	s7 =	sadd.s32 $0x8000, s5  }
0x11: {  	s8 =	sadd.s32 $0xC000, s5;
	s9 =	sadd.s32 $0x10000, s5;
	s12 =	sadd.s32 s12, s16  }
0x12: {  	v0 =	vimm.f32 $0.0e+00;
	s13 =	sadd.s32 s13, s16;
	s14 =	sadd.s32 $0x17600, s14;
	s16 =	simm.s32 $0x2800  }
.LBB2_1:
0x13: {  	s25 =	simm.s32 $0x0;
	s26 =	simm.s32 $0x200  }
.LBB2_2:
0x14: {  	p0 =	sne.s32 s26, $0xFE00;
	[tilespmem:s25+$0x2870] =	vst v0  }
0x15: {  	[tilespmem:s25+$0x2800] =	vst v0  }
0x16: {  	[tilespmem:s25+$0x2810] =	vst v0  }
.Ltmp0:
0x17: {  	[tilespmem:s25+$0x2820] =	vst v0;
	(pc) =	sbr.rel @p0 .LBB2_2-.Ltmp0, $4  }
0x18: {  	[tilespmem:s25+$0x2830] =	vst v0  }
0x19: {  	[tilespmem:s25+$0x2840] =	vst v0  }
0x1a: {  	[tilespmem:s25+$0x2850] =	vst v0  }
0x1b: {  	[tilespmem:s25+$0x2860] =	vst v0;
	s25 =	sshra.s32 s26, $0x2;
	s26 =	sadd.s32 $0x200, s26  }
0x1c: {  	[tilespmem:s25+$0x2870] =	vst v0  }
0x1d: {  	[tilespmem:s25+$0x2800] =	vst v0  }
0x1e: {  	[tilespmem:s25+$0x2810] =	vst v0  }
0x1f: {  	[tilespmem:s25+$0x2820] =	vst v0  }
0x20: {  	[tilespmem:s25+$0x2830] =	vst v0  }
0x21: {  	[tilespmem:s25+$0x2840] =	vst v0  }
0x22: {  	[tilespmem:s25+$0x2850] =	vst v0  }
0x23: {  	[tilespmem:s25+$0x2860] =	vst v0  }
0x24: {  	[spmem:s5] =	stream.linear.scatter [tilespmem:s16], [sflag:$0x3], $0x4000, $0x38;
	[tilespmem:$0x1E400] =	vst v63  }
0x25: {  	_ =	swait.ge [sflag:s17], $0x4000  }
0x26: {  	[sflag:s17] =	ssyncset.done $0x0  }
0x27: {  	[sflag:s17] =	ssyncadd.s32 $0xFFFFC000  }
0x28: {  	[spmem:s6] =	stream.linear.scatter [tilespmem:s16], [sflag:$0x3], $0x4000, $0x38;
	[tilespmem:$0x1E400] =	vst v63  }
0x29: {  	_ =	swait.ge [sflag:s17], $0x4000  }
0x2a: {  	[sflag:s17] =	ssyncset.done $0x0  }
0x2b: {  	[sflag:s17] =	ssyncadd.s32 $0xFFFFC000  }
0x2c: {  	[spmem:s7] =	stream.linear.scatter [tilespmem:s16], [sflag:$0x3], $0x4000, $0x38;
	[tilespmem:$0x1E400] =	vst v63  }
0x2d: {  	_ =	swait.ge [sflag:s17], $0x4000  }
0x2e: {  	[sflag:s17] =	ssyncset.done $0x0  }
0x2f: {  	[sflag:s17] =	ssyncadd.s32 $0xFFFFC000  }
0x30: {  	[spmem:s8] =	stream.linear.scatter [tilespmem:s16], [sflag:$0x3], $0x4000, $0x38;
	[tilespmem:$0x1E400] =	vst v63  }
0x31: {  	_ =	swait.ge [sflag:s17], $0x4000  }
0x32: {  	[sflag:s17] =	ssyncset.done $0x0  }
0x33: {  	[sflag:s17] =	ssyncadd.s32 $0xFFFFC000  }
0x34: {  	[spmem:s9] =	stream.linear.scatter [tilespmem:s16], [sflag:$0x3], $0x3C00, $0x38;
	[tilespmem:$0x1E400] =	vst v63  }
0x35: {  	_ =	swait.ge [sflag:s17], $0x3C00  }
0x36: {  	[sflag:s17] =	ssyncset.done $0x0  }
0x37: {  	s28 =	simm.s32 $0x0;
	[sflag:s17] =	ssyncadd.s32 $0xFFFFC400  }
0x38: {  	[tilespmem:s28], [sflag:$0x3] =	stream.linear.gather [hbm4b:s10+s28], $0x1400, $0x38;
	[tilespmem:$0x1E400] =	vst v63  }
0x39: {  	_ =	swait.ge [sflag:s17], $0x1400  }
0x3a: {  	[sflag:s17] =	ssyncset.done $0x0  }
0x3b: {  	[sflag:s17] =	ssyncadd.s32 $0xFFFFEC00  }
0x3c: {  	[tilespmem:s18], [sflag:$0x3] =	stream.linear.gather [hbm4b:s11+s28], $0x1400, $0x38;
	[tilespmem:$0x1E400] =	vst v63  }
0x3d: {  	_ =	swait.ge [sflag:s17], $0x1400  }
0x3e: {  	[sflag:s17] =	ssyncset.done $0x0  }
0x3f: {  	[sflag:s17] =	ssyncadd.s32 $0xFFFFEC00  }
0x40: {  	[tilespmem:s16], [sflag:$0x1] =	stream.indirect.gather [hbm4b:s1+s19], $0x80, s28, s19, $0xb8;
	[tilespmem:$0x1E400] =	vst v63  }
0x41: {  	_ = 	snop  }
0x42: {  	[tilespmem:s20], [sflag:$0x2] =	stream.indirect.gather [hbm4b:s1+s19], $0x80, s19, s19, $0xb8;
	[tilespmem:$0x1E400] =	vst v63  }
0x43: {  	[bflag:$0x0] =	sbarrier.arrive $0xFFFF  }
0x44: {  	_ =	swait.ge [sflag:s21], $0x4000  }
0x45: {  	[sflag:s21] =	ssyncset.done $0x0  }
0x46: {  	s29 =	simm.s32 $0x1400;
	[sflag:s21] =	ssyncadd.s32 $0xFFFFC000  }
0x47: {  	[spmem:s2] =	stream.indirect.scatter.add.f32 [tilespmem:s16], [sflag:$0x3], $0x80, s29, s19, $0xb8;
	[tilespmem:$0x1E400] =	vst v63  }
0x48: {  	_ =	swait.ge [sflag:s17], $0x4000  }
0x49: {  	[sflag:s17] =	ssyncset.done $0x0  }
0x4a: {  	s30 =	simm.s32 $0x100;
	[sflag:s17] =	ssyncadd.s32 $0xFFFFC000  }
0x4b: {  	[tilespmem:s16], [sflag:$0x1] =	stream.indirect.gather [hbm4b:s1+s19], $0x80, s30, s19, $0xb8;
	[tilespmem:$0x1E400] =	vst v63  }
0x4c: {  	_ =	swait.ge [sflag:s22], $0x4000  }
0x4d: {  	[sflag:s22] =	ssyncset.done $0x0  }
0x4e: {  	s31 =	simm.s32 $0x1480;
	[sflag:s22] =	ssyncadd.s32 $0xFFFFC000  }
0x4f: {  	[spmem:s2] =	stream.indirect.scatter.add.f32 [tilespmem:s20], [sflag:$0x3], $0x80, s31, s19, $0xb8;
	[tilespmem:$0x1E400] =	vst v63  }
0x50: {  	_ =	swait.ge [sflag:s17], $0x4000  }
0x51: {  	[sflag:s17] =	ssyncset.done $0x0  }
0x52: {  	s25 =	simm.s32 $0x400;
	s26 =	simm.s32 $0x180;
	[sflag:s17] =	ssyncadd.s32 $0xFFFFC000  }
.LBB2_4:
0x53: {  	[tilespmem:s20], [sflag:$0x2] =	stream.indirect.gather [hbm4b:s1+s19], $0x80, s26, s19, $0xb8;
	[tilespmem:$0x1E400] =	vst v63  }
0x54: {  	s26 =	smov.u32 s25  }
0x55: {  	p0 =	sne.s32 s25, $0x4800;
	s25 =	sadd.s32 $0x400, s25;
	_ =	swait.ge [sflag:s21], $0x4000  }
0x56: {  	s26 =	sshra.s32 s26, $0x2;
	[sflag:s21] =	ssyncset.done $0x0  }
0x57: {  	s28 =	sadd.s32 $0x1400, s26;
	[sflag:s21] =	ssyncadd.s32 $0xFFFFC000  }
0x58: {  	[spmem:s2] =	stream.indirect.scatter.add.f32 [tilespmem:s16], [sflag:$0x3], $0x80, s28, s19, $0xb8;
	[tilespmem:$0x1E400] =	vst v63  }
0x59: {  	_ =	swait.ge [sflag:s17], $0x4000  }
0x5a: {  	[sflag:s17] =	ssyncset.done $0x0  }
0x5b: {  	s28 =	sadd.s32 $0x100, s26;
	[sflag:s17] =	ssyncadd.s32 $0xFFFFC000  }
0x5c: {  	[tilespmem:s16], [sflag:$0x1] =	stream.indirect.gather [hbm4b:s1+s19], $0x80, s28, s19, $0xb8;
	[tilespmem:$0x1E400] =	vst v63  }
0x5d: {  	_ =	swait.ge [sflag:s22], $0x4000  }
0x5e: {  	[sflag:s22] =	ssyncset.done $0x0  }
.Ltmp1:
0x5f: {  	s28 =	sadd.s32 $0x1480, s26;
	[sflag:s22] =	ssyncadd.s32 $0xFFFFC000;
	(pc) =	sbr.rel @p0 .LBB2_4-.Ltmp1, $4  }
0x60: {  	[spmem:s2] =	stream.indirect.scatter.add.f32 [tilespmem:s20], [sflag:$0x3], $0x80, s28, s19, $0xb8;
	[tilespmem:$0x1E400] =	vst v63  }
0x61: {  	_ =	swait.ge [sflag:s17], $0x4000  }
0x62: {  	[sflag:s17] =	ssyncset.done $0x0  }
0x63: {  	s26 =	sadd.s32 $0x180, s26;
	[sflag:s17] =	ssyncadd.s32 $0xFFFFC000  }
0x64: {  	[tilespmem:s20], [sflag:$0x2] =	stream.indirect.gather [hbm4b:s1+s19], $0x80, s26, s19, $0xb8;
	[tilespmem:$0x1E400] =	vst v63  }
0x65: {  	_ =	swait.ge [sflag:s21], $0x4000  }
0x66: {  	[sflag:s21] =	ssyncset.done $0x0  }
0x67: {  	[sflag:s21] =	ssyncadd.s32 $0xFFFFC000  }
0x68: {  	[spmem:s2] =	stream.indirect.scatter.add.f32 [tilespmem:s16], [sflag:$0x3], $0x80, s23, s19, $0xb8;
	[tilespmem:$0x1E400] =	vst v63  }
0x69: {  	_ =	swait.ge [sflag:s17], $0x4000  }
0x6a: {  	[sflag:s17] =	ssyncset.done $0x0  }
0x6b: {  	[sflag:s17] =	ssyncadd.s32 $0xFFFFC000  }
0x6c: {  	_ =	swait.ge [sflag:s22], $0x4000  }
0x6d: {  	[sflag:s22] =	ssyncset.done $0x0  }
0x6e: {  	[sflag:s22] =	ssyncadd.s32 $0xFFFFC000  }
0x6f: {  	[spmem:s2] =	stream.indirect.scatter.add.f32 [tilespmem:s20], [sflag:$0x3], $0x80, s24, s19, $0xb8;
	[tilespmem:$0x1E400] =	vst v63  }
0x70: {  	_ =	swait.ge [sflag:s17], $0x4000  }
0x71: {  	[sflag:s17] =	ssyncset.done $0x0  }
0x72: {  	s25 =	simm.s32 $0x0;
	[sflag:s17] =	ssyncadd.s32 $0xFFFFC000  }
0x73: {  	[tilespmem:s25], [sflag:$0x3] =	stream.linear.gather [hbm4b:s12+s25], $0x1400, $0x38;
	[tilespmem:$0x1E400] =	vst v63  }
0x74: {  	_ =	swait.ge [sflag:s17], $0x1400  }
0x75: {  	[sflag:s17] =	ssyncset.done $0x0  }
0x76: {  	[sflag:s17] =	ssyncadd.s32 $0xFFFFEC00  }
0x77: {  	[tilespmem:s18], [sflag:$0x3] =	stream.linear.gather [hbm4b:s13+s25], $0x1400, $0x38;
	[tilespmem:$0x1E400] =	vst v63  }
0x78: {  	_ =	swait.ge [sflag:s17], $0x1400  }
0x79: {  	[sflag:s17] =	ssyncset.done $0x0  }
0x7a: {  	[sflag:s17] =	ssyncadd.s32 $0xFFFFEC00  }
0x7b: {  	[tilespmem:s16], [sflag:$0x1] =	stream.indirect.gather [hbm4b:s1+s19], $0x80, s25, s19, $0xb8;
	[tilespmem:$0x1E400] =	vst v63  }
0x7c: {  	_ = 	snop  }
0x7d: {  	[tilespmem:s20], [sflag:$0x2] =	stream.indirect.gather [hbm4b:s1+s19], $0x80, s19, s19, $0xb8;
	[tilespmem:$0x1E400] =	vst v63  }
0x7e: {  	_ =	swait.ge [sflag:s21], $0x4000  }
0x7f: {  	[sflag:s21] =	ssyncset.done $0x0  }
0x80: {  	s29 =	simm.s32 $0x1400;
	[sflag:s21] =	ssyncadd.s32 $0xFFFFC000  }
0x81: {  	[spmem:s2] =	stream.indirect.scatter.add.f32 [tilespmem:s16], [sflag:$0x3], $0x80, s29, s19, $0xb8;
	[tilespmem:$0x1E400] =	vst v63  }
0x82: {  	_ =	swait.ge [sflag:s17], $0x4000  }
0x83: {  	[sflag:s17] =	ssyncset.done $0x0  }
0x84: {  	s30 =	simm.s32 $0x100;
	[sflag:s17] =	ssyncadd.s32 $0xFFFFC000  }
0x85: {  	[tilespmem:s16], [sflag:$0x1] =	stream.indirect.gather [hbm4b:s1+s19], $0x80, s30, s19, $0xb8;
	[tilespmem:$0x1E400] =	vst v63  }
0x86: {  	_ =	swait.ge [sflag:s22], $0x4000  }
0x87: {  	[sflag:s22] =	ssyncset.done $0x0  }
0x88: {  	s31 =	simm.s32 $0x1480;
	[sflag:s22] =	ssyncadd.s32 $0xFFFFC000  }
0x89: {  	[spmem:s2] =	stream.indirect.scatter.add.f32 [tilespmem:s20], [sflag:$0x3], $0x80, s31, s19, $0xb8;
	[tilespmem:$0x1E400] =	vst v63  }
0x8a: {  	_ =	swait.ge [sflag:s17], $0x4000  }
0x8b: {  	[sflag:s17] =	ssyncset.done $0x0  }
0x8c: {  	s26 =	simm.s32 $0x180;
	s25 =	simm.s32 $0x400;
	[sflag:s17] =	ssyncadd.s32 $0xFFFFC000  }
.LBB2_6:
0x8d: {  	[tilespmem:s20], [sflag:$0x2] =	stream.indirect.gather [hbm4b:s1+s19], $0x80, s26, s19, $0xb8;
	[tilespmem:$0x1E400] =	vst v63  }
0x8e: {  	s26 =	smov.u32 s25  }
0x8f: {  	p0 =	sne.s32 s25, $0x4800;
	s25 =	sadd.s32 $0x400, s25;
	_ =	swait.ge [sflag:s21], $0x4000  }
0x90: {  	s26 =	sshra.s32 s26, $0x2;
	[sflag:s21] =	ssyncset.done $0x0  }
0x91: {  	s28 =	sadd.s32 $0x1400, s26;
	[sflag:s21] =	ssyncadd.s32 $0xFFFFC000  }
0x92: {  	[spmem:s2] =	stream.indirect.scatter.add.f32 [tilespmem:s16], [sflag:$0x3], $0x80, s28, s19, $0xb8;
	[tilespmem:$0x1E400] =	vst v63  }
0x93: {  	_ =	swait.ge [sflag:s17], $0x4000  }
0x94: {  	[sflag:s17] =	ssyncset.done $0x0  }
0x95: {  	s28 =	sadd.s32 $0x100, s26;
	[sflag:s17] =	ssyncadd.s32 $0xFFFFC000  }
0x96: {  	[tilespmem:s16], [sflag:$0x1] =	stream.indirect.gather [hbm4b:s1+s19], $0x80, s28, s19, $0xb8;
	[tilespmem:$0x1E400] =	vst v63  }
0x97: {  	_ =	swait.ge [sflag:s22], $0x4000  }
0x98: {  	[sflag:s22] =	ssyncset.done $0x0  }
.Ltmp2:
0x99: {  	s28 =	sadd.s32 $0x1480, s26;
	[sflag:s22] =	ssyncadd.s32 $0xFFFFC000;
	(pc) =	sbr.rel @p0 .LBB2_6-.Ltmp2, $4  }
0x9a: {  	[spmem:s2] =	stream.indirect.scatter.add.f32 [tilespmem:s20], [sflag:$0x3], $0x80, s28, s19, $0xb8;
	[tilespmem:$0x1E400] =	vst v63  }
0x9b: {  	_ =	swait.ge [sflag:s17], $0x4000  }
0x9c: {  	[sflag:s17] =	ssyncset.done $0x0  }
0x9d: {  	s26 =	sadd.s32 $0x180, s26;
	[sflag:s17] =	ssyncadd.s32 $0xFFFFC000  }
0x9e: {  	[tilespmem:s20], [sflag:$0x2] =	stream.indirect.gather [hbm4b:s1+s19], $0x80, s26, s19, $0xb8;
	[tilespmem:$0x1E400] =	vst v63  }
0x9f: {  	_ =	swait.ge [sflag:s21], $0x4000  }
0xa0: {  	[sflag:s21] =	ssyncset.done $0x0  }
0xa1: {  	[sflag:s21] =	ssyncadd.s32 $0xFFFFC000  }
0xa2: {  	[spmem:s2] =	stream.indirect.scatter.add.f32 [tilespmem:s16], [sflag:$0x3], $0x80, s23, s19, $0xb8;
	[tilespmem:$0x1E400] =	vst v63  }
0xa3: {  	_ =	swait.ge [sflag:s17], $0x4000  }
0xa4: {  	[sflag:s17] =	ssyncset.done $0x0  }
0xa5: {  	[sflag:s17] =	ssyncadd.s32 $0xFFFFC000  }
0xa6: {  	_ =	swait.ge [sflag:s22], $0x4000  }
0xa7: {  	[sflag:s22] =	ssyncset.done $0x0  }
0xa8: {  	[sflag:s22] =	ssyncadd.s32 $0xFFFFC000  }
0xa9: {  	[spmem:s2] =	stream.indirect.scatter.add.f32 [tilespmem:s20], [sflag:$0x3], $0x80, s24, s19, $0xb8;
	[tilespmem:$0x1E400] =	vst v63  }
0xaa: {  	_ =	swait.ge [sflag:s17], $0x4000  }
0xab: {  	s25 =	sshll.u32 s3, $0x6;
	s4 =	sadd.s32 $0x1, s4;
	[sflag:s17] =	ssyncset.done $0x0  }
0xac: {  	s31 =	sshrl.u32 s5, $0x3;
	p0 =	sne.s32 s4, s15;
	[sflag:s17] =	ssyncadd.s32 $0xFFFFC000  }
.Ltmp3:
0xad: {  	s25 =	sor.u32 $0x1C03, s25;
	[bflag:$0x0] =	sbarrier.arrive $0xFFFF;
	(pc) =	sbr.rel @p0 .LBB2_1-.Ltmp3, $4  }
0xae: {  	[hbm:s14], [sflag:s25] =	dma.local [spmem:s31], $0x2780  }
0xaf: {  	_ =	swait.ge [sflag:s17], $0x2780  }
0xb0: {  	[sflag:s17] =	ssyncset.done $0x0  }
0xb1: {  	[sflag:s17] =	ssyncadd.s32 $0xFFFFD880  }
0xb2: {  	_ =	sfence.sel $0x180000  }
0xb3: {  	[bflag:$0x0] =	sbarrier.arrive $0xFFFF  }
0xb4: {  	p0 =	sne.s32 s3, $0x0;
	_ =	strace $0x90000047  }
0xb5: {  	s0 =	sadd.s32 @!p0 $0x100000, s0;
	[bflag:$0x2] =	sbarrier.arrive $0xFFFF  }
0xb6: {  	[sflag:s0] =	ssyncadd.tile.s32 @!p0 $0x1;
	_ =	shalt  }
.Lfunc_end2:
_tile_overlayer_lowered:
.L_overlay_start_2:
0xb7: {  	(tag) =	ssettag $0x2  }
0xb8: {  	s0 =	rddreg [dreg:$0x0];
	s2 =	stileid.u32  }
0xb9: {  	s1 =	rddreg [dreg:$0x1];
	p0 =	sne.s32 s2, $0x0  }
0xba: {  	s3 =	rddreg [dreg:$0x2];
	[bflag:$0x3] =	sbarrier.arrive $0xFFFF;
	s2 =	simm.s32 @!p0 $0x1C03  }
0xbb: {  	[timem:s3], [sflag:s2] =	dma.local @!p0 [hbm:s0], s1  }
0xbc: {  	s0 =	simm.s32 @!p0 $0x3  }
0xbd: {  	_ =	swait.ge @!p0 [sflag:s0], s1  }
0xbe: {  	s1 =	ssub.s32 @!p0 $0x0, s1;
	[sflag:s0] =	ssyncset.done @!p0 $0x0  }
0xbf: {  	[sflag:s0] =	ssyncadd.s32 @!p0 s1  }
0xc0: {  	[bflag:$0x3] =	sbarrier.arrive $0xFFFF  }
0xc1: {  	_ =	shalt  }

// kernel: kernel.9.cloned.1.call-start
scs
__scs_entry_jumppad:
0x0: {  	(pc) =	sbr.rel $0x88, $3  }
0x1: {  	(tag) =	ssettag $0x0;
	lr =	simm.s32 $0x1  }
0x2: {  	[smem:$0x3F92] =	sst lr;
	_ =	strace $0xD0000000  }
0x3: {  	_ = 	snop  }
0x4: {  	_ = 	snop  }
0x5: {  	_ = 	snop  }
0x6: {  	_ = 	snop  }
0x7: {  	_ = 	snop  }
__scs_overlays_trampoline_lowered:
0x8: {  	[smem:$0x3FA1] =	sst s0  }
0x9: {  	[smem:$0x3FA2] =	sst s1  }
0xa: {  	[smem:$0x3FA3] =	sst s2  }
0xb: {  	[smem:$0x3FA4] =	sst s3  }
0xc: {  	[smem:$0x3FA5] =	sst s4  }
0xd: {  	[smem:$0x3FA6] =	sst s5  }
0xe: {  	[smem:$0x3FA7] =	sst s6  }
0xf: {  	[smem:$0x3FA8] =	sst s7  }
0x10: {  	[smem:$0x3FA9] =	sst s8  }
0x11: {  	[smem:$0x3FAA] =	sst s9;
	s0 =	simm.s32 @!p0 $0x0  }
0x12: {  	s1 =	sld [smem:$0x3F90];
	s0 =	simm.s32 @p0 $0x1  }
0x13: {  	[smem:$0x3FAB] =	sst s0;
	s0 =	simm.s32 @!p1 $0x0  }
0x14: {  	s2 =	sld [smem:$0x3F8F];
	s0 =	simm.s32 @p1 $0x1  }
0x15: {  	[smem:$0x3FAC] =	sst s0;
	s0 =	simm.s32 @!p2 $0x0  }
0x16: {  	s3 =	sld [smem:$0x3FDB];
	s0 =	simm.s32 @p2 $0x1  }
0x17: {  	s4 =	simm.s32 $0x1BF5;
	[smem:$0x3FAE] =	sst s0  }
0x18: {  	s0 =	sld [smem:$0x3F91];
	_ =	swait.ge [sflag:s4], $0x0  }
0x19: {  	s7 =	sld [smem:$0x3F92]  }
0x1a: {  	s8 =	sadd.s32 $0xFFFFE003, lr  }
0x1b: {  	s9 =	sadd.s32 $0xFFFFFEF7, lr;
	s5 =	simm.s32 $0xFFFFFFFF;
	p2 =	slt.u32 s8, $0xFFFFF086  }
0x1c: {  	p1 =	slt.u32 s9, $0xF7A;
	s5 =	simm.s32 @!p2 $0x0  }
0x1d: {  	s5 =	simm.s32 @p1 $0x1;
	p0 =	seq.s32 s7, s2  }
0x1e: {  	s7 =	smul.u32 @!p0 $0xF7A, s2;
	p2 =	seq.s32 @!p0 s5, $0x0  }
0x1f: {  	s9 =	smul.u32 $0xF7A, s1;
	s8 =	simm.s32 @!p0 $0x1BF5;
	p2 =	por !p2, p0  }
0x20: {  	[sflag:s8] =	ssyncset.s32 @!p0 $0xFFFFF086;
	s6 =	sadd.s32 @!p0 s3, s7;
	s7 =	simm.s32 @!p0 $0x108  }
0x21: {  	s3 =	sadd.s32 s3, s9;
	s6 =	sadd.s32 @!p0 $0x88, s6;
	s7 =	simm.s32 @p2 $0x1082  }
0x22: {  	[simem:s7], [sflag:s8] =	dma.local @!p0 [hbm:s6], $0xF7A  }
0x23: {  	s9 =	sor.u32 $0xD0000000, s2;
	s6 =	simm.s32 $0x108;
	_ =	swait.ge @!p0 [sflag:s8], $0x0  }
0x24: {  	s3 =	sadd.s32 $0x88, s3;
	s6 =	simm.s32 @!p1 $0x1082;
	[sflag:s4] =	ssyncset.s32 $0xFFFFF086  }
0x25: {  	[simem:s6], [sflag:s4] =	dma.local [hbm:s3], $0xF7A  }
0x26: {  	[smem:$0x3F92] =	sst s1;
	(tag) =	ssettag s2;
	_ =	strace s9  }
0x27: {  	s1 =	sld [smem:$0x3FA2]  }
0x28: {  	s2 =	sld [smem:$0x3FA3]  }
0x29: {  	s4 =	sld [smem:$0x3FA5]  }
0x2a: {  	p0 =	seq.s32 s5, $0x0;
	s5 =	sld [smem:$0x3FA6]  }
0x2b: {  	s6 =	sld [smem:$0x3FA7]  }
0x2c: {  	s7 =	sld [smem:$0x3FA8]  }
0x2d: {  	s3 =	simm.s32 $0x108;
	s8 =	sld [smem:$0x3FA9]  }
0x2e: {  	s3 =	simm.s32 @!p0 $0x1082;
	s9 =	sld [smem:$0x3FAA]  }
0x2f: {  	lr =	sadd.s32 s0, s3;
	s0 =	sld [smem:$0x3FA1]  }
0x30: {  	s3 =	sld [smem:$0x3FA4]  }
0x31: {  	[smem:$0x3FAD] =	sst s10  }
0x32: {  	s10 =	sld [smem:$0x3FAB];
	_ =	sdelay $0x3  }
0x33: {  	p0 =	seq.s32 s10, $0x1;
	s10 =	sld [smem:$0x3FAD];
	_ =	sdelay $0x3  }
0x34: {  	[smem:$0x3FAD] =	sst s10  }
0x35: {  	s10 =	sld [smem:$0x3FAC];
	_ =	sdelay $0x3  }
0x36: {  	p1 =	seq.s32 s10, $0x1;
	s10 =	sld [smem:$0x3FAD];
	_ =	sdelay $0x3  }
0x37: {  	[smem:$0x3FAD] =	sst s10  }
0x38: {  	s10 =	sld [smem:$0x3FAE]  }
0x39: {  	_ = 	snop;
	(pc) =	sbr.ind lr, $3  }
0x3a: {  	_ = 	snop  }
0x3b: {  	_ = 	snop  }
0x3c: {  	p2 =	seq.s32 s10, $0x1;
	s10 =	sld [smem:$0x3FAD]  }
0x3d: {  	_ =	shalt  }
0x3e: {  	_ =	shalt  }
0x3f: {  	_ =	shalt  }
0x40: {  	_ =	shalt  }
0x41: {  	_ =	shalt  }
0x42: {  	_ =	shalt  }
0x43: {  	_ =	shalt  }
0x44: {  	_ =	shalt  }
0x45: {  	_ =	shalt  }
0x46: {  	_ =	shalt  }
0x47: {  	_ =	shalt  }
0x48: {  	_ =	shalt  }
0x49: {  	_ =	shalt  }
0x4a: {  	_ =	shalt  }
0x4b: {  	_ =	shalt  }
0x4c: {  	_ =	shalt  }
0x4d: {  	_ =	shalt  }
0x4e: {  	_ =	shalt  }
0x4f: {  	_ =	shalt  }
0x50: {  	_ =	shalt  }
0x51: {  	_ =	shalt  }
0x52: {  	_ =	shalt  }
0x53: {  	_ =	shalt  }
0x54: {  	_ =	shalt  }
0x55: {  	_ =	shalt  }
0x56: {  	_ =	shalt  }
0x57: {  	_ =	shalt  }
0x58: {  	_ =	shalt  }
0x59: {  	_ =	shalt  }
0x5a: {  	_ =	shalt  }
0x5b: {  	_ =	shalt  }
0x5c: {  	_ =	shalt  }
0x5d: {  	_ =	shalt  }
0x5e: {  	_ =	shalt  }
0x5f: {  	_ =	shalt  }
0x60: {  	_ =	shalt  }
0x61: {  	_ =	shalt  }
0x62: {  	_ =	shalt  }
0x63: {  	_ =	shalt  }
0x64: {  	_ =	shalt  }
0x65: {  	_ =	shalt  }
0x66: {  	_ =	shalt  }
0x67: {  	_ =	shalt  }
0x68: {  	_ =	shalt  }
0x69: {  	_ =	shalt  }
0x6a: {  	_ =	shalt  }
0x6b: {  	_ =	shalt  }
0x6c: {  	_ =	shalt  }
0x6d: {  	_ =	shalt  }
0x6e: {  	_ =	shalt  }
0x6f: {  	_ =	shalt  }
0x70: {  	_ =	shalt  }
0x71: {  	_ =	shalt  }
0x72: {  	_ =	shalt  }
0x73: {  	_ =	shalt  }
0x74: {  	_ =	shalt  }
0x75: {  	_ =	shalt  }
0x76: {  	_ =	shalt  }
0x77: {  	_ =	shalt  }
0x78: {  	_ =	shalt  }
0x79: {  	_ =	shalt  }
0x7a: {  	_ =	shalt  }
0x7b: {  	_ =	shalt  }
0x7c: {  	_ =	shalt  }
0x7d: {  	_ =	shalt  }
0x7e: {  	_ =	shalt  }
0x7f: {  	_ =	shalt  }
0x80: {  	_ =	shalt  }
0x81: {  	_ =	shalt  }
0x82: {  	_ =	shalt  }
0x83: {  	_ =	shalt  }
0x84: {  	_ =	shalt  }
0x85: {  	_ =	shalt  }
0x86: {  	_ =	shalt  }
0x87: {  	_ =	shalt  }
.Lfunc_end0:
.L_simem_size_0:
called_computation.1_lowered:
.L_overlay_start_0:
0x88: {  	s2 =	sld [smem:$0x3FD9]  }
0x89: {  	s3 =	sld [smem:$0x3FFE];
	_ =	sdelay $0x1  }
0x8a: {  	s1 =	srdreg.scid  }
0x8b: {  	s0 =	sand.u32 $0x1, s1  }
0x8c: {  	s16 =	sshll.u32 s0, $0xA;
	s2 =	sadd.s32 s3, s2  }
0x8d: {  	s2 =	sadd.s32 s2, s16  }
0x8e: {  	[smem:$0x3FB9] =	sst s2  }
0x8f: {  	_ = 	snop  }
0x90: {  	(tm) =	ssettm $0x1  }
0x91: {  	s17 =	sld [smem:$0x3FFB];
	_ =	sdelay $0x3  }
0x92: {  	_ =	strace s17  }
0x93: {  	s2 =	sld [smem:$0x3FFC];
	_ =	sdelay $0x3  }
0x94: {  	_ =	strace s2  }
0x95: {  	s2 =	sld [smem:$0x3FFD];
	_ =	sdelay $0x3  }
0x96: {  	_ =	strace s2  }
0x97: {  	_ =	strace $0x8FFFFFFF  }
0x98: {  	s18 =	sld [smem:$0x3FDB];
	_ =	sdelay $0x1  }
0x99: {  	s19 =	simm.s32 $_scs_section_size  }
0x9a: {  	s4 =	simm.s32 $_size__tile_overlayer_lowered;
	s5 =	simm.s32 $_tile_overlayer_lowered  }
0x9b: {  	s22 =	simm.s32 $0x1BFF;
	s21 =	sshll.u32 s5, $0x1;
	s2 =	sadd.s32 s19, s18  }
0x9c: {  	s6 =	simm.s32 $0x0;
	s20 =	sshll.u32 s4, $0x1;
	s4 =	sadd.s32 s21, s2  }
0x9d: {  	[timem:s6], [sflag:s22] =	dma.local [hbm:s4], s20  }
0x9e: {  	_ =	swait.ge [sflag:s22], s20  }
0x9f: {  	s3 =	ssub.s32 $0x0, s20;
	[sflag:s22] =	ssyncset.done $0x0  }
0xa0: {  	[sflag:s22] =	ssyncadd.s32 s3;
	_ =	sdelay $0x1  }
0xa1: {  	s23 =	simm.s32 $0x1B8B  }
0xa2: {  	_ =	swait.ge [sflag:s23], $0x1  }
0xa3: {  	[sflag:s23] =	ssyncset.done $0x0  }
0xa4: {  	s25 =	simm.s32 $0x1B8E;
	s24 =	sld [smem:$0x3FFE];
	[sflag:s23] =	ssyncadd.s32 $0xFFFFFFFF  }
0xa5: {  	s26 =	simm.s32 $execute0_lowered;
	[smem:$0x3FD2] =	sst s25  }
0xa6: {  	s4 =	sshll.u32 s26, $0x1;
	_ =	strace $0x80000049;
	[dreg:$0x1] =	wrdreg $0xFFFFFFFF  }
0xa7: {  	s28 =	simm.s32 $_size_execute0_lowered;
	s2 =	sadd.s32 s2, s4;
	[dreg:$0x0] =	wrdreg $0x0  }
0xa8: {  	s4 =	sshll.u32 s28, $0x1;
	[dreg:$0x2] =	wrdreg s2  }
0xa9: {  	[dreg:$0x3] =	wrdreg s4  }
0xaa: {  	[dreg:$0x4] =	wrdreg $0xC0  }
0xab: {  	_ =	task [dreg:s6], $0x5FFFF  }
0xac: {  	[dreg:$0x1] =	wrdreg $0xFFFFFFFF  }
0xad: {  	[dreg:$0x0] =	wrdreg $0x60  }
0xae: {  	[dreg:$0x2] =	wrdreg s24  }
0xaf: {  	[dreg:$0x3] =	wrdreg $0xA8000  }
0xb0: {  	[dreg:$0x4] =	wrdreg $0x9  }
0xb1: {  	_ =	task.clear_ibuf [dreg:s6], $0x5FFFF;
	_ =	strace $0x90000049  }
0xb2: {  	s29 =	simm.s32 $0x9;
	_ =	strace $0x8000004B  }
0xb3: {  	_ =	swait.ge [sflag:s29], $0x1  }
0xb4: {  	[sflag:s29] =	ssyncadd.s32 $0xFFFFFFFF  }
0xb5: {  	_ =	strace $0x9000004B  }
0xb6: {  	_ =	sfence  }
0xb7: {  	s30 =	sld [smem:$0x0];
	_ =	sdelay $0x2  }
0xb8: {  	s31 =	sshll.u32 s1, $0xD;
	s1 =	sshrl.u32 s1, $0x2  }
0xb9: {  	s3 =	sand.u32 $0x4000, s31;
	s1 =	sadd.s32 s1, s30  }
0xba: {  	s0 =	sor.u32 s3, s0;
	s1 =	sshll.u32 s1, $0x11  }
0xbb: {  	s0 =	sor.u32 s1, s0  }
0xbc: {  	s0 =	sadd.s32 $0x8F2B, s0  }
0xbd: {  	[sflag:s0] =	ssyncadd.remote.s32 $0x1  }
0xbe: {  	_ =	sfence.sel $0xFFFF  }
0xbf: {  	[dreg:$0x0] =	wrdreg $0xFFFFFFFF;
	(pc) =	sbr.abs _section_cstart, $3  }
0xc0: {  	[dreg:$0x1] =	wrdreg $0xFFFFFFFF  }
0xc1: {  	_ =	task.clear_ibuf [dreg:s6], $0x2FFFF;
	_ =	strace $0x9FFFFFFF  }
0xc2: {  	(tm) =	ssettm $0x7FFFFFFF  }
0xc3: {  	_ =	shalt  }
tec
execute0_lowered:
.L_overlay_start_1:
0x0: {  	(tag) =	ssettag $0x1  }
0x1: {  	s5 =	rddreg [dreg:$0x0]  }
0x2: {  	s1 =	rddreg [dreg:$0x1]  }
0x3: {  	s0 =	rddreg [dreg:$0x2];
	s3 =	simm.s32 $0x0;
	s2 =	srdreg.scid  }
0x4: {  	s17 =	simm.s32 $0x3;
	s18 =	simm.s32 $0x1400;
	s19 =	simm.s32 $0x80  }
0x5: {  	s20 =	simm.s32 $0x6800;
	s21 =	simm.s32 $0x1;
	s6 =	sand.u32 $0x1, s2  }
0x6: {  	s22 =	simm.s32 $0x2;
	s2 =	stileid.u32;
	s7 =	smul.u32 $0x13C000, s6  }
0x7: {  	s23 =	simm.s32 $0x2700;
	s24 =	simm.s32 $0x2780;
	s8 =	smul.u32 $0x13C00, s2  }
0x8: {  	[smem:$0x7FF] =	sst s3;
	s4 =	sadd.s32 $0x17600, s5;
	s9 =	smul.u32 $0x4F000, s2  }
0x9: {  	s12 =	sadd.s32 $0x3600, s5;
	s13 =	sadd.s32 $0xD600, s5;
	s29 =	smul.u32 $0x500, s6  }
0xa: {  	_ =	strace $0x8000004A;
	s6 =	ssub.s32 $0x2, s6;
	s10 =	smul.u32 $0x50, s2  }
0xb: {  	s30 =	sshrl.u32 s6, $0x1;
	s7 =	sadd.s32 s8, s7;
	s31 =	sshrl.u32 s9, $0x2  }
0xc: {  	s15 =	ssub.s32 s6, s30;
	s8 =	sadd.s32 s10, s29;
	s7 =	sshrl.u32 s7, $0x3  }
0xd: {  	s11 =	sshll.u32 s8, $0x4;
	s15 =	smax.u32 s15, $0x1;
	s14 =	sadd.s32 s7, s5  }
0xe: {  	s5 =	sadd.s32 s31, s1;
	s16 =	sadd.s32 $0x280, s11;
	s10 =	sadd.s32 s12, s11  }
0xf: {  	s11 =	sadd.s32 s13, s11;
	s6 =	sadd.s32 $0x4000, s5;
	s7 =	sadd.s32 $0x8000, s5  }
0x10: {  	s8 =	sadd.s32 $0xC000, s5;
	s9 =	sadd.s32 $0x10000, s5;
	s12 =	sadd.s32 s12, s16  }
0x11: {  	v0 =	vimm.f32 $0.0e+00;
	s13 =	sadd.s32 s13, s16;
	s14 =	sadd.s32 $0x3E800, s14;
	s16 =	simm.s32 $0x2800  }
.LBB2_1:
0x12: {  	s25 =	simm.s32 $0x0;
	s26 =	simm.s32 $0x200  }
.LBB2_2:
0x13: {  	p0 =	sne.s32 s26, $0xFE00;
	[tilespmem:s25+$0x2870] =	vst v0  }
0x14: {  	[tilespmem:s25+$0x2800] =	vst v0  }
0x15: {  	[tilespmem:s25+$0x2810] =	vst v0  }
.Ltmp0:
0x16: {  	[tilespmem:s25+$0x2820] =	vst v0;
	(pc) =	sbr.rel @p0 .LBB2_2-.Ltmp0, $4  }
0x17: {  	[tilespmem:s25+$0x2830] =	vst v0  }
0x18: {  	[tilespmem:s25+$0x2840] =	vst v0  }
0x19: {  	[tilespmem:s25+$0x2850] =	vst v0  }
0x1a: {  	[tilespmem:s25+$0x2860] =	vst v0;
	s25 =	sshra.s32 s26, $0x2;
	s26 =	sadd.s32 $0x200, s26  }
0x1b: {  	[tilespmem:s25+$0x2870] =	vst v0  }
0x1c: {  	[tilespmem:s25+$0x2800] =	vst v0  }
0x1d: {  	[tilespmem:s25+$0x2810] =	vst v0  }
0x1e: {  	[tilespmem:s25+$0x2820] =	vst v0  }
0x1f: {  	[tilespmem:s25+$0x2830] =	vst v0  }
0x20: {  	[tilespmem:s25+$0x2840] =	vst v0  }
0x21: {  	[tilespmem:s25+$0x2850] =	vst v0  }
0x22: {  	[tilespmem:s25+$0x2860] =	vst v0  }
0x23: {  	[spmem:s5] =	stream.linear.scatter [tilespmem:s16], [sflag:$0x3], $0x4000, $0x38;
	[tilespmem:$0x1E400] =	vst v63  }
0x24: {  	_ =	swait.ge [sflag:s17], $0x4000  }
0x25: {  	[sflag:s17] =	ssyncset.done $0x0  }
0x26: {  	[sflag:s17] =	ssyncadd.s32 $0xFFFFC000  }
0x27: {  	[spmem:s6] =	stream.linear.scatter [tilespmem:s16], [sflag:$0x3], $0x4000, $0x38;
	[tilespmem:$0x1E400] =	vst v63  }
0x28: {  	_ =	swait.ge [sflag:s17], $0x4000  }
0x29: {  	[sflag:s17] =	ssyncset.done $0x0  }
0x2a: {  	[sflag:s17] =	ssyncadd.s32 $0xFFFFC000  }
0x2b: {  	[spmem:s7] =	stream.linear.scatter [tilespmem:s16], [sflag:$0x3], $0x4000, $0x38;
	[tilespmem:$0x1E400] =	vst v63  }
0x2c: {  	_ =	swait.ge [sflag:s17], $0x4000  }
0x2d: {  	[sflag:s17] =	ssyncset.done $0x0  }
0x2e: {  	[sflag:s17] =	ssyncadd.s32 $0xFFFFC000  }
0x2f: {  	[spmem:s8] =	stream.linear.scatter [tilespmem:s16], [sflag:$0x3], $0x4000, $0x38;
	[tilespmem:$0x1E400] =	vst v63  }
0x30: {  	_ =	swait.ge [sflag:s17], $0x4000  }
0x31: {  	[sflag:s17] =	ssyncset.done $0x0  }
0x32: {  	[sflag:s17] =	ssyncadd.s32 $0xFFFFC000  }
0x33: {  	[spmem:s9] =	stream.linear.scatter [tilespmem:s16], [sflag:$0x3], $0x3C00, $0x38;
	[tilespmem:$0x1E400] =	vst v63  }
0x34: {  	_ =	swait.ge [sflag:s17], $0x3C00  }
0x35: {  	[sflag:s17] =	ssyncset.done $0x0  }
0x36: {  	s28 =	simm.s32 $0x0;
	[sflag:s17] =	ssyncadd.s32 $0xFFFFC400  }
0x37: {  	[tilespmem:s28], [sflag:$0x3] =	stream.linear.gather [hbm4b:s10+s28], $0x1400, $0x38;
	[tilespmem:$0x1E400] =	vst v63  }
0x38: {  	_ =	swait.ge [sflag:s17], $0x1400  }
0x39: {  	[sflag:s17] =	ssyncset.done $0x0  }
0x3a: {  	[sflag:s17] =	ssyncadd.s32 $0xFFFFEC00  }
0x3b: {  	[tilespmem:s18], [sflag:$0x3] =	stream.linear.gather [hbm4b:s11+s28], $0x1400, $0x38;
	[tilespmem:$0x1E400] =	vst v63  }
0x3c: {  	_ =	swait.ge [sflag:s17], $0x1400  }
0x3d: {  	[sflag:s17] =	ssyncset.done $0x0  }
0x3e: {  	[sflag:s17] =	ssyncadd.s32 $0xFFFFEC00  }
0x3f: {  	[tilespmem:s16], [sflag:$0x1] =	stream.indirect.gather [hbm4b:s4+s19], $0x80, s28, s19, $0xb8;
	[tilespmem:$0x1E400] =	vst v63  }
0x40: {  	_ = 	snop  }
0x41: {  	[tilespmem:s20], [sflag:$0x2] =	stream.indirect.gather [hbm4b:s4+s19], $0x80, s19, s19, $0xb8;
	[tilespmem:$0x1E400] =	vst v63  }
0x42: {  	[bflag:$0x0] =	sbarrier.arrive $0xFFFF  }
0x43: {  	_ =	swait.ge [sflag:s21], $0x4000  }
0x44: {  	[sflag:s21] =	ssyncset.done $0x0  }
0x45: {  	s29 =	simm.s32 $0x1400;
	[sflag:s21] =	ssyncadd.s32 $0xFFFFC000  }
0x46: {  	[spmem:s1] =	stream.indirect.scatter.add.f32 [tilespmem:s16], [sflag:$0x3], $0x80, s29, s19, $0xb8;
	[tilespmem:$0x1E400] =	vst v63  }
0x47: {  	_ =	swait.ge [sflag:s17], $0x4000  }
0x48: {  	[sflag:s17] =	ssyncset.done $0x0  }
0x49: {  	s30 =	simm.s32 $0x100;
	[sflag:s17] =	ssyncadd.s32 $0xFFFFC000  }
0x4a: {  	[tilespmem:s16], [sflag:$0x1] =	stream.indirect.gather [hbm4b:s4+s19], $0x80, s30, s19, $0xb8;
	[tilespmem:$0x1E400] =	vst v63  }
0x4b: {  	_ =	swait.ge [sflag:s22], $0x4000  }
0x4c: {  	[sflag:s22] =	ssyncset.done $0x0  }
0x4d: {  	s31 =	simm.s32 $0x1480;
	[sflag:s22] =	ssyncadd.s32 $0xFFFFC000  }
0x4e: {  	[spmem:s1] =	stream.indirect.scatter.add.f32 [tilespmem:s20], [sflag:$0x3], $0x80, s31, s19, $0xb8;
	[tilespmem:$0x1E400] =	vst v63  }
0x4f: {  	_ =	swait.ge [sflag:s17], $0x4000  }
0x50: {  	[sflag:s17] =	ssyncset.done $0x0  }
0x51: {  	s25 =	simm.s32 $0x400;
	s26 =	simm.s32 $0x180;
	[sflag:s17] =	ssyncadd.s32 $0xFFFFC000  }
.LBB2_4:
0x52: {  	[tilespmem:s20], [sflag:$0x2] =	stream.indirect.gather [hbm4b:s4+s19], $0x80, s26, s19, $0xb8;
	[tilespmem:$0x1E400] =	vst v63  }
0x53: {  	s26 =	smov.u32 s25  }
0x54: {  	p0 =	sne.s32 s25, $0x4800;
	s25 =	sadd.s32 $0x400, s25;
	_ =	swait.ge [sflag:s21], $0x4000  }
0x55: {  	s26 =	sshra.s32 s26, $0x2;
	[sflag:s21] =	ssyncset.done $0x0  }
0x56: {  	s28 =	sadd.s32 $0x1400, s26;
	[sflag:s21] =	ssyncadd.s32 $0xFFFFC000  }
0x57: {  	[spmem:s1] =	stream.indirect.scatter.add.f32 [tilespmem:s16], [sflag:$0x3], $0x80, s28, s19, $0xb8;
	[tilespmem:$0x1E400] =	vst v63  }
0x58: {  	_ =	swait.ge [sflag:s17], $0x4000  }
0x59: {  	[sflag:s17] =	ssyncset.done $0x0  }
0x5a: {  	s28 =	sadd.s32 $0x100, s26;
	[sflag:s17] =	ssyncadd.s32 $0xFFFFC000  }
0x5b: {  	[tilespmem:s16], [sflag:$0x1] =	stream.indirect.gather [hbm4b:s4+s19], $0x80, s28, s19, $0xb8;
	[tilespmem:$0x1E400] =	vst v63  }
0x5c: {  	_ =	swait.ge [sflag:s22], $0x4000  }
0x5d: {  	[sflag:s22] =	ssyncset.done $0x0  }
.Ltmp1:
0x5e: {  	s28 =	sadd.s32 $0x1480, s26;
	[sflag:s22] =	ssyncadd.s32 $0xFFFFC000;
	(pc) =	sbr.rel @p0 .LBB2_4-.Ltmp1, $4  }
0x5f: {  	[spmem:s1] =	stream.indirect.scatter.add.f32 [tilespmem:s20], [sflag:$0x3], $0x80, s28, s19, $0xb8;
	[tilespmem:$0x1E400] =	vst v63  }
0x60: {  	_ =	swait.ge [sflag:s17], $0x4000  }
0x61: {  	[sflag:s17] =	ssyncset.done $0x0  }
0x62: {  	s26 =	sadd.s32 $0x180, s26;
	[sflag:s17] =	ssyncadd.s32 $0xFFFFC000  }
0x63: {  	[tilespmem:s20], [sflag:$0x2] =	stream.indirect.gather [hbm4b:s4+s19], $0x80, s26, s19, $0xb8;
	[tilespmem:$0x1E400] =	vst v63  }
0x64: {  	_ =	swait.ge [sflag:s21], $0x4000  }
0x65: {  	[sflag:s21] =	ssyncset.done $0x0  }
0x66: {  	[sflag:s21] =	ssyncadd.s32 $0xFFFFC000  }
0x67: {  	[spmem:s1] =	stream.indirect.scatter.add.f32 [tilespmem:s16], [sflag:$0x3], $0x80, s23, s19, $0xb8;
	[tilespmem:$0x1E400] =	vst v63  }
0x68: {  	_ =	swait.ge [sflag:s17], $0x4000  }
0x69: {  	[sflag:s17] =	ssyncset.done $0x0  }
0x6a: {  	[sflag:s17] =	ssyncadd.s32 $0xFFFFC000  }
0x6b: {  	_ =	swait.ge [sflag:s22], $0x4000  }
0x6c: {  	[sflag:s22] =	ssyncset.done $0x0  }
0x6d: {  	[sflag:s22] =	ssyncadd.s32 $0xFFFFC000  }
0x6e: {  	[spmem:s1] =	stream.indirect.scatter.add.f32 [tilespmem:s20], [sflag:$0x3], $0x80, s24, s19, $0xb8;
	[tilespmem:$0x1E400] =	vst v63  }
0x6f: {  	_ =	swait.ge [sflag:s17], $0x4000  }
0x70: {  	[sflag:s17] =	ssyncset.done $0x0  }
0x71: {  	s25 =	simm.s32 $0x0;
	[sflag:s17] =	ssyncadd.s32 $0xFFFFC000  }
0x72: {  	[tilespmem:s25], [sflag:$0x3] =	stream.linear.gather [hbm4b:s12+s25], $0x1400, $0x38;
	[tilespmem:$0x1E400] =	vst v63  }
0x73: {  	_ =	swait.ge [sflag:s17], $0x1400  }
0x74: {  	[sflag:s17] =	ssyncset.done $0x0  }
0x75: {  	[sflag:s17] =	ssyncadd.s32 $0xFFFFEC00  }
0x76: {  	[tilespmem:s18], [sflag:$0x3] =	stream.linear.gather [hbm4b:s13+s25], $0x1400, $0x38;
	[tilespmem:$0x1E400] =	vst v63  }
0x77: {  	_ =	swait.ge [sflag:s17], $0x1400  }
0x78: {  	[sflag:s17] =	ssyncset.done $0x0  }
0x79: {  	[sflag:s17] =	ssyncadd.s32 $0xFFFFEC00  }
0x7a: {  	[tilespmem:s16], [sflag:$0x1] =	stream.indirect.gather [hbm4b:s4+s19], $0x80, s25, s19, $0xb8;
	[tilespmem:$0x1E400] =	vst v63  }
0x7b: {  	_ = 	snop  }
0x7c: {  	[tilespmem:s20], [sflag:$0x2] =	stream.indirect.gather [hbm4b:s4+s19], $0x80, s19, s19, $0xb8;
	[tilespmem:$0x1E400] =	vst v63  }
0x7d: {  	_ =	swait.ge [sflag:s21], $0x4000  }
0x7e: {  	[sflag:s21] =	ssyncset.done $0x0  }
0x7f: {  	s29 =	simm.s32 $0x1400;
	[sflag:s21] =	ssyncadd.s32 $0xFFFFC000  }
0x80: {  	[spmem:s1] =	stream.indirect.scatter.add.f32 [tilespmem:s16], [sflag:$0x3], $0x80, s29, s19, $0xb8;
	[tilespmem:$0x1E400] =	vst v63  }
0x81: {  	_ =	swait.ge [sflag:s17], $0x4000  }
0x82: {  	[sflag:s17] =	ssyncset.done $0x0  }
0x83: {  	s30 =	simm.s32 $0x100;
	[sflag:s17] =	ssyncadd.s32 $0xFFFFC000  }
0x84: {  	[tilespmem:s16], [sflag:$0x1] =	stream.indirect.gather [hbm4b:s4+s19], $0x80, s30, s19, $0xb8;
	[tilespmem:$0x1E400] =	vst v63  }
0x85: {  	_ =	swait.ge [sflag:s22], $0x4000  }
0x86: {  	[sflag:s22] =	ssyncset.done $0x0  }
0x87: {  	s31 =	simm.s32 $0x1480;
	[sflag:s22] =	ssyncadd.s32 $0xFFFFC000  }
0x88: {  	[spmem:s1] =	stream.indirect.scatter.add.f32 [tilespmem:s20], [sflag:$0x3], $0x80, s31, s19, $0xb8;
	[tilespmem:$0x1E400] =	vst v63  }
0x89: {  	_ =	swait.ge [sflag:s17], $0x4000  }
0x8a: {  	[sflag:s17] =	ssyncset.done $0x0  }
0x8b: {  	s26 =	simm.s32 $0x180;
	s25 =	simm.s32 $0x400;
	[sflag:s17] =	ssyncadd.s32 $0xFFFFC000  }
.LBB2_6:
0x8c: {  	[tilespmem:s20], [sflag:$0x2] =	stream.indirect.gather [hbm4b:s4+s19], $0x80, s26, s19, $0xb8;
	[tilespmem:$0x1E400] =	vst v63  }
0x8d: {  	s26 =	smov.u32 s25  }
0x8e: {  	p0 =	sne.s32 s25, $0x4800;
	s25 =	sadd.s32 $0x400, s25;
	_ =	swait.ge [sflag:s21], $0x4000  }
0x8f: {  	s26 =	sshra.s32 s26, $0x2;
	[sflag:s21] =	ssyncset.done $0x0  }
0x90: {  	s28 =	sadd.s32 $0x1400, s26;
	[sflag:s21] =	ssyncadd.s32 $0xFFFFC000  }
0x91: {  	[spmem:s1] =	stream.indirect.scatter.add.f32 [tilespmem:s16], [sflag:$0x3], $0x80, s28, s19, $0xb8;
	[tilespmem:$0x1E400] =	vst v63  }
0x92: {  	_ =	swait.ge [sflag:s17], $0x4000  }
0x93: {  	[sflag:s17] =	ssyncset.done $0x0  }
0x94: {  	s28 =	sadd.s32 $0x100, s26;
	[sflag:s17] =	ssyncadd.s32 $0xFFFFC000  }
0x95: {  	[tilespmem:s16], [sflag:$0x1] =	stream.indirect.gather [hbm4b:s4+s19], $0x80, s28, s19, $0xb8;
	[tilespmem:$0x1E400] =	vst v63  }
0x96: {  	_ =	swait.ge [sflag:s22], $0x4000  }
0x97: {  	[sflag:s22] =	ssyncset.done $0x0  }
.Ltmp2:
0x98: {  	s28 =	sadd.s32 $0x1480, s26;
	[sflag:s22] =	ssyncadd.s32 $0xFFFFC000;
	(pc) =	sbr.rel @p0 .LBB2_6-.Ltmp2, $4  }
0x99: {  	[spmem:s1] =	stream.indirect.scatter.add.f32 [tilespmem:s20], [sflag:$0x3], $0x80, s28, s19, $0xb8;
	[tilespmem:$0x1E400] =	vst v63  }
0x9a: {  	_ =	swait.ge [sflag:s17], $0x4000  }
0x9b: {  	[sflag:s17] =	ssyncset.done $0x0  }
0x9c: {  	s26 =	sadd.s32 $0x180, s26;
	[sflag:s17] =	ssyncadd.s32 $0xFFFFC000  }
0x9d: {  	[tilespmem:s20], [sflag:$0x2] =	stream.indirect.gather [hbm4b:s4+s19], $0x80, s26, s19, $0xb8;
	[tilespmem:$0x1E400] =	vst v63  }
0x9e: {  	_ =	swait.ge [sflag:s21], $0x4000  }
0x9f: {  	[sflag:s21] =	ssyncset.done $0x0  }
0xa0: {  	[sflag:s21] =	ssyncadd.s32 $0xFFFFC000  }
0xa1: {  	[spmem:s1] =	stream.indirect.scatter.add.f32 [tilespmem:s16], [sflag:$0x3], $0x80, s23, s19, $0xb8;
	[tilespmem:$0x1E400] =	vst v63  }
0xa2: {  	_ =	swait.ge [sflag:s17], $0x4000  }
0xa3: {  	[sflag:s17] =	ssyncset.done $0x0  }
0xa4: {  	[sflag:s17] =	ssyncadd.s32 $0xFFFFC000  }
0xa5: {  	_ =	swait.ge [sflag:s22], $0x4000  }
0xa6: {  	[sflag:s22] =	ssyncset.done $0x0  }
0xa7: {  	[sflag:s22] =	ssyncadd.s32 $0xFFFFC000  }
0xa8: {  	[spmem:s1] =	stream.indirect.scatter.add.f32 [tilespmem:s20], [sflag:$0x3], $0x80, s24, s19, $0xb8;
	[tilespmem:$0x1E400] =	vst v63  }
0xa9: {  	_ =	swait.ge [sflag:s17], $0x4000  }
0xaa: {  	s25 =	sshll.u32 s2, $0x6;
	s3 =	sadd.s32 $0x1, s3;
	[sflag:s17] =	ssyncset.done $0x0  }
0xab: {  	s31 =	sshrl.u32 s5, $0x3;
	p0 =	sne.s32 s3, s15;
	[sflag:s17] =	ssyncadd.s32 $0xFFFFC000  }
.Ltmp3:
0xac: {  	s25 =	sor.u32 $0x1C03, s25;
	[bflag:$0x0] =	sbarrier.arrive $0xFFFF;
	(pc) =	sbr.rel @p0 .LBB2_1-.Ltmp3, $4  }
0xad: {  	[hbm:s14], [sflag:s25] =	dma.local [spmem:s31], $0x2780  }
0xae: {  	_ =	swait.ge [sflag:s17], $0x2780  }
0xaf: {  	[sflag:s17] =	ssyncset.done $0x0  }
0xb0: {  	[sflag:s17] =	ssyncadd.s32 $0xFFFFD880  }
0xb1: {  	_ =	sfence.sel $0x180000  }
0xb2: {  	[bflag:$0x0] =	sbarrier.arrive $0xFFFF  }
0xb3: {  	p0 =	sne.s32 s2, $0x0;
	_ =	strace $0x9000004A  }
0xb4: {  	s0 =	sadd.s32 @!p0 $0x100000, s0;
	[bflag:$0x2] =	sbarrier.arrive $0xFFFF  }
0xb5: {  	[sflag:s0] =	ssyncadd.tile.s32 @!p0 $0x1;
	_ =	shalt  }
.Lfunc_end2:
_tile_overlayer_lowered:
.L_overlay_start_2:
0xb6: {  	(tag) =	ssettag $0x2  }
0xb7: {  	s0 =	rddreg [dreg:$0x0];
	s2 =	stileid.u32  }
0xb8: {  	s1 =	rddreg [dreg:$0x1];
	p0 =	sne.s32 s2, $0x0  }
0xb9: {  	s3 =	rddreg [dreg:$0x2];
	[bflag:$0x3] =	sbarrier.arrive $0xFFFF;
	s2 =	simm.s32 @!p0 $0x1C03  }
0xba: {  	[timem:s3], [sflag:s2] =	dma.local @!p0 [hbm:s0], s1  }
0xbb: {  	s0 =	simm.s32 @!p0 $0x3  }
0xbc: {  	_ =	swait.ge @!p0 [sflag:s0], s1  }
0xbd: {  	s1 =	ssub.s32 @!p0 $0x0, s1;
	[sflag:s0] =	ssyncset.done @!p0 $0x0  }
0xbe: {  	[sflag:s0] =	ssyncadd.s32 @!p0 s1  }
0xbf: {  	[bflag:$0x3] =	sbarrier.arrive $0xFFFF  }
0xc0: {  	_ =	shalt  }

</sc_bundles>
